<compile_context>
chip_gen: v7x
topology: tpu7x:2x2x1
jax: 0.10.2.dev20260603
libtpu: 0.0.44.dev20260713+nightly
codegen_flags: <defaults>
</compile_context>

<pallas_src>
import functools

import jax
import jax.numpy as jnp
from jax import lax
from jax.experimental import pallas as pl
from jax.experimental.pallas import tpu as pltpu
from jax.experimental.pallas import tpu_sc as plsc

N = 2097152
NC = 2
NS = 16
NW = NC * NS
CHUNK = N // NW
LANES = 16
HALF = CHUNK // 2
SUB = CHUNK // 4
SS = 256
NG = 4
NREG = CHUNK // SS
REG_H = HALF // SS

_mesh = plsc.VectorSubcoreMesh(core_axis_name="c", subcore_axis_name="s")
_params = pltpu.CompilerParams(needs_layout_passes=False)


def _wid():
    return lax.axis_index("c") * NS + lax.axis_index("s")


@functools.partial(
    pl.kernel,
    out_type=(
        jax.ShapeDtypeStruct((NW * LANES,), jnp.float32),
        jax.ShapeDtypeStruct((NW * NREG,), jnp.float32),
    ),
    mesh=_mesh,
    compiler_params=_params,
    scratch_types=[
        pltpu.VMEM((HALF,), jnp.float32),
        pltpu.VMEM((HALF,), jnp.float32),
        pltpu.VMEM((LANES,), jnp.float32),
        pltpu.VMEM((NREG,), jnp.float32),
        pltpu.SemaphoreType.DMA,
        pltpu.SemaphoreType.DMA,
    ],
)
def _chunk_sums(x_hbm, out_hbm, tot_hbm, buf0, buf1, accv, totv, sem0, sem1):
    wid = _wid()
    base = wid * CHUNK
    bufs = (buf0, buf1)
    sems = (sem0, sem1)
    copies = [
        pltpu.async_copy(x_hbm.at[pl.ds(base + h * HALF, HALF)], bufs[h], sems[h])
        for h in range(2)
    ]

    lane = lax.iota(jnp.int32, LANES)
    mask0 = lane == 0
    acc_glob = jnp.zeros((LANES,), jnp.float32)
    for h in range(2):
        copies[h].wait()
        buf = bufs[h]

        @plsc.parallel_loop(0, REG_H, carry=acc_glob)
        def rbody(j, ag):
            o = j * SS
            a0 = buf[pl.ds(o + 0 * LANES, LANES)]
            a1 = buf[pl.ds(o + 1 * LANES, LANES)]
            a2 = buf[pl.ds(o + 2 * LANES, LANES)]
            a3 = buf[pl.ds(o + 3 * LANES, LANES)]
            for t in range(4, SS // LANES):
                a0, a1, a2, a3 = (
                    a0 + buf[pl.ds(o + t * LANES, LANES)] if t % 4 == 0 else a0,
                    a1 + buf[pl.ds(o + t * LANES, LANES)] if t % 4 == 1 else a1,
                    a2 + buf[pl.ds(o + t * LANES, LANES)] if t % 4 == 2 else a2,
                    a3 + buf[pl.ds(o + t * LANES, LANES)] if t % 4 == 3 else a3,
                )
            ra = (a0 + a1) + (a2 + a3)
            t = jnp.sum(ra)
            plsc.store_scatter(
                totv,
                [jnp.full((LANES,), h * REG_H + j, jnp.int32)],
                jnp.full((LANES,), t),
                mask=mask0,
            )
            return ag + ra

        acc_glob = rbody

    accv[...] = acc_glob
    pltpu.sync_copy(accv, out_hbm.at[pl.ds(wid * LANES, LANES)])
    pltpu.sync_copy(totv, tot_hbm.at[pl.ds(wid * NREG, NREG)])


@functools.partial(
    pl.kernel,
    out_type=jax.ShapeDtypeStruct((N,), jnp.float32),
    mesh=_mesh,
    compiler_params=_params,
    scratch_types=[
        pltpu.VMEM((SUB,), jnp.float32),
        pltpu.VMEM((SUB,), jnp.float32),
        pltpu.VMEM((SUB,), jnp.float32),
        pltpu.VMEM((SUB,), jnp.float32),
        pltpu.VMEM((NW * LANES,), jnp.float32),
        pltpu.VMEM((NREG,), jnp.float32),
        pltpu.SemaphoreType.DMA,
        pltpu.SemaphoreType.DMA,
        pltpu.SemaphoreType.DMA,
        pltpu.SemaphoreType.DMA,
    ],
)
def _scan_chunks(x_hbm, sums_hbm, tots_hbm, out_hbm, in0, in1, out0, out1,
                 sums_v, tot_v, isem0, isem1, osem0, osem1):
    wid = _wid()
    base = wid * CHUNK
    ins = (in0, in1)
    outs = (out0, out1)
    isems = (isem0, isem1)
    osems = (osem0, osem1)

    in_copies = [None] * 4
    out_copies = [None] * 4
    for b in range(2):
        in_copies[b] = pltpu.async_copy(
            x_hbm.at[pl.ds(base + b * SUB, SUB)], ins[b], isems[b])

    pltpu.sync_copy(sums_hbm, sums_v)
    pltpu.sync_copy(tots_hbm.at[pl.ds(wid * NREG, NREG)], tot_v)

    def off_body(w, acc):
        v = sums_v[pl.ds(w * LANES, LANES)]
        keep = (w < wid).astype(jnp.float32)
        return acc + v * keep

    offv = lax.fori_loop(0, NW, off_body, jnp.zeros((LANES,), jnp.float32))
    carry = jnp.sum(offv) - 1.0

    lane = lax.iota(jnp.int32, LANES)

    for b in range(4):
        in_copies[b].wait()
        if b >= 2:
            out_copies[b - 2].wait()
        ibuf = ins[b % 2]
        obuf = outs[b % 2]

        rt = [tot_v[pl.ds(b * NG * LANES + q * LANES, LANES)] for q in range(NG)]
        rs = [plsc.cumsum(r) for r in rt]
        bases = [carry]
        for q in range(1, NG):
            bases.append(bases[q - 1] + rs[q - 1][15])
        runs = tuple((rs[q] - rt[q]) + bases[q] for q in range(NG))
        carry = bases[NG - 1] + rs[NG - 1][15]
        ibase = [(lane + q * LANES) * SS - lane for q in range(NG)]

        def edge(k, rc, m):
            new = []
            for q in range(NG):
                idx = ibase[q] + k
                v = plsc.load_gather(ibuf, [idx], mask=m)
                r2 = rc[q] + jnp.where(m, v, 0.0)
                plsc.store_scatter(obuf, [idx], r2, mask=m)
                new.append(r2)
            return tuple(new)

        runs = lax.fori_loop(
            0, LANES - 1, lambda k, rc: edge(k, rc, lane <= k), runs)

        @plsc.parallel_loop(LANES - 1, SS, carry=runs)
        def mbody(k, rc):
            new = []
            for q in range(NG):
                idx = ibase[q] + k
                v = plsc.load_gather(ibuf, [idx])
                r2 = rc[q] + v
                plsc.store_scatter(obuf, [idx], r2)
                new.append(r2)
            return tuple(new)

        runs = lax.fori_loop(
            SS, SS + LANES - 1, lambda k, rc: edge(k, rc, lane > k - SS), mbody)

        out_copies[b] = pltpu.async_copy(
            obuf, out_hbm.at[pl.ds(base + b * SUB, SUB)], osems[b % 2])
        if b + 2 < 4:
            in_copies[b + 2] = pltpu.async_copy(
                x_hbm.at[pl.ds(base + (b + 2) * SUB, SUB)], ins[b % 2], isems[b % 2])

    out_copies[2].wait()
    out_copies[3].wait()


def kernel(mask_i):
    sums, tots = _chunk_sums(mask_i)
    return _scan_chunks(mask_i, sums, tots)

# --- scband reference (transcript-rebuilt; emitter-appended) ---
"""Pipeline reference for scband-cumsum-op-12292196401234 (READ-ONLY COPY).

The authoritative reference and input builder live on the scoring server;
editing this copy changes nothing except your own understanding.
"""

import jax, jax.numpy as jnp
import numpy as np


def setup_inputs(seed: int = 0) -> dict:
    key = jax.random.key(seed)
    mask_i = jax.random.uniform(key, (2097152,), dtype=jnp.float32)
    return {"mask_i": mask_i}


def reference(mask_i):
    source_idx = jnp.cumsum(mask_i, axis=0) - 1
    return source_idx

if __name__ == "__main__":
    import jax
    _d = setup_inputs()
    print(jax.jit(kernel)(*tuple(_d.values())))

</pallas_src>

<mosaic_0001>
#map = affine_map<(d0, d1) -> (0)>
module attributes {stable_mosaic.version = 14 : i64} {
  func.func @_chunk_sums(%arg0: i32, %arg1: i32, %arg2: memref<2097152xf32, #tpu.memory_space<hbm>>, %arg3: memref<512xf32, #tpu.memory_space<hbm>>, %arg4: memref<8192xf32, #tpu.memory_space<hbm>>, %arg5: memref<32768xf32, #tpu.memory_space<vmem>>, %arg6: memref<32768xf32, #tpu.memory_space<vmem>>, %arg7: memref<16xf32, #tpu.memory_space<vmem>>, %arg8: memref<256xf32, #tpu.memory_space<vmem>>, %arg9: memref<!tpu.dma_semaphore, #tpu.memory_space<semaphore_mem>>, %arg10: memref<!tpu.dma_semaphore, #tpu.memory_space<semaphore_mem>>) attributes {dimension_semantics = [#tpu.dimension_semantics<core_parallel>, #tpu.dimension_semantics<subcore_parallel>], iteration_bounds = array<i64: 2, 16>, scalar_prefetch = 0 : i64, scratch_operands = 6 : i64, tpu.core_type = #tpu.core_type<sc_vector_subcore>, window_params = [{transform_indices = #map}, {transform_indices = #map}, {transform_indices = #map}]} {
    %mul3A = arith.constant 16 : i32
    %mul3A_0 = arith.muli %arg0, %mul3A : i32
    %add3A = arith.addi %mul3A_0, %arg1 : i32
    %mul3A_1 = arith.constant 65536 : i32
    %mul3A_2 = arith.muli %add3A, %mul3A_1 : i32
    %add3A_3 = arith.constant 0 : i32
    %add3A_4 = arith.addi %mul3A_2, %add3A_3 : i32
    %dma_start3A = tpu.memref_slice %arg2[%add3A_4] : memref<2097152xf32, #tpu.memory_space<hbm>> -> memref<32768xf32, #tpu.memory_space<hbm>>
    %dma_start3A_5 = tpu.memref_slice %arg2[%add3A_4] : memref<2097152xf32, #tpu.memory_space<hbm>> -> memref<32768xf32, #tpu.memory_space<hbm>>
    tpu.enqueue_dma source(%dma_start3A_5 : memref<32768xf32, #tpu.memory_space<hbm>>) target(%arg5 : memref<32768xf32, #tpu.memory_space<vmem>>) target_semaphore(%arg9 : memref<!tpu.dma_semaphore, #tpu.memory_space<semaphore_mem>>)
    %add3A_6 = arith.constant 32768 : i32
    %add3A_7 = arith.addi %mul3A_2, %add3A_6 : i32
    %dma_start3A_8 = tpu.memref_slice %arg2[%add3A_7] : memref<2097152xf32, #tpu.memory_space<hbm>> -> memref<32768xf32, #tpu.memory_space<hbm>>
    %dma_start3A_9 = tpu.memref_slice %arg2[%add3A_7] : memref<2097152xf32, #tpu.memory_space<hbm>> -> memref<32768xf32, #tpu.memory_space<hbm>>
    tpu.enqueue_dma source(%dma_start3A_9 : memref<32768xf32, #tpu.memory_space<hbm>>) target(%arg6 : memref<32768xf32, #tpu.memory_space<vmem>>) target_semaphore(%arg10 : memref<!tpu.dma_semaphore, #tpu.memory_space<semaphore_mem>>)
    %iota3A = tpu.iota {dimensions = array<i32: 0>} : vector<16xi32>
    %eq3A = arith.constant 0 : i32
    %eq3A_10 = vector.broadcast %eq3A : i32 to vector<16xi32>
    %eq3A_11 = arith.cmpi eq, %iota3A, %eq3A_10 : vector<16xi32>
    %broadcast_in_dim3A = arith.constant 0.000000e+00 : f32
    %broadcast_in_dim3A_12 = vector.broadcast %broadcast_in_dim3A : f32 to vector<16xf32>
    %dma_wait3A = tpu.memref_slice %arg2[%add3A_4] : memref<2097152xf32, #tpu.memory_space<hbm>> -> memref<32768xf32, #tpu.memory_space<hbm>>
    %dma_wait3A_13 = tpu.memref_slice %arg2[%add3A_4] : memref<2097152xf32, #tpu.memory_space<hbm>> -> memref<32768xf32, #tpu.memory_space<hbm>>
    tpu.wait_dma2 semaphore(%arg9 : memref<!tpu.dma_semaphore, #tpu.memory_space<semaphore_mem>>) src(%dma_wait3A_13 : memref<32768xf32, #tpu.memory_space<hbm>>) dst(%arg5 : memref<32768xf32, #tpu.memory_space<vmem>>)
    %parallel_loop3A = arith.constant 0 : i32
    %parallel_loop3A_14 = arith.constant 128 : i32
    %parallel_loop3A_15 = arith.constant 1 : i32
    %parallel_loop3A_16 = scf.for %parallel_loop3A_28 = %parallel_loop3A to %parallel_loop3A_14 step %parallel_loop3A_15 iter_args(%parallel_loop3A_29 = %broadcast_in_dim3A_12) -> (vector<16xf32>)  : i32 {
      %parallel_loop3A_30 = arith.constant 256 : i32
      %parallel_loop3A_31 = arith.muli %parallel_loop3A_28, %parallel_loop3A_30 : i32
      %parallel_loop3A_32 = arith.constant 0 : i32
      %parallel_loop3A_33 = arith.addi %parallel_loop3A_31, %parallel_loop3A_32 : i32
      %parallel_loop3A_34 = arith.index_cast %parallel_loop3A_33 : i32 to index
      %parallel_loop3A_35 = tpu.vector_load %arg5[%parallel_loop3A_34] {strides = array<i32>} : memref<32768xf32, #tpu.memory_space<vmem>>, vector<16xf32>,
      %parallel_loop3A_36 = arith.constant 16 : i32
      %parallel_loop3A_37 = arith.addi %parallel_loop3A_31, %parallel_loop3A_36 : i32
      %parallel_loop3A_38 = arith.index_cast %parallel_loop3A_37 : i32 to index
      %parallel_loop3A_39 = tpu.vector_load %arg5[%parallel_loop3A_38] {strides = array<i32>} : memref<32768xf32, #tpu.memory_space<vmem>>, vector<16xf32>,
      %parallel_loop3A_40 = arith.constant 32 : i32
      %parallel_loop3A_41 = arith.addi %parallel_loop3A_31, %parallel_loop3A_40 : i32
      %parallel_loop3A_42 = arith.index_cast %parallel_loop3A_41 : i32 to index
      %parallel_loop3A_43 = tpu.vector_load %arg5[%parallel_loop3A_42] {strides = array<i32>} : memref<32768xf32, #tpu.memory_space<vmem>>, vector<16xf32>,
      %parallel_loop3A_44 = arith.constant 48 : i32
      %parallel_loop3A_45 = arith.addi %parallel_loop3A_31, %parallel_loop3A_44 : i32
      %parallel_loop3A_46 = arith.index_cast %parallel_loop3A_45 : i32 to index
      %parallel_loop3A_47 = tpu.vector_load %arg5[%parallel_loop3A_46] {strides = array<i32>} : memref<32768xf32, #tpu.memory_space<vmem>>, vector<16xf32>,
      %parallel_loop3A_48 = arith.constant 64 : i32
      %parallel_loop3A_49 = arith.addi %parallel_loop3A_31, %parallel_loop3A_48 : i32
      %parallel_loop3A_50 = arith.index_cast %parallel_loop3A_49 : i32 to index
      %parallel_loop3A_51 = tpu.vector_load %arg5[%parallel_loop3A_50] {strides = array<i32>} : memref<32768xf32, #tpu.memory_space<vmem>>, vector<16xf32>,
      %parallel_loop3A_52 = arith.addf %parallel_loop3A_35, %parallel_loop3A_51 : vector<16xf32>
      %parallel_loop3A_53 = arith.constant 80 : i32
      %parallel_loop3A_54 = arith.addi %parallel_loop3A_31, %parallel_loop3A_53 : i32
      %parallel_loop3A_55 = arith.index_cast %parallel_loop3A_54 : i32 to index
      %parallel_loop3A_56 = tpu.vector_load %arg5[%parallel_loop3A_55] {strides = array<i32>} : memref<32768xf32, #tpu.memory_space<vmem>>, vector<16xf32>,
      %parallel_loop3A_57 = arith.addf %parallel_loop3A_39, %parallel_loop3A_56 : vector<16xf32>
      %parallel_loop3A_58 = arith.constant 96 : i32
      %parallel_loop3A_59 = arith.addi %parallel_loop3A_31, %parallel_loop3A_58 : i32
      %parallel_loop3A_60 = arith.index_cast %parallel_loop3A_59 : i32 to index
      %parallel_loop3A_61 = tpu.vector_load %arg5[%parallel_loop3A_60] {strides = array<i32>} : memref<32768xf32, #tpu.memory_space<vmem>>, vector<16xf32>,
      %parallel_loop3A_62 = arith.addf %parallel_loop3A_43, %parallel_loop3A_61 : vector<16xf32>
      %parallel_loop3A_63 = arith.constant 112 : i32
      %parallel_loop3A_64 = arith.addi %parallel_loop3A_31, %parallel_loop3A_63 : i32
      %parallel_loop3A_65 = arith.index_cast %parallel_loop3A_64 : i32 to index
      %parallel_loop3A_66 = tpu.vector_load %arg5[%parallel_loop3A_65] {strides = array<i32>} : memref<32768xf32, #tpu.memory_space<vmem>>, vector<16xf32>,
      %parallel_loop3A_67 = arith.addf %parallel_loop3A_47, %parallel_loop3A_66 : vector<16xf32>
      %parallel_loop3A_68 = arith.constant 128 : i32
      %parallel_loop3A_69 = arith.addi %parallel_loop3A_31, %parallel_loop3A_68 : i32
      %parallel_loop3A_70 = arith.index_cast %parallel_loop3A_69 : i32 to index
      %parallel_loop3A_71 = tpu.vector_load %arg5[%parallel_loop3A_70] {strides = array<i32>} : memref<32768xf32, #tpu.memory_space<vmem>>, vector<16xf32>,
      %parallel_loop3A_72 = arith.addf %parallel_loop3A_52, %parallel_loop3A_71 : vector<16xf32>
      %parallel_loop3A_73 = arith.constant 144 : i32
      %parallel_loop3A_74 = arith.addi %parallel_loop3A_31, %parallel_loop3A_73 : i32
      %parallel_loop3A_75 = arith.index_cast %parallel_loop3A_74 : i32 to index
      %parallel_loop3A_76 = tpu.vector_load %arg5[%parallel_loop3A_75] {strides = array<i32>} : memref<32768xf32, #tpu.memory_space<vmem>>, vector<16xf32>,
      %parallel_loop3A_77 = arith.addf %parallel_loop3A_57, %parallel_loop3A_76 : vector<16xf32>
      %parallel_loop3A_78 = arith.constant 160 : i32
      %parallel_loop3A_79 = arith.addi %parallel_loop3A_31, %parallel_loop3A_78 : i32
      %parallel_loop3A_80 = arith.index_cast %parallel_loop3A_79 : i32 to index
      %parallel_loop3A_81 = tpu.vector_load %arg5[%parallel_loop3A_80] {strides = array<i32>} : memref<32768xf32, #tpu.memory_space<vmem>>, vector<16xf32>,
      %parallel_loop3A_82 = arith.addf %parallel_loop3A_62, %parallel_loop3A_81 : vector<16xf32>
      %parallel_loop3A_83 = arith.constant 176 : i32
      %parallel_loop3A_84 = arith.addi %parallel_loop3A_31, %parallel_loop3A_83 : i32
      %parallel_loop3A_85 = arith.index_cast %parallel_loop3A_84 : i32 to index
      %parallel_loop3A_86 = tpu.vector_load %arg5[%parallel_loop3A_85] {strides = array<i32>} : memref<32768xf32, #tpu.memory_space<vmem>>, vector<16xf32>,
      %parallel_loop3A_87 = arith.addf %parallel_loop3A_67, %parallel_loop3A_86 : vector<16xf32>
      %parallel_loop3A_88 = arith.constant 192 : i32
      %parallel_loop3A_89 = arith.addi %parallel_loop3A_31, %parallel_loop3A_88 : i32
      %parallel_loop3A_90 = arith.index_cast %parallel_loop3A_89 : i32 to index
      %parallel_loop3A_91 = tpu.vector_load %arg5[%parallel_loop3A_90] {strides = array<i32>} : memref<32768xf32, #tpu.memory_space<vmem>>, vector<16xf32>,
      %parallel_loop3A_92 = arith.addf %parallel_loop3A_72, %parallel_loop3A_91 : vector<16xf32>
      %parallel_loop3A_93 = arith.constant 208 : i32
      %parallel_loop3A_94 = arith.addi %parallel_loop3A_31, %parallel_loop3A_93 : i32
      %parallel_loop3A_95 = arith.index_cast %parallel_loop3A_94 : i32 to index
      %parallel_loop3A_96 = tpu.vector_load %arg5[%parallel_loop3A_95] {strides = array<i32>} : memref<32768xf32, #tpu.memory_space<vmem>>, vector<16xf32>,
      %parallel_loop3A_97 = arith.addf %parallel_loop3A_77, %parallel_loop3A_96 : vector<16xf32>
      %parallel_loop3A_98 = arith.constant 224 : i32
      %parallel_loop3A_99 = arith.addi %parallel_loop3A_31, %parallel_loop3A_98 : i32
      %parallel_loop3A_100 = arith.index_cast %parallel_loop3A_99 : i32 to index
      %parallel_loop3A_101 = tpu.vector_load %arg5[%parallel_loop3A_100] {strides = array<i32>} : memref<32768xf32, #tpu.memory_space<vmem>>, vector<16xf32>,
      %parallel_loop3A_102 = arith.addf %parallel_loop3A_82, %parallel_loop3A_101 : vector<16xf32>
      %parallel_loop3A_103 = arith.constant 240 : i32
      %parallel_loop3A_104 = arith.addi %parallel_loop3A_31, %parallel_loop3A_103 : i32
      %parallel_loop3A_105 = arith.index_cast %parallel_loop3A_104 : i32 to index
      %parallel_loop3A_106 = tpu.vector_load %arg5[%parallel_loop3A_105] {strides = array<i32>} : memref<32768xf32, #tpu.memory_space<vmem>>, vector<16xf32>,
      %parallel_loop3A_107 = arith.addf %parallel_loop3A_87, %parallel_loop3A_106 : vector<16xf32>
      %parallel_loop3A_108 = arith.addf %parallel_loop3A_92, %parallel_loop3A_97 : vector<16xf32>
      %parallel_loop3A_109 = arith.addf %parallel_loop3A_102, %parallel_loop3A_107 : vector<16xf32>
      %parallel_loop3A_110 = arith.addf %parallel_loop3A_108, %parallel_loop3A_109 : vector<16xf32>
      %parallel_loop3A_111 = arith.constant true
      %parallel_loop3A_112 = vector.broadcast %parallel_loop3A_111 : i1 to vector<16xi1>
      %parallel_loop3A_113 = tpu.scan <sum>, %parallel_loop3A_110 masked %parallel_loop3A_112 : vector<16xf32>, vector<16xi1> -> vector<16xf32>
      %parallel_loop3A_114 = vector.extract %parallel_loop3A_113[15] : f32 from vector<16xf32>
      %parallel_loop3A_115 = arith.constant 0 : i32
      %parallel_loop3A_116 = arith.addi %parallel_loop3A_115, %parallel_loop3A_28 : i32
      %parallel_loop3A_117 = vector.broadcast %parallel_loop3A_116 : i32 to vector<16xi32>
      %parallel_loop3A_118 = vector.broadcast %parallel_loop3A_114 : f32 to vector<16xf32>
      tpu.vector_store_idx %arg8[%parallel_loop3A_117], %parallel_loop3A_118 masked %eq3A_11 : memref<256xf32, #tpu.memory_space<vmem>>[vector<16xi32>], vector<16xf32>, vector<16xi1>
      %parallel_loop3A_119 = arith.addf %parallel_loop3A_29, %parallel_loop3A_110 : vector<16xf32>
      scf.yield %parallel_loop3A_119 : vector<16xf32>
    } {sc.loop_unroll_factor = 1 : i64, sc.parallel_access}
    %dma_wait3A_17 = tpu.memref_slice %arg2[%add3A_7] : memref<2097152xf32, #tpu.memory_space<hbm>> -> memref<32768xf32, #tpu.memory_space<hbm>>
    %dma_wait3A_18 = tpu.memref_slice %arg2[%add3A_7] : memref<2097152xf32, #tpu.memory_space<hbm>> -> memref<32768xf32, #tpu.memory_space<hbm>>
    tpu.wait_dma2 semaphore(%arg10 : memref<!tpu.dma_semaphore, #tpu.memory_space<semaphore_mem>>) src(%dma_wait3A_18 : memref<32768xf32, #tpu.memory_space<hbm>>) dst(%arg6 : memref<32768xf32, #tpu.memory_space<vmem>>)
    %parallel_loop3A_19 = arith.constant 0 : i32
    %parallel_loop3A_20 = arith.constant 128 : i32
    %parallel_loop3A_21 = arith.constant 1 : i32
    %parallel_loop3A_22 = scf.for %parallel_loop3A_28 = %parallel_loop3A_19 to %parallel_loop3A_20 step %parallel_loop3A_21 iter_args(%parallel_loop3A_29 = %parallel_loop3A_16) -> (vector<16xf32>)  : i32 {
      %parallel_loop3A_30 = arith.constant 256 : i32
      %parallel_loop3A_31 = arith.muli %parallel_loop3A_28, %parallel_loop3A_30 : i32
      %parallel_loop3A_32 = arith.constant 0 : i32
      %parallel_loop3A_33 = arith.addi %parallel_loop3A_31, %parallel_loop3A_32 : i32
      %parallel_loop3A_34 = arith.index_cast %parallel_loop3A_33 : i32 to index
      %parallel_loop3A_35 = tpu.vector_load %arg6[%parallel_loop3A_34] {strides = array<i32>} : memref<32768xf32, #tpu.memory_space<vmem>>, vector<16xf32>,
      %parallel_loop3A_36 = arith.constant 16 : i32
      %parallel_loop3A_37 = arith.addi %parallel_loop3A_31, %parallel_loop3A_36 : i32
      %parallel_loop3A_38 = arith.index_cast %parallel_loop3A_37 : i32 to index
      %parallel_loop3A_39 = tpu.vector_load %arg6[%parallel_loop3A_38] {strides = array<i32>} : memref<32768xf32, #tpu.memory_space<vmem>>, vector<16xf32>,
      %parallel_loop3A_40 = arith.constant 32 : i32
      %parallel_loop3A_41 = arith.addi %parallel_loop3A_31, %parallel_loop3A_40 : i32
      %parallel_loop3A_42 = arith.index_cast %parallel_loop3A_41 : i32 to index
      %parallel_loop3A_43 = tpu.vector_load %arg6[%parallel_loop3A_42] {strides = array<i32>} : memref<32768xf32, #tpu.memory_space<vmem>>, vector<16xf32>,
      %parallel_loop3A_44 = arith.constant 48 : i32
      %parallel_loop3A_45 = arith.addi %parallel_loop3A_31, %parallel_loop3A_44 : i32
      %parallel_loop3A_46 = arith.index_cast %parallel_loop3A_45 : i32 to index
      %parallel_loop3A_47 = tpu.vector_load %arg6[%parallel_loop3A_46] {strides = array<i32>} : memref<32768xf32, #tpu.memory_space<vmem>>, vector<16xf32>,
      %parallel_loop3A_48 = arith.constant 64 : i32
      %parallel_loop3A_49 = arith.addi %parallel_loop3A_31, %parallel_loop3A_48 : i32
      %parallel_loop3A_50 = arith.index_cast %parallel_loop3A_49 : i32 to index
      %parallel_loop3A_51 = tpu.vector_load %arg6[%parallel_loop3A_50] {strides = array<i32>} : memref<32768xf32, #tpu.memory_space<vmem>>, vector<16xf32>,
      %parallel_loop3A_52 = arith.addf %parallel_loop3A_35, %parallel_loop3A_51 : vector<16xf32>
      %parallel_loop3A_53 = arith.constant 80 : i32
      %parallel_loop3A_54 = arith.addi %parallel_loop3A_31, %parallel_loop3A_53 : i32
      %parallel_loop3A_55 = arith.index_cast %parallel_loop3A_54 : i32 to index
      %parallel_loop3A_56 = tpu.vector_load %arg6[%parallel_loop3A_55] {strides = array<i32>} : memref<32768xf32, #tpu.memory_space<vmem>>, vector<16xf32>,
      %parallel_loop3A_57 = arith.addf %parallel_loop3A_39, %parallel_loop3A_56 : vector<16xf32>
      %parallel_loop3A_58 = arith.constant 96 : i32
      %parallel_loop3A_59 = arith.addi %parallel_loop3A_31, %parallel_loop3A_58 : i32
      %parallel_loop3A_60 = arith.index_cast %parallel_loop3A_59 : i32 to index
      %parallel_loop3A_61 = tpu.vector_load %arg6[%parallel_loop3A_60] {strides = array<i32>} : memref<32768xf32, #tpu.memory_space<vmem>>, vector<16xf32>,
      %parallel_loop3A_62 = arith.addf %parallel_loop3A_43, %parallel_loop3A_61 : vector<16xf32>
      %parallel_loop3A_63 = arith.constant 112 : i32
      %parallel_loop3A_64 = arith.addi %parallel_loop3A_31, %parallel_loop3A_63 : i32
      %parallel_loop3A_65 = arith.index_cast %parallel_loop3A_64 : i32 to index
      %parallel_loop3A_66 = tpu.vector_load %arg6[%parallel_loop3A_65] {strides = array<i32>} : memref<32768xf32, #tpu.memory_space<vmem>>, vector<16xf32>,
      %parallel_loop3A_67 = arith.addf %parallel_loop3A_47, %parallel_loop3A_66 : vector<16xf32>
      %parallel_loop3A_68 = arith.constant 128 : i32
      %parallel_loop3A_69 = arith.addi %parallel_loop3A_31, %parallel_loop3A_68 : i32
      %parallel_loop3A_70 = arith.index_cast %parallel_loop3A_69 : i32 to index
      %parallel_loop3A_71 = tpu.vector_load %arg6[%parallel_loop3A_70] {strides = array<i32>} : memref<32768xf32, #tpu.memory_space<vmem>>, vector<16xf32>,
      %parallel_loop3A_72 = arith.addf %parallel_loop3A_52, %parallel_loop3A_71 : vector<16xf32>
      %parallel_loop3A_73 = arith.constant 144 : i32
      %parallel_loop3A_74 = arith.addi %parallel_loop3A_31, %parallel_loop3A_73 : i32
      %parallel_loop3A_75 = arith.index_cast %parallel_loop3A_74 : i32 to index
      %parallel_loop3A_76 = tpu.vector_load %arg6[%parallel_loop3A_75] {strides = array<i32>} : memref<32768xf32, #tpu.memory_space<vmem>>, vector<16xf32>,
      %parallel_loop3A_77 = arith.addf %parallel_loop3A_57, %parallel_loop3A_76 : vector<16xf32>
      %parallel_loop3A_78 = arith.constant 160 : i32
      %parallel_loop3A_79 = arith.addi %parallel_loop3A_31, %parallel_loop3A_78 : i32
      %parallel_loop3A_80 = arith.index_cast %parallel_loop3A_79 : i32 to index
      %parallel_loop3A_81 = tpu.vector_load %arg6[%parallel_loop3A_80] {strides = array<i32>} : memref<32768xf32, #tpu.memory_space<vmem>>, vector<16xf32>,
      %parallel_loop3A_82 = arith.addf %parallel_loop3A_62, %parallel_loop3A_81 : vector<16xf32>
      %parallel_loop3A_83 = arith.constant 176 : i32
      %parallel_loop3A_84 = arith.addi %parallel_loop3A_31, %parallel_loop3A_83 : i32
      %parallel_loop3A_85 = arith.index_cast %parallel_loop3A_84 : i32 to index
      %parallel_loop3A_86 = tpu.vector_load %arg6[%parallel_loop3A_85] {strides = array<i32>} : memref<32768xf32, #tpu.memory_space<vmem>>, vector<16xf32>,
      %parallel_loop3A_87 = arith.addf %parallel_loop3A_67, %parallel_loop3A_86 : vector<16xf32>
      %parallel_loop3A_88 = arith.constant 192 : i32
      %parallel_loop3A_89 = arith.addi %parallel_loop3A_31, %parallel_loop3A_88 : i32
      %parallel_loop3A_90 = arith.index_cast %parallel_loop3A_89 : i32 to index
      %parallel_loop3A_91 = tpu.vector_load %arg6[%parallel_loop3A_90] {strides = array<i32>} : memref<32768xf32, #tpu.memory_space<vmem>>, vector<16xf32>,
      %parallel_loop3A_92 = arith.addf %parallel_loop3A_72, %parallel_loop3A_91 : vector<16xf32>
      %parallel_loop3A_93 = arith.constant 208 : i32
      %parallel_loop3A_94 = arith.addi %parallel_loop3A_31, %parallel_loop3A_93 : i32
      %parallel_loop3A_95 = arith.index_cast %parallel_loop3A_94 : i32 to index
      %parallel_loop3A_96 = tpu.vector_load %arg6[%parallel_loop3A_95] {strides = array<i32>} : memref<32768xf32, #tpu.memory_space<vmem>>, vector<16xf32>,
      %parallel_loop3A_97 = arith.addf %parallel_loop3A_77, %parallel_loop3A_96 : vector<16xf32>
      %parallel_loop3A_98 = arith.constant 224 : i32
      %parallel_loop3A_99 = arith.addi %parallel_loop3A_31, %parallel_loop3A_98 : i32
      %parallel_loop3A_100 = arith.index_cast %parallel_loop3A_99 : i32 to index
      %parallel_loop3A_101 = tpu.vector_load %arg6[%parallel_loop3A_100] {strides = array<i32>} : memref<32768xf32, #tpu.memory_space<vmem>>, vector<16xf32>,
      %parallel_loop3A_102 = arith.addf %parallel_loop3A_82, %parallel_loop3A_101 : vector<16xf32>
      %parallel_loop3A_103 = arith.constant 240 : i32
      %parallel_loop3A_104 = arith.addi %parallel_loop3A_31, %parallel_loop3A_103 : i32
      %parallel_loop3A_105 = arith.index_cast %parallel_loop3A_104 : i32 to index
      %parallel_loop3A_106 = tpu.vector_load %arg6[%parallel_loop3A_105] {strides = array<i32>} : memref<32768xf32, #tpu.memory_space<vmem>>, vector<16xf32>,
      %parallel_loop3A_107 = arith.addf %parallel_loop3A_87, %parallel_loop3A_106 : vector<16xf32>
      %parallel_loop3A_108 = arith.addf %parallel_loop3A_92, %parallel_loop3A_97 : vector<16xf32>
      %parallel_loop3A_109 = arith.addf %parallel_loop3A_102, %parallel_loop3A_107 : vector<16xf32>
      %parallel_loop3A_110 = arith.addf %parallel_loop3A_108, %parallel_loop3A_109 : vector<16xf32>
      %parallel_loop3A_111 = arith.constant true
      %parallel_loop3A_112 = vector.broadcast %parallel_loop3A_111 : i1 to vector<16xi1>
      %parallel_loop3A_113 = tpu.scan <sum>, %parallel_loop3A_110 masked %parallel_loop3A_112 : vector<16xf32>, vector<16xi1> -> vector<16xf32>
      %parallel_loop3A_114 = vector.extract %parallel_loop3A_113[15] : f32 from vector<16xf32>
      %parallel_loop3A_115 = arith.constant 128 : i32
      %parallel_loop3A_116 = arith.addi %parallel_loop3A_115, %parallel_loop3A_28 : i32
      %parallel_loop3A_117 = vector.broadcast %parallel_loop3A_116 : i32 to vector<16xi32>
      %parallel_loop3A_118 = vector.broadcast %parallel_loop3A_114 : f32 to vector<16xf32>
      tpu.vector_store_idx %arg8[%parallel_loop3A_117], %parallel_loop3A_118 masked %eq3A_11 : memref<256xf32, #tpu.memory_space<vmem>>[vector<16xi32>], vector<16xf32>, vector<16xi1>
      %parallel_loop3A_119 = arith.addf %parallel_loop3A_29, %parallel_loop3A_110 : vector<16xf32>
      scf.yield %parallel_loop3A_119 : vector<16xf32>
    } {sc.loop_unroll_factor = 1 : i64, sc.parallel_access}
    %swap3A = arith.constant 0 : index
    %swap3A_23 = tpu.vector_load %arg7[%swap3A] {strides = array<i32>} : memref<16xf32, #tpu.memory_space<vmem>>, vector<16xf32>,
    tpu.vector_store %arg7[%swap3A], %parallel_loop3A_22 {strides = array<i32>} : memref<16xf32, #tpu.memory_space<vmem>>, vector<16xf32>,
    %mul3A_24 = arith.constant 16 : i32
    %mul3A_25 = arith.muli %add3A, %mul3A_24 : i32
    "tpu.region"() ({
      %run_scoped3A = tpu.sem_alloc : memref<!tpu.dma_semaphore, #tpu.memory_space<semaphore_mem>>
      %dma_start3A_28 = tpu.memref_slice %arg3[%mul3A_25] : memref<512xf32, #tpu.memory_space<hbm>> -> memref<16xf32, #tpu.memory_space<hbm>>
      %dma_start3A_29 = tpu.memref_slice %arg3[%mul3A_25] : memref<512xf32, #tpu.memory_space<hbm>> -> memref<16xf32, #tpu.memory_space<hbm>>
      tpu.enqueue_dma source(%arg7 : memref<16xf32, #tpu.memory_space<vmem>>) target(%dma_start3A_29 : memref<16xf32, #tpu.memory_space<hbm>>) target_semaphore(%run_scoped3A : memref<!tpu.dma_semaphore, #tpu.memory_space<semaphore_mem>>)
      %dma_wait3A_30 = tpu.memref_slice %arg3[%mul3A_25] : memref<512xf32, #tpu.memory_space<hbm>> -> memref<16xf32, #tpu.memory_space<hbm>>
      %dma_wait3A_31 = tpu.memref_slice %arg3[%mul3A_25] : memref<512xf32, #tpu.memory_space<hbm>> -> memref<16xf32, #tpu.memory_space<hbm>>
      tpu.wait_dma2 semaphore(%run_scoped3A : memref<!tpu.dma_semaphore, #tpu.memory_space<semaphore_mem>>) src(%arg7 : memref<16xf32, #tpu.memory_space<vmem>>) dst(%dma_wait3A_31 : memref<16xf32, #tpu.memory_space<hbm>>)
      tpu.yield
    }) : () -> ()
    %mul3A_26 = arith.constant 256 : i32
    %mul3A_27 = arith.muli %add3A, %mul3A_26 : i32
    "tpu.region"() ({
      %run_scoped3A = tpu.sem_alloc : memref<!tpu.dma_semaphore, #tpu.memory_space<semaphore_mem>>
      %dma_start3A_28 = tpu.memref_slice %arg4[%mul3A_27] : memref<8192xf32, #tpu.memory_space<hbm>> -> memref<256xf32, #tpu.memory_space<hbm>>
      %dma_start3A_29 = tpu.memref_slice %arg4[%mul3A_27] : memref<8192xf32, #tpu.memory_space<hbm>> -> memref<256xf32, #tpu.memory_space<hbm>>
      tpu.enqueue_dma source(%arg8 : memref<256xf32, #tpu.memory_space<vmem>>) target(%dma_start3A_29 : memref<256xf32, #tpu.memory_space<hbm>>) target_semaphore(%run_scoped3A : memref<!tpu.dma_semaphore, #tpu.memory_space<semaphore_mem>>)
      %dma_wait3A_30 = tpu.memref_slice %arg4[%mul3A_27] : memref<8192xf32, #tpu.memory_space<hbm>> -> memref<256xf32, #tpu.memory_space<hbm>>
      %dma_wait3A_31 = tpu.memref_slice %arg4[%mul3A_27] : memref<8192xf32, #tpu.memory_space<hbm>> -> memref<256xf32, #tpu.memory_space<hbm>>
      tpu.wait_dma2 semaphore(%run_scoped3A : memref<!tpu.dma_semaphore, #tpu.memory_space<semaphore_mem>>) src(%arg8 : memref<256xf32, #tpu.memory_space<vmem>>) dst(%dma_wait3A_31 : memref<256xf32, #tpu.memory_space<hbm>>)
      tpu.yield
    }) : () -> ()
    return
  }
}

#map = affine_map<(d0, d1) -> (0)>
module attributes {stable_mosaic.version = 14 : i64} {
  func.func @_scan_chunks(%arg0: i32, %arg1: i32, %arg2: memref<2097152xf32, #tpu.memory_space<hbm>>, %arg3: memref<512xf32, #tpu.memory_space<hbm>>, %arg4: memref<8192xf32, #tpu.memory_space<hbm>>, %arg5: memref<2097152xf32, #tpu.memory_space<hbm>>, %arg6: memref<16384xf32, #tpu.memory_space<vmem>>, %arg7: memref<16384xf32, #tpu.memory_space<vmem>>, %arg8: memref<16384xf32, #tpu.memory_space<vmem>>, %arg9: memref<16384xf32, #tpu.memory_space<vmem>>, %arg10: memref<512xf32, #tpu.memory_space<vmem>>, %arg11: memref<256xf32, #tpu.memory_space<vmem>>, %arg12: memref<!tpu.dma_semaphore, #tpu.memory_space<semaphore_mem>>, %arg13: memref<!tpu.dma_semaphore, #tpu.memory_space<semaphore_mem>>, %arg14: memref<!tpu.dma_semaphore, #tpu.memory_space<semaphore_mem>>, %arg15: memref<!tpu.dma_semaphore, #tpu.memory_space<semaphore_mem>>) attributes {dimension_semantics = [#tpu.dimension_semantics<core_parallel>, #tpu.dimension_semantics<subcore_parallel>], iteration_bounds = array<i64: 2, 16>, scalar_prefetch = 0 : i64, scratch_operands = 10 : i64, tpu.core_type = #tpu.core_type<sc_vector_subcore>, window_params = [{transform_indices = #map}, {transform_indices = #map}, {transform_indices = #map}, {transform_indices = #map}]} {
    %mul3A = arith.constant 16 : i32
    %mul3A_0 = arith.muli %arg0, %mul3A : i32
    %add3A = arith.addi %mul3A_0, %arg1 : i32
    %mul3A_1 = arith.constant 65536 : i32
    %mul3A_2 = arith.muli %add3A, %mul3A_1 : i32
    %add3A_3 = arith.constant 0 : i32
    %add3A_4 = arith.addi %mul3A_2, %add3A_3 : i32
    %dma_start3A = tpu.memref_slice %arg2[%add3A_4] : memref<2097152xf32, #tpu.memory_space<hbm>> -> memref<16384xf32, #tpu.memory_space<hbm>>
    %dma_start3A_5 = tpu.memref_slice %arg2[%add3A_4] : memref<2097152xf32, #tpu.memory_space<hbm>> -> memref<16384xf32, #tpu.memory_space<hbm>>
    tpu.enqueue_dma source(%dma_start3A_5 : memref<16384xf32, #tpu.memory_space<hbm>>) target(%arg6 : memref<16384xf32, #tpu.memory_space<vmem>>) target_semaphore(%arg12 : memref<!tpu.dma_semaphore, #tpu.memory_space<semaphore_mem>>)
    %add3A_6 = arith.constant 16384 : i32
    %add3A_7 = arith.addi %mul3A_2, %add3A_6 : i32
    %dma_start3A_8 = tpu.memref_slice %arg2[%add3A_7] : memref<2097152xf32, #tpu.memory_space<hbm>> -> memref<16384xf32, #tpu.memory_space<hbm>>
    %dma_start3A_9 = tpu.memref_slice %arg2[%add3A_7] : memref<2097152xf32, #tpu.memory_space<hbm>> -> memref<16384xf32, #tpu.memory_space<hbm>>
    tpu.enqueue_dma source(%dma_start3A_9 : memref<16384xf32, #tpu.memory_space<hbm>>) target(%arg7 : memref<16384xf32, #tpu.memory_space<vmem>>) target_semaphore(%arg13 : memref<!tpu.dma_semaphore, #tpu.memory_space<semaphore_mem>>)
    "tpu.region"() ({
      %run_scoped3A = tpu.sem_alloc : memref<!tpu.dma_semaphore, #tpu.memory_space<semaphore_mem>>
      tpu.enqueue_dma source(%arg3 : memref<512xf32, #tpu.memory_space<hbm>>) target(%arg10 : memref<512xf32, #tpu.memory_space<vmem>>) target_semaphore(%run_scoped3A : memref<!tpu.dma_semaphore, #tpu.memory_space<semaphore_mem>>)
      tpu.wait_dma2 semaphore(%run_scoped3A : memref<!tpu.dma_semaphore, #tpu.memory_space<semaphore_mem>>) src(%arg3 : memref<512xf32, #tpu.memory_space<hbm>>) dst(%arg10 : memref<512xf32, #tpu.memory_space<vmem>>)
      tpu.yield
    }) : () -> ()
    %mul3A_10 = arith.constant 256 : i32
    %mul3A_11 = arith.muli %add3A, %mul3A_10 : i32
    "tpu.region"() ({
      %run_scoped3A = tpu.sem_alloc : memref<!tpu.dma_semaphore, #tpu.memory_space<semaphore_mem>>
      %dma_start3A_408 = tpu.memref_slice %arg4[%mul3A_11] : memref<8192xf32, #tpu.memory_space<hbm>> -> memref<256xf32, #tpu.memory_space<hbm>>
      %dma_start3A_409 = tpu.memref_slice %arg4[%mul3A_11] : memref<8192xf32, #tpu.memory_space<hbm>> -> memref<256xf32, #tpu.memory_space<hbm>>
      tpu.enqueue_dma source(%dma_start3A_409 : memref<256xf32, #tpu.memory_space<hbm>>) target(%arg11 : memref<256xf32, #tpu.memory_space<vmem>>) target_semaphore(%run_scoped3A : memref<!tpu.dma_semaphore, #tpu.memory_space<semaphore_mem>>)
      %dma_wait3A_410 = tpu.memref_slice %arg4[%mul3A_11] : memref<8192xf32, #tpu.memory_space<hbm>> -> memref<256xf32, #tpu.memory_space<hbm>>
      %dma_wait3A_411 = tpu.memref_slice %arg4[%mul3A_11] : memref<8192xf32, #tpu.memory_space<hbm>> -> memref<256xf32, #tpu.memory_space<hbm>>
      tpu.wait_dma2 semaphore(%run_scoped3A : memref<!tpu.dma_semaphore, #tpu.memory_space<semaphore_mem>>) src(%dma_wait3A_411 : memref<256xf32, #tpu.memory_space<hbm>>) dst(%arg11 : memref<256xf32, #tpu.memory_space<vmem>>)
      tpu.yield
    }) : () -> ()
    %broadcast_in_dim3A = arith.constant 0.000000e+00 : f32
    %broadcast_in_dim3A_12 = vector.broadcast %broadcast_in_dim3A : f32 to vector<16xf32>
    %scan3A = arith.constant 0 : i32
    %scan3A_13 = arith.constant 32 : i32
    %scan3A_14 = arith.addi %scan3A, %scan3A_13 : i32
    %scan3A_15 = arith.constant 1 : i32
    %scan3A_16 = scf.for %scan3A_408 = %scan3A to %scan3A_14 step %scan3A_15 iter_args(%scan3A_409 = %broadcast_in_dim3A_12) -> (vector<16xf32>)  : i32 {
      %mul3A_410 = arith.constant 16 : i32
      %mul3A_411 = arith.muli %scan3A_408, %mul3A_410 : i32
      %get3A_412 = arith.index_cast %mul3A_411 : i32 to index
      %get3A_413 = tpu.vector_load %arg10[%get3A_412] {strides = array<i32>} : memref<512xf32, #tpu.memory_space<vmem>>, vector<16xf32>,
      %lt3A = arith.cmpi slt, %scan3A_408, %add3A : i32
      %convert_element_type3A = arith.extui %lt3A : i1 to i32
      %convert_element_type3A_414 = arith.sitofp %convert_element_type3A : i32 to f32
      %mul3A_415 = vector.broadcast %convert_element_type3A_414 : f32 to vector<16xf32>
      %mul3A_416 = arith.mulf %get3A_413, %mul3A_415 : vector<16xf32>
      %add3A_417 = arith.addf %scan3A_409, %mul3A_416 : vector<16xf32>
      scf.yield %add3A_417 : vector<16xf32>
    }
    %scan3A_17 = arith.constant 32 : i32
    %reduce_sum3A = arith.constant true
    %reduce_sum3A_18 = vector.broadcast %reduce_sum3A : i1 to vector<16xi1>
    %reduce_sum3A_19 = tpu.scan <sum>, %scan3A_16 masked %reduce_sum3A_18 : vector<16xf32>, vector<16xi1> -> vector<16xf32>
    %reduce_sum3A_20 = vector.extract %reduce_sum3A_19[15] : f32 from vector<16xf32>
    %sub3A = arith.constant 1.000000e+00 : f32
    %sub3A_21 = arith.subf %reduce_sum3A_20, %sub3A : f32
    %iota3A = tpu.iota {dimensions = array<i32: 0>} : vector<16xi32>
    %dma_wait3A = tpu.memref_slice %arg2[%add3A_4] : memref<2097152xf32, #tpu.memory_space<hbm>> -> memref<16384xf32, #tpu.memory_space<hbm>>
    %dma_wait3A_22 = tpu.memref_slice %arg2[%add3A_4] : memref<2097152xf32, #tpu.memory_space<hbm>> -> memref<16384xf32, #tpu.memory_space<hbm>>
    tpu.wait_dma2 semaphore(%arg12 : memref<!tpu.dma_semaphore, #tpu.memory_space<semaphore_mem>>) src(%dma_wait3A_22 : memref<16384xf32, #tpu.memory_space<hbm>>) dst(%arg6 : memref<16384xf32, #tpu.memory_space<vmem>>)
    %get3A = arith.constant 0 : index
    %get3A_23 = tpu.vector_load %arg11[%get3A] {strides = array<i32>} : memref<256xf32, #tpu.memory_space<vmem>>, vector<16xf32>,
    %get3A_24 = arith.constant 16 : index
    %get3A_25 = tpu.vector_load %arg11[%get3A_24] {strides = array<i32>} : memref<256xf32, #tpu.memory_space<vmem>>, vector<16xf32>,
    %get3A_26 = arith.constant 32 : index
    %get3A_27 = tpu.vector_load %arg11[%get3A_26] {strides = array<i32>} : memref<256xf32, #tpu.memory_space<vmem>>, vector<16xf32>,
    %get3A_28 = arith.constant 48 : index
    %get3A_29 = tpu.vector_load %arg11[%get3A_28] {strides = array<i32>} : memref<256xf32, #tpu.memory_space<vmem>>, vector<16xf32>,
    %broadcast_in_dim3A_30 = arith.constant true
    %broadcast_in_dim3A_31 = vector.broadcast %broadcast_in_dim3A_30 : i1 to vector<16xi1>
    %masked_cumsum3A = tpu.scan <sum>, %get3A_23 masked %broadcast_in_dim3A_31 : vector<16xf32>, vector<16xi1> -> vector<16xf32>
    %broadcast_in_dim3A_32 = arith.constant true
    %broadcast_in_dim3A_33 = vector.broadcast %broadcast_in_dim3A_32 : i1 to vector<16xi1>
    %masked_cumsum3A_34 = tpu.scan <sum>, %get3A_25 masked %broadcast_in_dim3A_33 : vector<16xf32>, vector<16xi1> -> vector<16xf32>
    %broadcast_in_dim3A_35 = arith.constant true
    %broadcast_in_dim3A_36 = vector.broadcast %broadcast_in_dim3A_35 : i1 to vector<16xi1>
    %masked_cumsum3A_37 = tpu.scan <sum>, %get3A_27 masked %broadcast_in_dim3A_36 : vector<16xf32>, vector<16xi1> -> vector<16xf32>
    %broadcast_in_dim3A_38 = arith.constant true
    %broadcast_in_dim3A_39 = vector.broadcast %broadcast_in_dim3A_38 : i1 to vector<16xi1>
    %masked_cumsum3A_40 = tpu.scan <sum>, %get3A_29 masked %broadcast_in_dim3A_39 : vector<16xf32>, vector<16xi1> -> vector<16xf32>
    %slice3A = vector.extract_strided_slice %masked_cumsum3A {offsets = [15], sizes = [1], strides = [1]} : vector<16xf32> to vector<1xf32>
    %squeeze3A = vector.extract %slice3A[0] : f32 from vector<1xf32>
    %add3A_41 = arith.addf %sub3A_21, %squeeze3A : f32
    %slice3A_42 = vector.extract_strided_slice %masked_cumsum3A_34 {offsets = [15], sizes = [1], strides = [1]} : vector<16xf32> to vector<1xf32>
    %squeeze3A_43 = vector.extract %slice3A_42[0] : f32 from vector<1xf32>
    %add3A_44 = arith.addf %add3A_41, %squeeze3A_43 : f32
    %slice3A_45 = vector.extract_strided_slice %masked_cumsum3A_37 {offsets = [15], sizes = [1], strides = [1]} : vector<16xf32> to vector<1xf32>
    %squeeze3A_46 = vector.extract %slice3A_45[0] : f32 from vector<1xf32>
    %add3A_47 = arith.addf %add3A_44, %squeeze3A_46 : f32
    %sub3A_48 = arith.subf %masked_cumsum3A, %get3A_23 : vector<16xf32>
    %add3A_49 = vector.broadcast %sub3A_21 : f32 to vector<16xf32>
    %add3A_50 = arith.addf %sub3A_48, %add3A_49 : vector<16xf32>
    %sub3A_51 = arith.subf %masked_cumsum3A_34, %get3A_25 : vector<16xf32>
    %add3A_52 = vector.broadcast %add3A_41 : f32 to vector<16xf32>
    %add3A_53 = arith.addf %sub3A_51, %add3A_52 : vector<16xf32>
    %sub3A_54 = arith.subf %masked_cumsum3A_37, %get3A_27 : vector<16xf32>
    %add3A_55 = vector.broadcast %add3A_44 : f32 to vector<16xf32>
    %add3A_56 = arith.addf %sub3A_54, %add3A_55 : vector<16xf32>
    %sub3A_57 = arith.subf %masked_cumsum3A_40, %get3A_29 : vector<16xf32>
    %add3A_58 = vector.broadcast %add3A_47 : f32 to vector<16xf32>
    %add3A_59 = arith.addf %sub3A_57, %add3A_58 : vector<16xf32>
    %slice3A_60 = vector.extract_strided_slice %masked_cumsum3A_40 {offsets = [15], sizes = [1], strides = [1]} : vector<16xf32> to vector<1xf32>
    %squeeze3A_61 = vector.extract %slice3A_60[0] : f32 from vector<1xf32>
    %add3A_62 = arith.addf %add3A_47, %squeeze3A_61 : f32
    %add3A_63 = arith.constant 0 : i32
    %add3A_64 = vector.broadcast %add3A_63 : i32 to vector<16xi32>
    %add3A_65 = arith.addi %iota3A, %add3A_64 : vector<16xi32>
    %mul3A_66 = arith.constant 256 : i32
    %mul3A_67 = vector.broadcast %mul3A_66 : i32 to vector<16xi32>
    %mul3A_68 = arith.muli %add3A_65, %mul3A_67 : vector<16xi32>
    %sub3A_69 = arith.subi %mul3A_68, %iota3A : vector<16xi32>
    %add3A_70 = arith.constant 16 : i32
    %add3A_71 = vector.broadcast %add3A_70 : i32 to vector<16xi32>
    %add3A_72 = arith.addi %iota3A, %add3A_71 : vector<16xi32>
    %mul3A_73 = arith.constant 256 : i32
    %mul3A_74 = vector.broadcast %mul3A_73 : i32 to vector<16xi32>
    %mul3A_75 = arith.muli %add3A_72, %mul3A_74 : vector<16xi32>
    %sub3A_76 = arith.subi %mul3A_75, %iota3A : vector<16xi32>
    %add3A_77 = arith.constant 32 : i32
    %add3A_78 = vector.broadcast %add3A_77 : i32 to vector<16xi32>
    %add3A_79 = arith.addi %iota3A, %add3A_78 : vector<16xi32>
    %mul3A_80 = arith.constant 256 : i32
    %mul3A_81 = vector.broadcast %mul3A_80 : i32 to vector<16xi32>
    %mul3A_82 = arith.muli %add3A_79, %mul3A_81 : vector<16xi32>
    %sub3A_83 = arith.subi %mul3A_82, %iota3A : vector<16xi32>
    %add3A_84 = arith.constant 48 : i32
    %add3A_85 = vector.broadcast %add3A_84 : i32 to vector<16xi32>
    %add3A_86 = arith.addi %iota3A, %add3A_85 : vector<16xi32>
    %mul3A_87 = arith.constant 256 : i32
    %mul3A_88 = vector.broadcast %mul3A_87 : i32 to vector<16xi32>
    %mul3A_89 = arith.muli %add3A_86, %mul3A_88 : vector<16xi32>
    %sub3A_90 = arith.subi %mul3A_89, %iota3A : vector<16xi32>
    %scan3A_91 = arith.constant 0 : i32
    %scan3A_92 = arith.constant 15 : i32
    %scan3A_93 = arith.addi %scan3A_91, %scan3A_92 : i32
    %scan3A_94 = arith.constant 1 : i32
    %scan3A_95:4 = scf.for %scan3A_408 = %scan3A_91 to %scan3A_93 step %scan3A_94 iter_args(%scan3A_409 = %add3A_50, %scan3A_410 = %add3A_53, %scan3A_411 = %add3A_56, %scan3A_412 = %add3A_59) -> (vector<16xf32>, vector<16xf32>, vector<16xf32>, vector<16xf32>)  : i32 {
      %le3A = vector.broadcast %scan3A_408 : i32 to vector<16xi32>
      %le3A_413 = arith.cmpi sle, %iota3A, %le3A : vector<16xi32>
      %add3A_414 = vector.broadcast %scan3A_408 : i32 to vector<16xi32>
      %add3A_415 = arith.addi %sub3A_69, %add3A_414 : vector<16xi32>
      %gather3A = tpu.vector_load_idx %arg6[%add3A_415] masked %le3A_413 : memref<16384xf32, #tpu.memory_space<vmem>>[vector<16xi32>], vector<16xf32>, vector<16xi1>
      %jit3A = arith.constant 0.000000e+00 : f32
      %broadcast_in_dim3A_416 = vector.broadcast %jit3A : f32 to vector<16xf32>
      %select_n3A = arith.select %le3A_413, %gather3A, %broadcast_in_dim3A_416 : vector<16xi1>, vector<16xf32>
      %add3A_417 = arith.addf %scan3A_409, %select_n3A : vector<16xf32>
      tpu.vector_store_idx %arg8[%add3A_415], %add3A_417 masked %le3A_413 : memref<16384xf32, #tpu.memory_space<vmem>>[vector<16xi32>], vector<16xf32>, vector<16xi1>
      %add3A_418 = vector.broadcast %scan3A_408 : i32 to vector<16xi32>
      %add3A_419 = arith.addi %sub3A_76, %add3A_418 : vector<16xi32>
      %gather3A_420 = tpu.vector_load_idx %arg6[%add3A_419] masked %le3A_413 : memref<16384xf32, #tpu.memory_space<vmem>>[vector<16xi32>], vector<16xf32>, vector<16xi1>
      %jit3A_421 = arith.constant 0.000000e+00 : f32
      %broadcast_in_dim3A_422 = vector.broadcast %jit3A_421 : f32 to vector<16xf32>
      %select_n3A_423 = arith.select %le3A_413, %gather3A_420, %broadcast_in_dim3A_422 : vector<16xi1>, vector<16xf32>
      %add3A_424 = arith.addf %scan3A_410, %select_n3A_423 : vector<16xf32>
      tpu.vector_store_idx %arg8[%add3A_419], %add3A_424 masked %le3A_413 : memref<16384xf32, #tpu.memory_space<vmem>>[vector<16xi32>], vector<16xf32>, vector<16xi1>
      %add3A_425 = vector.broadcast %scan3A_408 : i32 to vector<16xi32>
      %add3A_426 = arith.addi %sub3A_83, %add3A_425 : vector<16xi32>
      %gather3A_427 = tpu.vector_load_idx %arg6[%add3A_426] masked %le3A_413 : memref<16384xf32, #tpu.memory_space<vmem>>[vector<16xi32>], vector<16xf32>, vector<16xi1>
      %jit3A_428 = arith.constant 0.000000e+00 : f32
      %broadcast_in_dim3A_429 = vector.broadcast %jit3A_428 : f32 to vector<16xf32>
      %select_n3A_430 = arith.select %le3A_413, %gather3A_427, %broadcast_in_dim3A_429 : vector<16xi1>, vector<16xf32>
      %add3A_431 = arith.addf %scan3A_411, %select_n3A_430 : vector<16xf32>
      tpu.vector_store_idx %arg8[%add3A_426], %add3A_431 masked %le3A_413 : memref<16384xf32, #tpu.memory_space<vmem>>[vector<16xi32>], vector<16xf32>, vector<16xi1>
      %add3A_432 = vector.broadcast %scan3A_408 : i32 to vector<16xi32>
      %add3A_433 = arith.addi %sub3A_90, %add3A_432 : vector<16xi32>
      %gather3A_434 = tpu.vector_load_idx %arg6[%add3A_433] masked %le3A_413 : memref<16384xf32, #tpu.memory_space<vmem>>[vector<16xi32>], vector<16xf32>, vector<16xi1>
      %jit3A_435 = arith.constant 0.000000e+00 : f32
      %broadcast_in_dim3A_436 = vector.broadcast %jit3A_435 : f32 to vector<16xf32>
      %select_n3A_437 = arith.select %le3A_413, %gather3A_434, %broadcast_in_dim3A_436 : vector<16xi1>, vector<16xf32>
      %add3A_438 = arith.addf %scan3A_412, %select_n3A_437 : vector<16xf32>
      tpu.vector_store_idx %arg8[%add3A_433], %add3A_438 masked %le3A_413 : memref<16384xf32, #tpu.memory_space<vmem>>[vector<16xi32>], vector<16xf32>, vector<16xi1>
      scf.yield %add3A_417, %add3A_424, %add3A_431, %add3A_438 : vector<16xf32>, vector<16xf32>, vector<16xf32>, vector<16xf32>
    }
    %scan3A_96 = arith.constant 15 : i32
    %parallel_loop3A = arith.constant 15 : i32
    %parallel_loop3A_97 = arith.constant 256 : i32
    %parallel_loop3A_98 = arith.constant 1 : i32
    %parallel_loop3A_99:4 = scf.for %parallel_loop3A_408 = %parallel_loop3A to %parallel_loop3A_97 step %parallel_loop3A_98 iter_args(%parallel_loop3A_409 = %scan3A_95#0, %parallel_loop3A_410 = %scan3A_95#1, %parallel_loop3A_411 = %scan3A_95#2, %parallel_loop3A_412 = %scan3A_95#3) -> (vector<16xf32>, vector<16xf32>, vector<16xf32>, vector<16xf32>)  : i32 {
      %parallel_loop3A_413 = vector.broadcast %parallel_loop3A_408 : i32 to vector<16xi32>
      %parallel_loop3A_414 = arith.addi %sub3A_69, %parallel_loop3A_413 : vector<16xi32>
      %parallel_loop3A_415 = tpu.vector_load_idx %arg6[%parallel_loop3A_414] : memref<16384xf32, #tpu.memory_space<vmem>>[vector<16xi32>], vector<16xf32>,
      %parallel_loop3A_416 = arith.addf %parallel_loop3A_409, %parallel_loop3A_415 : vector<16xf32>
      tpu.vector_store_idx %arg8[%parallel_loop3A_414], %parallel_loop3A_416 : memref<16384xf32, #tpu.memory_space<vmem>>[vector<16xi32>], vector<16xf32>,
      %parallel_loop3A_417 = vector.broadcast %parallel_loop3A_408 : i32 to vector<16xi32>
      %parallel_loop3A_418 = arith.addi %sub3A_76, %parallel_loop3A_417 : vector<16xi32>
      %parallel_loop3A_419 = tpu.vector_load_idx %arg6[%parallel_loop3A_418] : memref<16384xf32, #tpu.memory_space<vmem>>[vector<16xi32>], vector<16xf32>,
      %parallel_loop3A_420 = arith.addf %parallel_loop3A_410, %parallel_loop3A_419 : vector<16xf32>
      tpu.vector_store_idx %arg8[%parallel_loop3A_418], %parallel_loop3A_420 : memref<16384xf32, #tpu.memory_space<vmem>>[vector<16xi32>], vector<16xf32>,
      %parallel_loop3A_421 = vector.broadcast %parallel_loop3A_408 : i32 to vector<16xi32>
      %parallel_loop3A_422 = arith.addi %sub3A_83, %parallel_loop3A_421 : vector<16xi32>
      %parallel_loop3A_423 = tpu.vector_load_idx %arg6[%parallel_loop3A_422] : memref<16384xf32, #tpu.memory_space<vmem>>[vector<16xi32>], vector<16xf32>,
      %parallel_loop3A_424 = arith.addf %parallel_loop3A_411, %parallel_loop3A_423 : vector<16xf32>
      tpu.vector_store_idx %arg8[%parallel_loop3A_422], %parallel_loop3A_424 : memref<16384xf32, #tpu.memory_space<vmem>>[vector<16xi32>], vector<16xf32>,
      %parallel_loop3A_425 = vector.broadcast %parallel_loop3A_408 : i32 to vector<16xi32>
      %parallel_loop3A_426 = arith.addi %sub3A_90, %parallel_loop3A_425 : vector<16xi32>
      %parallel_loop3A_427 = tpu.vector_load_idx %arg6[%parallel_loop3A_426] : memref<16384xf32, #tpu.memory_space<vmem>>[vector<16xi32>], vector<16xf32>,
      %parallel_loop3A_428 = arith.addf %parallel_loop3A_412, %parallel_loop3A_427 : vector<16xf32>
      tpu.vector_store_idx %arg8[%parallel_loop3A_426], %parallel_loop3A_428 : memref<16384xf32, #tpu.memory_space<vmem>>[vector<16xi32>], vector<16xf32>,
      scf.yield %parallel_loop3A_416, %parallel_loop3A_420, %parallel_loop3A_424, %parallel_loop3A_428 : vector<16xf32>, vector<16xf32>, vector<16xf32>, vector<16xf32>
    } {sc.loop_unroll_factor = 1 : i64, sc.parallel_access}
    %scan3A_100 = arith.constant 256 : i32
    %scan3A_101 = arith.constant 15 : i32
    %scan3A_102 = arith.addi %scan3A_100, %scan3A_101 : i32
    %scan3A_103 = arith.constant 1 : i32
    %scan3A_104:4 = scf.for %scan3A_408 = %scan3A_100 to %scan3A_102 step %scan3A_103 iter_args(%scan3A_409 = %parallel_loop3A_99#0, %scan3A_410 = %parallel_loop3A_99#1, %scan3A_411 = %parallel_loop3A_99#2, %scan3A_412 = %parallel_loop3A_99#3) -> (vector<16xf32>, vector<16xf32>, vector<16xf32>, vector<16xf32>)  : i32 {
      %sub3A_413 = arith.constant 256 : i32
      %sub3A_414 = arith.subi %scan3A_408, %sub3A_413 : i32
      %gt3A = vector.broadcast %sub3A_414 : i32 to vector<16xi32>
      %gt3A_415 = arith.cmpi sgt, %iota3A, %gt3A : vector<16xi32>
      %add3A_416 = vector.broadcast %scan3A_408 : i32 to vector<16xi32>
      %add3A_417 = arith.addi %sub3A_69, %add3A_416 : vector<16xi32>
      %gather3A = tpu.vector_load_idx %arg6[%add3A_417] masked %gt3A_415 : memref<16384xf32, #tpu.memory_space<vmem>>[vector<16xi32>], vector<16xf32>, vector<16xi1>
      %jit3A = arith.constant 0.000000e+00 : f32
      %broadcast_in_dim3A_418 = vector.broadcast %jit3A : f32 to vector<16xf32>
      %select_n3A = arith.select %gt3A_415, %gather3A, %broadcast_in_dim3A_418 : vector<16xi1>, vector<16xf32>
      %add3A_419 = arith.addf %scan3A_409, %select_n3A : vector<16xf32>
      tpu.vector_store_idx %arg8[%add3A_417], %add3A_419 masked %gt3A_415 : memref<16384xf32, #tpu.memory_space<vmem>>[vector<16xi32>], vector<16xf32>, vector<16xi1>
      %add3A_420 = vector.broadcast %scan3A_408 : i32 to vector<16xi32>
      %add3A_421 = arith.addi %sub3A_76, %add3A_420 : vector<16xi32>
      %gather3A_422 = tpu.vector_load_idx %arg6[%add3A_421] masked %gt3A_415 : memref<16384xf32, #tpu.memory_space<vmem>>[vector<16xi32>], vector<16xf32>, vector<16xi1>
      %jit3A_423 = arith.constant 0.000000e+00 : f32
      %broadcast_in_dim3A_424 = vector.broadcast %jit3A_423 : f32 to vector<16xf32>
      %select_n3A_425 = arith.select %gt3A_415, %gather3A_422, %broadcast_in_dim3A_424 : vector<16xi1>, vector<16xf32>
      %add3A_426 = arith.addf %scan3A_410, %select_n3A_425 : vector<16xf32>
      tpu.vector_store_idx %arg8[%add3A_421], %add3A_426 masked %gt3A_415 : memref<16384xf32, #tpu.memory_space<vmem>>[vector<16xi32>], vector<16xf32>, vector<16xi1>
      %add3A_427 = vector.broadcast %scan3A_408 : i32 to vector<16xi32>
      %add3A_428 = arith.addi %sub3A_83, %add3A_427 : vector<16xi32>
      %gather3A_429 = tpu.vector_load_idx %arg6[%add3A_428] masked %gt3A_415 : memref<16384xf32, #tpu.memory_space<vmem>>[vector<16xi32>], vector<16xf32>, vector<16xi1>
      %jit3A_430 = arith.constant 0.000000e+00 : f32
      %broadcast_in_dim3A_431 = vector.broadcast %jit3A_430 : f32 to vector<16xf32>
      %select_n3A_432 = arith.select %gt3A_415, %gather3A_429, %broadcast_in_dim3A_431 : vector<16xi1>, vector<16xf32>
      %add3A_433 = arith.addf %scan3A_411, %select_n3A_432 : vector<16xf32>
      tpu.vector_store_idx %arg8[%add3A_428], %add3A_433 masked %gt3A_415 : memref<16384xf32, #tpu.memory_space<vmem>>[vector<16xi32>], vector<16xf32>, vector<16xi1>
      %add3A_434 = vector.broadcast %scan3A_408 : i32 to vector<16xi32>
      %add3A_435 = arith.addi %sub3A_90, %add3A_434 : vector<16xi32>
      %gather3A_436 = tpu.vector_load_idx %arg6[%add3A_435] masked %gt3A_415 : memref<16384xf32, #tpu.memory_space<vmem>>[vector<16xi32>], vector<16xf32>, vector<16xi1>
      %jit3A_437 = arith.constant 0.000000e+00 : f32
      %broadcast_in_dim3A_438 = vector.broadcast %jit3A_437 : f32 to vector<16xf32>
      %select_n3A_439 = arith.select %gt3A_415, %gather3A_436, %broadcast_in_dim3A_438 : vector<16xi1>, vector<16xf32>
      %add3A_440 = arith.addf %scan3A_412, %select_n3A_439 : vector<16xf32>
      tpu.vector_store_idx %arg8[%add3A_435], %add3A_440 masked %gt3A_415 : memref<16384xf32, #tpu.memory_space<vmem>>[vector<16xi32>], vector<16xf32>, vector<16xi1>
      scf.yield %add3A_419, %add3A_426, %add3A_433, %add3A_440 : vector<16xf32>, vector<16xf32>, vector<16xf32>, vector<16xf32>
    }
    %scan3A_105 = arith.constant 15 : i32
    %add3A_106 = arith.constant 0 : i32
    %add3A_107 = arith.addi %mul3A_2, %add3A_106 : i32
    %dma_start3A_108 = tpu.memref_slice %arg5[%add3A_107] : memref<2097152xf32, #tpu.memory_space<hbm>> -> memref<16384xf32, #tpu.memory_space<hbm>>
    %dma_start3A_109 = tpu.memref_slice %arg5[%add3A_107] : memref<2097152xf32, #tpu.memory_space<hbm>> -> memref<16384xf32, #tpu.memory_space<hbm>>
    tpu.enqueue_dma source(%arg8 : memref<16384xf32, #tpu.memory_space<vmem>>) target(%dma_start3A_109 : memref<16384xf32, #tpu.memory_space<hbm>>) target_semaphore(%arg14 : memref<!tpu.dma_semaphore, #tpu.memory_space<semaphore_mem>>)
    %add3A_110 = arith.constant 32768 : i32
    %add3A_111 = arith.addi %mul3A_2, %add3A_110 : i32
    %dma_start3A_112 = tpu.memref_slice %arg2[%add3A_111] : memref<2097152xf32, #tpu.memory_space<hbm>> -> memref<16384xf32, #tpu.memory_space<hbm>>
    %dma_start3A_113 = tpu.memref_slice %arg2[%add3A_111] : memref<2097152xf32, #tpu.memory_space<hbm>> -> memref<16384xf32, #tpu.memory_space<hbm>>
    tpu.enqueue_dma source(%dma_start3A_113 : memref<16384xf32, #tpu.memory_space<hbm>>) target(%arg6 : memref<16384xf32, #tpu.memory_space<vmem>>) target_semaphore(%arg12 : memref<!tpu.dma_semaphore, #tpu.memory_space<semaphore_mem>>)
    %dma_wait3A_114 = tpu.memref_slice %arg2[%add3A_7] : memref<2097152xf32, #tpu.memory_space<hbm>> -> memref<16384xf32, #tpu.memory_space<hbm>>
    %dma_wait3A_115 = tpu.memref_slice %arg2[%add3A_7] : memref<2097152xf32, #tpu.memory_space<hbm>> -> memref<16384xf32, #tpu.memory_space<hbm>>
    tpu.wait_dma2 semaphore(%arg13 : memref<!tpu.dma_semaphore, #tpu.memory_space<semaphore_mem>>) src(%dma_wait3A_115 : memref<16384xf32, #tpu.memory_space<hbm>>) dst(%arg7 : memref<16384xf32, #tpu.memory_space<vmem>>)
    %get3A_116 = arith.constant 64 : index
    %get3A_117 = tpu.vector_load %arg11[%get3A_116] {strides = array<i32>} : memref<256xf32, #tpu.memory_space<vmem>>, vector<16xf32>,
    %get3A_118 = arith.constant 80 : index
    %get3A_119 = tpu.vector_load %arg11[%get3A_118] {strides = array<i32>} : memref<256xf32, #tpu.memory_space<vmem>>, vector<16xf32>,
    %get3A_120 = arith.constant 96 : index
    %get3A_121 = tpu.vector_load %arg11[%get3A_120] {strides = array<i32>} : memref<256xf32, #tpu.memory_space<vmem>>, vector<16xf32>,
    %get3A_122 = arith.constant 112 : index
    %get3A_123 = tpu.vector_load %arg11[%get3A_122] {strides = array<i32>} : memref<256xf32, #tpu.memory_space<vmem>>, vector<16xf32>,
    %broadcast_in_dim3A_124 = arith.constant true
    %broadcast_in_dim3A_125 = vector.broadcast %broadcast_in_dim3A_124 : i1 to vector<16xi1>
    %masked_cumsum3A_126 = tpu.scan <sum>, %get3A_117 masked %broadcast_in_dim3A_125 : vector<16xf32>, vector<16xi1> -> vector<16xf32>
    %broadcast_in_dim3A_127 = arith.constant true
    %broadcast_in_dim3A_128 = vector.broadcast %broadcast_in_dim3A_127 : i1 to vector<16xi1>
    %masked_cumsum3A_129 = tpu.scan <sum>, %get3A_119 masked %broadcast_in_dim3A_128 : vector<16xf32>, vector<16xi1> -> vector<16xf32>
    %broadcast_in_dim3A_130 = arith.constant true
    %broadcast_in_dim3A_131 = vector.broadcast %broadcast_in_dim3A_130 : i1 to vector<16xi1>
    %masked_cumsum3A_132 = tpu.scan <sum>, %get3A_121 masked %broadcast_in_dim3A_131 : vector<16xf32>, vector<16xi1> -> vector<16xf32>
    %broadcast_in_dim3A_133 = arith.constant true
    %broadcast_in_dim3A_134 = vector.broadcast %broadcast_in_dim3A_133 : i1 to vector<16xi1>
    %masked_cumsum3A_135 = tpu.scan <sum>, %get3A_123 masked %broadcast_in_dim3A_134 : vector<16xf32>, vector<16xi1> -> vector<16xf32>
    %slice3A_136 = vector.extract_strided_slice %masked_cumsum3A_126 {offsets = [15], sizes = [1], strides = [1]} : vector<16xf32> to vector<1xf32>
    %squeeze3A_137 = vector.extract %slice3A_136[0] : f32 from vector<1xf32>
    %add3A_138 = arith.addf %add3A_62, %squeeze3A_137 : f32
    %slice3A_139 = vector.extract_strided_slice %masked_cumsum3A_129 {offsets = [15], sizes = [1], strides = [1]} : vector<16xf32> to vector<1xf32>
    %squeeze3A_140 = vector.extract %slice3A_139[0] : f32 from vector<1xf32>
    %add3A_141 = arith.addf %add3A_138, %squeeze3A_140 : f32
    %slice3A_142 = vector.extract_strided_slice %masked_cumsum3A_132 {offsets = [15], sizes = [1], strides = [1]} : vector<16xf32> to vector<1xf32>
    %squeeze3A_143 = vector.extract %slice3A_142[0] : f32 from vector<1xf32>
    %add3A_144 = arith.addf %add3A_141, %squeeze3A_143 : f32
    %sub3A_145 = arith.subf %masked_cumsum3A_126, %get3A_117 : vector<16xf32>
    %add3A_146 = vector.broadcast %add3A_62 : f32 to vector<16xf32>
    %add3A_147 = arith.addf %sub3A_145, %add3A_146 : vector<16xf32>
    %sub3A_148 = arith.subf %masked_cumsum3A_129, %get3A_119 : vector<16xf32>
    %add3A_149 = vector.broadcast %add3A_138 : f32 to vector<16xf32>
    %add3A_150 = arith.addf %sub3A_148, %add3A_149 : vector<16xf32>
    %sub3A_151 = arith.subf %masked_cumsum3A_132, %get3A_121 : vector<16xf32>
    %add3A_152 = vector.broadcast %add3A_141 : f32 to vector<16xf32>
    %add3A_153 = arith.addf %sub3A_151, %add3A_152 : vector<16xf32>
    %sub3A_154 = arith.subf %masked_cumsum3A_135, %get3A_123 : vector<16xf32>
    %add3A_155 = vector.broadcast %add3A_144 : f32 to vector<16xf32>
    %add3A_156 = arith.addf %sub3A_154, %add3A_155 : vector<16xf32>
    %slice3A_157 = vector.extract_strided_slice %masked_cumsum3A_135 {offsets = [15], sizes = [1], strides = [1]} : vector<16xf32> to vector<1xf32>
    %squeeze3A_158 = vector.extract %slice3A_157[0] : f32 from vector<1xf32>
    %add3A_159 = arith.addf %add3A_144, %squeeze3A_158 : f32
    %add3A_160 = arith.constant 0 : i32
    %add3A_161 = vector.broadcast %add3A_160 : i32 to vector<16xi32>
    %add3A_162 = arith.addi %iota3A, %add3A_161 : vector<16xi32>
    %mul3A_163 = arith.constant 256 : i32
    %mul3A_164 = vector.broadcast %mul3A_163 : i32 to vector<16xi32>
    %mul3A_165 = arith.muli %add3A_162, %mul3A_164 : vector<16xi32>
    %sub3A_166 = arith.subi %mul3A_165, %iota3A : vector<16xi32>
    %add3A_167 = arith.constant 16 : i32
    %add3A_168 = vector.broadcast %add3A_167 : i32 to vector<16xi32>
    %add3A_169 = arith.addi %iota3A, %add3A_168 : vector<16xi32>
    %mul3A_170 = arith.constant 256 : i32
    %mul3A_171 = vector.broadcast %mul3A_170 : i32 to vector<16xi32>
    %mul3A_172 = arith.muli %add3A_169, %mul3A_171 : vector<16xi32>
    %sub3A_173 = arith.subi %mul3A_172, %iota3A : vector<16xi32>
    %add3A_174 = arith.constant 32 : i32
    %add3A_175 = vector.broadcast %add3A_174 : i32 to vector<16xi32>
    %add3A_176 = arith.addi %iota3A, %add3A_175 : vector<16xi32>
    %mul3A_177 = arith.constant 256 : i32
    %mul3A_178 = vector.broadcast %mul3A_177 : i32 to vector<16xi32>
    %mul3A_179 = arith.muli %add3A_176, %mul3A_178 : vector<16xi32>
    %sub3A_180 = arith.subi %mul3A_179, %iota3A : vector<16xi32>
    %add3A_181 = arith.constant 48 : i32
    %add3A_182 = vector.broadcast %add3A_181 : i32 to vector<16xi32>
    %add3A_183 = arith.addi %iota3A, %add3A_182 : vector<16xi32>
    %mul3A_184 = arith.constant 256 : i32
    %mul3A_185 = vector.broadcast %mul3A_184 : i32 to vector<16xi32>
    %mul3A_186 = arith.muli %add3A_183, %mul3A_185 : vector<16xi32>
    %sub3A_187 = arith.subi %mul3A_186, %iota3A : vector<16xi32>
    %scan3A_188 = arith.constant 0 : i32
    %scan3A_189 = arith.constant 15 : i32
    %scan3A_190 = arith.addi %scan3A_188, %scan3A_189 : i32
    %scan3A_191 = arith.constant 1 : i32
    %scan3A_192:4 = scf.for %scan3A_408 = %scan3A_188 to %scan3A_190 step %scan3A_191 iter_args(%scan3A_409 = %add3A_147, %scan3A_410 = %add3A_150, %scan3A_411 = %add3A_153, %scan3A_412 = %add3A_156) -> (vector<16xf32>, vector<16xf32>, vector<16xf32>, vector<16xf32>)  : i32 {
      %le3A = vector.broadcast %scan3A_408 : i32 to vector<16xi32>
      %le3A_413 = arith.cmpi sle, %iota3A, %le3A : vector<16xi32>
      %add3A_414 = vector.broadcast %scan3A_408 : i32 to vector<16xi32>
      %add3A_415 = arith.addi %sub3A_166, %add3A_414 : vector<16xi32>
      %gather3A = tpu.vector_load_idx %arg7[%add3A_415] masked %le3A_413 : memref<16384xf32, #tpu.memory_space<vmem>>[vector<16xi32>], vector<16xf32>, vector<16xi1>
      %jit3A = arith.constant 0.000000e+00 : f32
      %broadcast_in_dim3A_416 = vector.broadcast %jit3A : f32 to vector<16xf32>
      %select_n3A = arith.select %le3A_413, %gather3A, %broadcast_in_dim3A_416 : vector<16xi1>, vector<16xf32>
      %add3A_417 = arith.addf %scan3A_409, %select_n3A : vector<16xf32>
      tpu.vector_store_idx %arg9[%add3A_415], %add3A_417 masked %le3A_413 : memref<16384xf32, #tpu.memory_space<vmem>>[vector<16xi32>], vector<16xf32>, vector<16xi1>
      %add3A_418 = vector.broadcast %scan3A_408 : i32 to vector<16xi32>
      %add3A_419 = arith.addi %sub3A_173, %add3A_418 : vector<16xi32>
      %gather3A_420 = tpu.vector_load_idx %arg7[%add3A_419] masked %le3A_413 : memref<16384xf32, #tpu.memory_space<vmem>>[vector<16xi32>], vector<16xf32>, vector<16xi1>
      %jit3A_421 = arith.constant 0.000000e+00 : f32
      %broadcast_in_dim3A_422 = vector.broadcast %jit3A_421 : f32 to vector<16xf32>
      %select_n3A_423 = arith.select %le3A_413, %gather3A_420, %broadcast_in_dim3A_422 : vector<16xi1>, vector<16xf32>
      %add3A_424 = arith.addf %scan3A_410, %select_n3A_423 : vector<16xf32>
      tpu.vector_store_idx %arg9[%add3A_419], %add3A_424 masked %le3A_413 : memref<16384xf32, #tpu.memory_space<vmem>>[vector<16xi32>], vector<16xf32>, vector<16xi1>
      %add3A_425 = vector.broadcast %scan3A_408 : i32 to vector<16xi32>
      %add3A_426 = arith.addi %sub3A_180, %add3A_425 : vector<16xi32>
      %gather3A_427 = tpu.vector_load_idx %arg7[%add3A_426] masked %le3A_413 : memref<16384xf32, #tpu.memory_space<vmem>>[vector<16xi32>], vector<16xf32>, vector<16xi1>
      %jit3A_428 = arith.constant 0.000000e+00 : f32
      %broadcast_in_dim3A_429 = vector.broadcast %jit3A_428 : f32 to vector<16xf32>
      %select_n3A_430 = arith.select %le3A_413, %gather3A_427, %broadcast_in_dim3A_429 : vector<16xi1>, vector<16xf32>
      %add3A_431 = arith.addf %scan3A_411, %select_n3A_430 : vector<16xf32>
      tpu.vector_store_idx %arg9[%add3A_426], %add3A_431 masked %le3A_413 : memref<16384xf32, #tpu.memory_space<vmem>>[vector<16xi32>], vector<16xf32>, vector<16xi1>
      %add3A_432 = vector.broadcast %scan3A_408 : i32 to vector<16xi32>
      %add3A_433 = arith.addi %sub3A_187, %add3A_432 : vector<16xi32>
      %gather3A_434 = tpu.vector_load_idx %arg7[%add3A_433] masked %le3A_413 : memref<16384xf32, #tpu.memory_space<vmem>>[vector<16xi32>], vector<16xf32>, vector<16xi1>
      %jit3A_435 = arith.constant 0.000000e+00 : f32
      %broadcast_in_dim3A_436 = vector.broadcast %jit3A_435 : f32 to vector<16xf32>
      %select_n3A_437 = arith.select %le3A_413, %gather3A_434, %broadcast_in_dim3A_436 : vector<16xi1>, vector<16xf32>
      %add3A_438 = arith.addf %scan3A_412, %select_n3A_437 : vector<16xf32>
      tpu.vector_store_idx %arg9[%add3A_433], %add3A_438 masked %le3A_413 : memref<16384xf32, #tpu.memory_space<vmem>>[vector<16xi32>], vector<16xf32>, vector<16xi1>
      scf.yield %add3A_417, %add3A_424, %add3A_431, %add3A_438 : vector<16xf32>, vector<16xf32>, vector<16xf32>, vector<16xf32>
    }
    %scan3A_193 = arith.constant 15 : i32
    %parallel_loop3A_194 = arith.constant 15 : i32
    %parallel_loop3A_195 = arith.constant 256 : i32
    %parallel_loop3A_196 = arith.constant 1 : i32
    %parallel_loop3A_197:4 = scf.for %parallel_loop3A_408 = %parallel_loop3A_194 to %parallel_loop3A_195 step %parallel_loop3A_196 iter_args(%parallel_loop3A_409 = %scan3A_192#0, %parallel_loop3A_410 = %scan3A_192#1, %parallel_loop3A_411 = %scan3A_192#2, %parallel_loop3A_412 = %scan3A_192#3) -> (vector<16xf32>, vector<16xf32>, vector<16xf32>, vector<16xf32>)  : i32 {
      %parallel_loop3A_413 = vector.broadcast %parallel_loop3A_408 : i32 to vector<16xi32>
      %parallel_loop3A_414 = arith.addi %sub3A_166, %parallel_loop3A_413 : vector<16xi32>
      %parallel_loop3A_415 = tpu.vector_load_idx %arg7[%parallel_loop3A_414] : memref<16384xf32, #tpu.memory_space<vmem>>[vector<16xi32>], vector<16xf32>,
      %parallel_loop3A_416 = arith.addf %parallel_loop3A_409, %parallel_loop3A_415 : vector<16xf32>
      tpu.vector_store_idx %arg9[%parallel_loop3A_414], %parallel_loop3A_416 : memref<16384xf32, #tpu.memory_space<vmem>>[vector<16xi32>], vector<16xf32>,
      %parallel_loop3A_417 = vector.broadcast %parallel_loop3A_408 : i32 to vector<16xi32>
      %parallel_loop3A_418 = arith.addi %sub3A_173, %parallel_loop3A_417 : vector<16xi32>
      %parallel_loop3A_419 = tpu.vector_load_idx %arg7[%parallel_loop3A_418] : memref<16384xf32, #tpu.memory_space<vmem>>[vector<16xi32>], vector<16xf32>,
      %parallel_loop3A_420 = arith.addf %parallel_loop3A_410, %parallel_loop3A_419 : vector<16xf32>
      tpu.vector_store_idx %arg9[%parallel_loop3A_418], %parallel_loop3A_420 : memref<16384xf32, #tpu.memory_space<vmem>>[vector<16xi32>], vector<16xf32>,
      %parallel_loop3A_421 = vector.broadcast %parallel_loop3A_408 : i32 to vector<16xi32>
      %parallel_loop3A_422 = arith.addi %sub3A_180, %parallel_loop3A_421 : vector<16xi32>
      %parallel_loop3A_423 = tpu.vector_load_idx %arg7[%parallel_loop3A_422] : memref<16384xf32, #tpu.memory_space<vmem>>[vector<16xi32>], vector<16xf32>,
      %parallel_loop3A_424 = arith.addf %parallel_loop3A_411, %parallel_loop3A_423 : vector<16xf32>
      tpu.vector_store_idx %arg9[%parallel_loop3A_422], %parallel_loop3A_424 : memref<16384xf32, #tpu.memory_space<vmem>>[vector<16xi32>], vector<16xf32>,
      %parallel_loop3A_425 = vector.broadcast %parallel_loop3A_408 : i32 to vector<16xi32>
      %parallel_loop3A_426 = arith.addi %sub3A_187, %parallel_loop3A_425 : vector<16xi32>
      %parallel_loop3A_427 = tpu.vector_load_idx %arg7[%parallel_loop3A_426] : memref<16384xf32, #tpu.memory_space<vmem>>[vector<16xi32>], vector<16xf32>,
      %parallel_loop3A_428 = arith.addf %parallel_loop3A_412, %parallel_loop3A_427 : vector<16xf32>
      tpu.vector_store_idx %arg9[%parallel_loop3A_426], %parallel_loop3A_428 : memref<16384xf32, #tpu.memory_space<vmem>>[vector<16xi32>], vector<16xf32>,
      scf.yield %parallel_loop3A_416, %parallel_loop3A_420, %parallel_loop3A_424, %parallel_loop3A_428 : vector<16xf32>, vector<16xf32>, vector<16xf32>, vector<16xf32>
    } {sc.loop_unroll_factor = 1 : i64, sc.parallel_access}
    %scan3A_198 = arith.constant 256 : i32
    %scan3A_199 = arith.constant 15 : i32
    %scan3A_200 = arith.addi %scan3A_198, %scan3A_199 : i32
    %scan3A_201 = arith.constant 1 : i32
    %scan3A_202:4 = scf.for %scan3A_408 = %scan3A_198 to %scan3A_200 step %scan3A_201 iter_args(%scan3A_409 = %parallel_loop3A_197#0, %scan3A_410 = %parallel_loop3A_197#1, %scan3A_411 = %parallel_loop3A_197#2, %scan3A_412 = %parallel_loop3A_197#3) -> (vector<16xf32>, vector<16xf32>, vector<16xf32>, vector<16xf32>)  : i32 {
      %sub3A_413 = arith.constant 256 : i32
      %sub3A_414 = arith.subi %scan3A_408, %sub3A_413 : i32
      %gt3A = vector.broadcast %sub3A_414 : i32 to vector<16xi32>
      %gt3A_415 = arith.cmpi sgt, %iota3A, %gt3A : vector<16xi32>
      %add3A_416 = vector.broadcast %scan3A_408 : i32 to vector<16xi32>
      %add3A_417 = arith.addi %sub3A_166, %add3A_416 : vector<16xi32>
      %gather3A = tpu.vector_load_idx %arg7[%add3A_417] masked %gt3A_415 : memref<16384xf32, #tpu.memory_space<vmem>>[vector<16xi32>], vector<16xf32>, vector<16xi1>
      %jit3A = arith.constant 0.000000e+00 : f32
      %broadcast_in_dim3A_418 = vector.broadcast %jit3A : f32 to vector<16xf32>
      %select_n3A = arith.select %gt3A_415, %gather3A, %broadcast_in_dim3A_418 : vector<16xi1>, vector<16xf32>
      %add3A_419 = arith.addf %scan3A_409, %select_n3A : vector<16xf32>
      tpu.vector_store_idx %arg9[%add3A_417], %add3A_419 masked %gt3A_415 : memref<16384xf32, #tpu.memory_space<vmem>>[vector<16xi32>], vector<16xf32>, vector<16xi1>
      %add3A_420 = vector.broadcast %scan3A_408 : i32 to vector<16xi32>
      %add3A_421 = arith.addi %sub3A_173, %add3A_420 : vector<16xi32>
      %gather3A_422 = tpu.vector_load_idx %arg7[%add3A_421] masked %gt3A_415 : memref<16384xf32, #tpu.memory_space<vmem>>[vector<16xi32>], vector<16xf32>, vector<16xi1>
      %jit3A_423 = arith.constant 0.000000e+00 : f32
      %broadcast_in_dim3A_424 = vector.broadcast %jit3A_423 : f32 to vector<16xf32>
      %select_n3A_425 = arith.select %gt3A_415, %gather3A_422, %broadcast_in_dim3A_424 : vector<16xi1>, vector<16xf32>
      %add3A_426 = arith.addf %scan3A_410, %select_n3A_425 : vector<16xf32>
      tpu.vector_store_idx %arg9[%add3A_421], %add3A_426 masked %gt3A_415 : memref<16384xf32, #tpu.memory_space<vmem>>[vector<16xi32>], vector<16xf32>, vector<16xi1>
      %add3A_427 = vector.broadcast %scan3A_408 : i32 to vector<16xi32>
      %add3A_428 = arith.addi %sub3A_180, %add3A_427 : vector<16xi32>
      %gather3A_429 = tpu.vector_load_idx %arg7[%add3A_428] masked %gt3A_415 : memref<16384xf32, #tpu.memory_space<vmem>>[vector<16xi32>], vector<16xf32>, vector<16xi1>
      %jit3A_430 = arith.constant 0.000000e+00 : f32
      %broadcast_in_dim3A_431 = vector.broadcast %jit3A_430 : f32 to vector<16xf32>
      %select_n3A_432 = arith.select %gt3A_415, %gather3A_429, %broadcast_in_dim3A_431 : vector<16xi1>, vector<16xf32>
      %add3A_433 = arith.addf %scan3A_411, %select_n3A_432 : vector<16xf32>
      tpu.vector_store_idx %arg9[%add3A_428], %add3A_433 masked %gt3A_415 : memref<16384xf32, #tpu.memory_space<vmem>>[vector<16xi32>], vector<16xf32>, vector<16xi1>
      %add3A_434 = vector.broadcast %scan3A_408 : i32 to vector<16xi32>
      %add3A_435 = arith.addi %sub3A_187, %add3A_434 : vector<16xi32>
      %gather3A_436 = tpu.vector_load_idx %arg7[%add3A_435] masked %gt3A_415 : memref<16384xf32, #tpu.memory_space<vmem>>[vector<16xi32>], vector<16xf32>, vector<16xi1>
      %jit3A_437 = arith.constant 0.000000e+00 : f32
      %broadcast_in_dim3A_438 = vector.broadcast %jit3A_437 : f32 to vector<16xf32>
      %select_n3A_439 = arith.select %gt3A_415, %gather3A_436, %broadcast_in_dim3A_438 : vector<16xi1>, vector<16xf32>
      %add3A_440 = arith.addf %scan3A_412, %select_n3A_439 : vector<16xf32>
      tpu.vector_store_idx %arg9[%add3A_435], %add3A_440 masked %gt3A_415 : memref<16384xf32, #tpu.memory_space<vmem>>[vector<16xi32>], vector<16xf32>, vector<16xi1>
      scf.yield %add3A_419, %add3A_426, %add3A_433, %add3A_440 : vector<16xf32>, vector<16xf32>, vector<16xf32>, vector<16xf32>
    }
    %scan3A_203 = arith.constant 15 : i32
    %add3A_204 = arith.constant 16384 : i32
    %add3A_205 = arith.addi %mul3A_2, %add3A_204 : i32
    %dma_start3A_206 = tpu.memref_slice %arg5[%add3A_205] : memref<2097152xf32, #tpu.memory_space<hbm>> -> memref<16384xf32, #tpu.memory_space<hbm>>
    %dma_start3A_207 = tpu.memref_slice %arg5[%add3A_205] : memref<2097152xf32, #tpu.memory_space<hbm>> -> memref<16384xf32, #tpu.memory_space<hbm>>
    tpu.enqueue_dma source(%arg9 : memref<16384xf32, #tpu.memory_space<vmem>>) target(%dma_start3A_207 : memref<16384xf32, #tpu.memory_space<hbm>>) target_semaphore(%arg15 : memref<!tpu.dma_semaphore, #tpu.memory_space<semaphore_mem>>)
    %add3A_208 = arith.constant 49152 : i32
    %add3A_209 = arith.addi %mul3A_2, %add3A_208 : i32
    %dma_start3A_210 = tpu.memref_slice %arg2[%add3A_209] : memref<2097152xf32, #tpu.memory_space<hbm>> -> memref<16384xf32, #tpu.memory_space<hbm>>
    %dma_start3A_211 = tpu.memref_slice %arg2[%add3A_209] : memref<2097152xf32, #tpu.memory_space<hbm>> -> memref<16384xf32, #tpu.memory_space<hbm>>
    tpu.enqueue_dma source(%dma_start3A_211 : memref<16384xf32, #tpu.memory_space<hbm>>) target(%arg7 : memref<16384xf32, #tpu.memory_space<vmem>>) target_semaphore(%arg13 : memref<!tpu.dma_semaphore, #tpu.memory_space<semaphore_mem>>)
    %dma_wait3A_212 = tpu.memref_slice %arg2[%add3A_111] : memref<2097152xf32, #tpu.memory_space<hbm>> -> memref<16384xf32, #tpu.memory_space<hbm>>
    %dma_wait3A_213 = tpu.memref_slice %arg2[%add3A_111] : memref<2097152xf32, #tpu.memory_space<hbm>> -> memref<16384xf32, #tpu.memory_space<hbm>>
    tpu.wait_dma2 semaphore(%arg12 : memref<!tpu.dma_semaphore, #tpu.memory_space<semaphore_mem>>) src(%dma_wait3A_213 : memref<16384xf32, #tpu.memory_space<hbm>>) dst(%arg6 : memref<16384xf32, #tpu.memory_space<vmem>>)
    %dma_wait3A_214 = tpu.memref_slice %arg5[%add3A_107] : memref<2097152xf32, #tpu.memory_space<hbm>> -> memref<16384xf32, #tpu.memory_space<hbm>>
    %dma_wait3A_215 = tpu.memref_slice %arg5[%add3A_107] : memref<2097152xf32, #tpu.memory_space<hbm>> -> memref<16384xf32, #tpu.memory_space<hbm>>
    tpu.wait_dma2 semaphore(%arg14 : memref<!tpu.dma_semaphore, #tpu.memory_space<semaphore_mem>>) src(%arg8 : memref<16384xf32, #tpu.memory_space<vmem>>) dst(%dma_wait3A_215 : memref<16384xf32, #tpu.memory_space<hbm>>)
    %get3A_216 = arith.constant 128 : index
    %get3A_217 = tpu.vector_load %arg11[%get3A_216] {strides = array<i32>} : memref<256xf32, #tpu.memory_space<vmem>>, vector<16xf32>,
    %get3A_218 = arith.constant 144 : index
    %get3A_219 = tpu.vector_load %arg11[%get3A_218] {strides = array<i32>} : memref<256xf32, #tpu.memory_space<vmem>>, vector<16xf32>,
    %get3A_220 = arith.constant 160 : index
    %get3A_221 = tpu.vector_load %arg11[%get3A_220] {strides = array<i32>} : memref<256xf32, #tpu.memory_space<vmem>>, vector<16xf32>,
    %get3A_222 = arith.constant 176 : index
    %get3A_223 = tpu.vector_load %arg11[%get3A_222] {strides = array<i32>} : memref<256xf32, #tpu.memory_space<vmem>>, vector<16xf32>,
    %broadcast_in_dim3A_224 = arith.constant true
    %broadcast_in_dim3A_225 = vector.broadcast %broadcast_in_dim3A_224 : i1 to vector<16xi1>
    %masked_cumsum3A_226 = tpu.scan <sum>, %get3A_217 masked %broadcast_in_dim3A_225 : vector<16xf32>, vector<16xi1> -> vector<16xf32>
    %broadcast_in_dim3A_227 = arith.constant true
    %broadcast_in_dim3A_228 = vector.broadcast %broadcast_in_dim3A_227 : i1 to vector<16xi1>
    %masked_cumsum3A_229 = tpu.scan <sum>, %get3A_219 masked %broadcast_in_dim3A_228 : vector<16xf32>, vector<16xi1> -> vector<16xf32>
    %broadcast_in_dim3A_230 = arith.constant true
    %broadcast_in_dim3A_231 = vector.broadcast %broadcast_in_dim3A_230 : i1 to vector<16xi1>
    %masked_cumsum3A_232 = tpu.scan <sum>, %get3A_221 masked %broadcast_in_dim3A_231 : vector<16xf32>, vector<16xi1> -> vector<16xf32>
    %broadcast_in_dim3A_233 = arith.constant true
    %broadcast_in_dim3A_234 = vector.broadcast %broadcast_in_dim3A_233 : i1 to vector<16xi1>
    %masked_cumsum3A_235 = tpu.scan <sum>, %get3A_223 masked %broadcast_in_dim3A_234 : vector<16xf32>, vector<16xi1> -> vector<16xf32>
    %slice3A_236 = vector.extract_strided_slice %masked_cumsum3A_226 {offsets = [15], sizes = [1], strides = [1]} : vector<16xf32> to vector<1xf32>
    %squeeze3A_237 = vector.extract %slice3A_236[0] : f32 from vector<1xf32>
    %add3A_238 = arith.addf %add3A_159, %squeeze3A_237 : f32
    %slice3A_239 = vector.extract_strided_slice %masked_cumsum3A_229 {offsets = [15], sizes = [1], strides = [1]} : vector<16xf32> to vector<1xf32>
    %squeeze3A_240 = vector.extract %slice3A_239[0] : f32 from vector<1xf32>
    %add3A_241 = arith.addf %add3A_238, %squeeze3A_240 : f32
    %slice3A_242 = vector.extract_strided_slice %masked_cumsum3A_232 {offsets = [15], sizes = [1], strides = [1]} : vector<16xf32> to vector<1xf32>
    %squeeze3A_243 = vector.extract %slice3A_242[0] : f32 from vector<1xf32>
    %add3A_244 = arith.addf %add3A_241, %squeeze3A_243 : f32
    %sub3A_245 = arith.subf %masked_cumsum3A_226, %get3A_217 : vector<16xf32>
    %add3A_246 = vector.broadcast %add3A_159 : f32 to vector<16xf32>
    %add3A_247 = arith.addf %sub3A_245, %add3A_246 : vector<16xf32>
    %sub3A_248 = arith.subf %masked_cumsum3A_229, %get3A_219 : vector<16xf32>
    %add3A_249 = vector.broadcast %add3A_238 : f32 to vector<16xf32>
    %add3A_250 = arith.addf %sub3A_248, %add3A_249 : vector<16xf32>
    %sub3A_251 = arith.subf %masked_cumsum3A_232, %get3A_221 : vector<16xf32>
    %add3A_252 = vector.broadcast %add3A_241 : f32 to vector<16xf32>
    %add3A_253 = arith.addf %sub3A_251, %add3A_252 : vector<16xf32>
    %sub3A_254 = arith.subf %masked_cumsum3A_235, %get3A_223 : vector<16xf32>
    %add3A_255 = vector.broadcast %add3A_244 : f32 to vector<16xf32>
    %add3A_256 = arith.addf %sub3A_254, %add3A_255 : vector<16xf32>
    %slice3A_257 = vector.extract_strided_slice %masked_cumsum3A_235 {offsets = [15], sizes = [1], strides = [1]} : vector<16xf32> to vector<1xf32>
    %squeeze3A_258 = vector.extract %slice3A_257[0] : f32 from vector<1xf32>
    %add3A_259 = arith.addf %add3A_244, %squeeze3A_258 : f32
    %add3A_260 = arith.constant 0 : i32
    %add3A_261 = vector.broadcast %add3A_260 : i32 to vector<16xi32>
    %add3A_262 = arith.addi %iota3A, %add3A_261 : vector<16xi32>
    %mul3A_263 = arith.constant 256 : i32
    %mul3A_264 = vector.broadcast %mul3A_263 : i32 to vector<16xi32>
    %mul3A_265 = arith.muli %add3A_262, %mul3A_264 : vector<16xi32>
    %sub3A_266 = arith.subi %mul3A_265, %iota3A : vector<16xi32>
    %add3A_267 = arith.constant 16 : i32
    %add3A_268 = vector.broadcast %add3A_267 : i32 to vector<16xi32>
    %add3A_269 = arith.addi %iota3A, %add3A_268 : vector<16xi32>
    %mul3A_270 = arith.constant 256 : i32
    %mul3A_271 = vector.broadcast %mul3A_270 : i32 to vector<16xi32>
    %mul3A_272 = arith.muli %add3A_269, %mul3A_271 : vector<16xi32>
    %sub3A_273 = arith.subi %mul3A_272, %iota3A : vector<16xi32>
    %add3A_274 = arith.constant 32 : i32
    %add3A_275 = vector.broadcast %add3A_274 : i32 to vector<16xi32>
    %add3A_276 = arith.addi %iota3A, %add3A_275 : vector<16xi32>
    %mul3A_277 = arith.constant 256 : i32
    %mul3A_278 = vector.broadcast %mul3A_277 : i32 to vector<16xi32>
    %mul3A_279 = arith.muli %add3A_276, %mul3A_278 : vector<16xi32>
    %sub3A_280 = arith.subi %mul3A_279, %iota3A : vector<16xi32>
    %add3A_281 = arith.constant 48 : i32
    %add3A_282 = vector.broadcast %add3A_281 : i32 to vector<16xi32>
    %add3A_283 = arith.addi %iota3A, %add3A_282 : vector<16xi32>
    %mul3A_284 = arith.constant 256 : i32
    %mul3A_285 = vector.broadcast %mul3A_284 : i32 to vector<16xi32>
    %mul3A_286 = arith.muli %add3A_283, %mul3A_285 : vector<16xi32>
    %sub3A_287 = arith.subi %mul3A_286, %iota3A : vector<16xi32>
    %scan3A_288 = arith.constant 0 : i32
    %scan3A_289 = arith.constant 15 : i32
    %scan3A_290 = arith.addi %scan3A_288, %scan3A_289 : i32
    %scan3A_291 = arith.constant 1 : i32
    %scan3A_292:4 = scf.for %scan3A_408 = %scan3A_288 to %scan3A_290 step %scan3A_291 iter_args(%scan3A_409 = %add3A_247, %scan3A_410 = %add3A_250, %scan3A_411 = %add3A_253, %scan3A_412 = %add3A_256) -> (vector<16xf32>, vector<16xf32>, vector<16xf32>, vector<16xf32>)  : i32 {
      %le3A = vector.broadcast %scan3A_408 : i32 to vector<16xi32>
      %le3A_413 = arith.cmpi sle, %iota3A, %le3A : vector<16xi32>
      %add3A_414 = vector.broadcast %scan3A_408 : i32 to vector<16xi32>
      %add3A_415 = arith.addi %sub3A_266, %add3A_414 : vector<16xi32>
      %gather3A = tpu.vector_load_idx %arg6[%add3A_415] masked %le3A_413 : memref<16384xf32, #tpu.memory_space<vmem>>[vector<16xi32>], vector<16xf32>, vector<16xi1>
      %jit3A = arith.constant 0.000000e+00 : f32
      %broadcast_in_dim3A_416 = vector.broadcast %jit3A : f32 to vector<16xf32>
      %select_n3A = arith.select %le3A_413, %gather3A, %broadcast_in_dim3A_416 : vector<16xi1>, vector<16xf32>
      %add3A_417 = arith.addf %scan3A_409, %select_n3A : vector<16xf32>
      tpu.vector_store_idx %arg8[%add3A_415], %add3A_417 masked %le3A_413 : memref<16384xf32, #tpu.memory_space<vmem>>[vector<16xi32>], vector<16xf32>, vector<16xi1>
      %add3A_418 = vector.broadcast %scan3A_408 : i32 to vector<16xi32>
      %add3A_419 = arith.addi %sub3A_273, %add3A_418 : vector<16xi32>
      %gather3A_420 = tpu.vector_load_idx %arg6[%add3A_419] masked %le3A_413 : memref<16384xf32, #tpu.memory_space<vmem>>[vector<16xi32>], vector<16xf32>, vector<16xi1>
      %jit3A_421 = arith.constant 0.000000e+00 : f32
      %broadcast_in_dim3A_422 = vector.broadcast %jit3A_421 : f32 to vector<16xf32>
      %select_n3A_423 = arith.select %le3A_413, %gather3A_420, %broadcast_in_dim3A_422 : vector<16xi1>, vector<16xf32>
      %add3A_424 = arith.addf %scan3A_410, %select_n3A_423 : vector<16xf32>
      tpu.vector_store_idx %arg8[%add3A_419], %add3A_424 masked %le3A_413 : memref<16384xf32, #tpu.memory_space<vmem>>[vector<16xi32>], vector<16xf32>, vector<16xi1>
      %add3A_425 = vector.broadcast %scan3A_408 : i32 to vector<16xi32>
      %add3A_426 = arith.addi %sub3A_280, %add3A_425 : vector<16xi32>
      %gather3A_427 = tpu.vector_load_idx %arg6[%add3A_426] masked %le3A_413 : memref<16384xf32, #tpu.memory_space<vmem>>[vector<16xi32>], vector<16xf32>, vector<16xi1>
      %jit3A_428 = arith.constant 0.000000e+00 : f32
      %broadcast_in_dim3A_429 = vector.broadcast %jit3A_428 : f32 to vector<16xf32>
      %select_n3A_430 = arith.select %le3A_413, %gather3A_427, %broadcast_in_dim3A_429 : vector<16xi1>, vector<16xf32>
      %add3A_431 = arith.addf %scan3A_411, %select_n3A_430 : vector<16xf32>
      tpu.vector_store_idx %arg8[%add3A_426], %add3A_431 masked %le3A_413 : memref<16384xf32, #tpu.memory_space<vmem>>[vector<16xi32>], vector<16xf32>, vector<16xi1>
      %add3A_432 = vector.broadcast %scan3A_408 : i32 to vector<16xi32>
      %add3A_433 = arith.addi %sub3A_287, %add3A_432 : vector<16xi32>
      %gather3A_434 = tpu.vector_load_idx %arg6[%add3A_433] masked %le3A_413 : memref<16384xf32, #tpu.memory_space<vmem>>[vector<16xi32>], vector<16xf32>, vector<16xi1>
      %jit3A_435 = arith.constant 0.000000e+00 : f32
      %broadcast_in_dim3A_436 = vector.broadcast %jit3A_435 : f32 to vector<16xf32>
      %select_n3A_437 = arith.select %le3A_413, %gather3A_434, %broadcast_in_dim3A_436 : vector<16xi1>, vector<16xf32>
      %add3A_438 = arith.addf %scan3A_412, %select_n3A_437 : vector<16xf32>
      tpu.vector_store_idx %arg8[%add3A_433], %add3A_438 masked %le3A_413 : memref<16384xf32, #tpu.memory_space<vmem>>[vector<16xi32>], vector<16xf32>, vector<16xi1>
      scf.yield %add3A_417, %add3A_424, %add3A_431, %add3A_438 : vector<16xf32>, vector<16xf32>, vector<16xf32>, vector<16xf32>
    }
    %scan3A_293 = arith.constant 15 : i32
    %parallel_loop3A_294 = arith.constant 15 : i32
    %parallel_loop3A_295 = arith.constant 256 : i32
    %parallel_loop3A_296 = arith.constant 1 : i32
    %parallel_loop3A_297:4 = scf.for %parallel_loop3A_408 = %parallel_loop3A_294 to %parallel_loop3A_295 step %parallel_loop3A_296 iter_args(%parallel_loop3A_409 = %scan3A_292#0, %parallel_loop3A_410 = %scan3A_292#1, %parallel_loop3A_411 = %scan3A_292#2, %parallel_loop3A_412 = %scan3A_292#3) -> (vector<16xf32>, vector<16xf32>, vector<16xf32>, vector<16xf32>)  : i32 {
      %parallel_loop3A_413 = vector.broadcast %parallel_loop3A_408 : i32 to vector<16xi32>
      %parallel_loop3A_414 = arith.addi %sub3A_266, %parallel_loop3A_413 : vector<16xi32>
      %parallel_loop3A_415 = tpu.vector_load_idx %arg6[%parallel_loop3A_414] : memref<16384xf32, #tpu.memory_space<vmem>>[vector<16xi32>], vector<16xf32>,
      %parallel_loop3A_416 = arith.addf %parallel_loop3A_409, %parallel_loop3A_415 : vector<16xf32>
      tpu.vector_store_idx %arg8[%parallel_loop3A_414], %parallel_loop3A_416 : memref<16384xf32, #tpu.memory_space<vmem>>[vector<16xi32>], vector<16xf32>,
      %parallel_loop3A_417 = vector.broadcast %parallel_loop3A_408 : i32 to vector<16xi32>
      %parallel_loop3A_418 = arith.addi %sub3A_273, %parallel_loop3A_417 : vector<16xi32>
      %parallel_loop3A_419 = tpu.vector_load_idx %arg6[%parallel_loop3A_418] : memref<16384xf32, #tpu.memory_space<vmem>>[vector<16xi32>], vector<16xf32>,
      %parallel_loop3A_420 = arith.addf %parallel_loop3A_410, %parallel_loop3A_419 : vector<16xf32>
      tpu.vector_store_idx %arg8[%parallel_loop3A_418], %parallel_loop3A_420 : memref<16384xf32, #tpu.memory_space<vmem>>[vector<16xi32>], vector<16xf32>,
      %parallel_loop3A_421 = vector.broadcast %parallel_loop3A_408 : i32 to vector<16xi32>
      %parallel_loop3A_422 = arith.addi %sub3A_280, %parallel_loop3A_421 : vector<16xi32>
      %parallel_loop3A_423 = tpu.vector_load_idx %arg6[%parallel_loop3A_422] : memref<16384xf32, #tpu.memory_space<vmem>>[vector<16xi32>], vector<16xf32>,
      %parallel_loop3A_424 = arith.addf %parallel_loop3A_411, %parallel_loop3A_423 : vector<16xf32>
      tpu.vector_store_idx %arg8[%parallel_loop3A_422], %parallel_loop3A_424 : memref<16384xf32, #tpu.memory_space<vmem>>[vector<16xi32>], vector<16xf32>,
      %parallel_loop3A_425 = vector.broadcast %parallel_loop3A_408 : i32 to vector<16xi32>
      %parallel_loop3A_426 = arith.addi %sub3A_287, %parallel_loop3A_425 : vector<16xi32>
      %parallel_loop3A_427 = tpu.vector_load_idx %arg6[%parallel_loop3A_426] : memref<16384xf32, #tpu.memory_space<vmem>>[vector<16xi32>], vector<16xf32>,
      %parallel_loop3A_428 = arith.addf %parallel_loop3A_412, %parallel_loop3A_427 : vector<16xf32>
      tpu.vector_store_idx %arg8[%parallel_loop3A_426], %parallel_loop3A_428 : memref<16384xf32, #tpu.memory_space<vmem>>[vector<16xi32>], vector<16xf32>,
      scf.yield %parallel_loop3A_416, %parallel_loop3A_420, %parallel_loop3A_424, %parallel_loop3A_428 : vector<16xf32>, vector<16xf32>, vector<16xf32>, vector<16xf32>
    } {sc.loop_unroll_factor = 1 : i64, sc.parallel_access}
    %scan3A_298 = arith.constant 256 : i32
    %scan3A_299 = arith.constant 15 : i32
    %scan3A_300 = arith.addi %scan3A_298, %scan3A_299 : i32
    %scan3A_301 = arith.constant 1 : i32
    %scan3A_302:4 = scf.for %scan3A_408 = %scan3A_298 to %scan3A_300 step %scan3A_301 iter_args(%scan3A_409 = %parallel_loop3A_297#0, %scan3A_410 = %parallel_loop3A_297#1, %scan3A_411 = %parallel_loop3A_297#2, %scan3A_412 = %parallel_loop3A_297#3) -> (vector<16xf32>, vector<16xf32>, vector<16xf32>, vector<16xf32>)  : i32 {
      %sub3A_413 = arith.constant 256 : i32
      %sub3A_414 = arith.subi %scan3A_408, %sub3A_413 : i32
      %gt3A = vector.broadcast %sub3A_414 : i32 to vector<16xi32>
      %gt3A_415 = arith.cmpi sgt, %iota3A, %gt3A : vector<16xi32>
      %add3A_416 = vector.broadcast %scan3A_408 : i32 to vector<16xi32>
      %add3A_417 = arith.addi %sub3A_266, %add3A_416 : vector<16xi32>
      %gather3A = tpu.vector_load_idx %arg6[%add3A_417] masked %gt3A_415 : memref<16384xf32, #tpu.memory_space<vmem>>[vector<16xi32>], vector<16xf32>, vector<16xi1>
      %jit3A = arith.constant 0.000000e+00 : f32
      %broadcast_in_dim3A_418 = vector.broadcast %jit3A : f32 to vector<16xf32>
      %select_n3A = arith.select %gt3A_415, %gather3A, %broadcast_in_dim3A_418 : vector<16xi1>, vector<16xf32>
      %add3A_419 = arith.addf %scan3A_409, %select_n3A : vector<16xf32>
      tpu.vector_store_idx %arg8[%add3A_417], %add3A_419 masked %gt3A_415 : memref<16384xf32, #tpu.memory_space<vmem>>[vector<16xi32>], vector<16xf32>, vector<16xi1>
      %add3A_420 = vector.broadcast %scan3A_408 : i32 to vector<16xi32>
      %add3A_421 = arith.addi %sub3A_273, %add3A_420 : vector<16xi32>
      %gather3A_422 = tpu.vector_load_idx %arg6[%add3A_421] masked %gt3A_415 : memref<16384xf32, #tpu.memory_space<vmem>>[vector<16xi32>], vector<16xf32>, vector<16xi1>
      %jit3A_423 = arith.constant 0.000000e+00 : f32
      %broadcast_in_dim3A_424 = vector.broadcast %jit3A_423 : f32 to vector<16xf32>
      %select_n3A_425 = arith.select %gt3A_415, %gather3A_422, %broadcast_in_dim3A_424 : vector<16xi1>, vector<16xf32>
      %add3A_426 = arith.addf %scan3A_410, %select_n3A_425 : vector<16xf32>
      tpu.vector_store_idx %arg8[%add3A_421], %add3A_426 masked %gt3A_415 : memref<16384xf32, #tpu.memory_space<vmem>>[vector<16xi32>], vector<16xf32>, vector<16xi1>
      %add3A_427 = vector.broadcast %scan3A_408 : i32 to vector<16xi32>
      %add3A_428 = arith.addi %sub3A_280, %add3A_427 : vector<16xi32>
      %gather3A_429 = tpu.vector_load_idx %arg6[%add3A_428] masked %gt3A_415 : memref<16384xf32, #tpu.memory_space<vmem>>[vector<16xi32>], vector<16xf32>, vector<16xi1>
      %jit3A_430 = arith.constant 0.000000e+00 : f32
      %broadcast_in_dim3A_431 = vector.broadcast %jit3A_430 : f32 to vector<16xf32>
      %select_n3A_432 = arith.select %gt3A_415, %gather3A_429, %broadcast_in_dim3A_431 : vector<16xi1>, vector<16xf32>
      %add3A_433 = arith.addf %scan3A_411, %select_n3A_432 : vector<16xf32>
      tpu.vector_store_idx %arg8[%add3A_428], %add3A_433 masked %gt3A_415 : memref<16384xf32, #tpu.memory_space<vmem>>[vector<16xi32>], vector<16xf32>, vector<16xi1>
      %add3A_434 = vector.broadcast %scan3A_408 : i32 to vector<16xi32>
      %add3A_435 = arith.addi %sub3A_287, %add3A_434 : vector<16xi32>
      %gather3A_436 = tpu.vector_load_idx %arg6[%add3A_435] masked %gt3A_415 : memref<16384xf32, #tpu.memory_space<vmem>>[vector<16xi32>], vector<16xf32>, vector<16xi1>
      %jit3A_437 = arith.constant 0.000000e+00 : f32
      %broadcast_in_dim3A_438 = vector.broadcast %jit3A_437 : f32 to vector<16xf32>
      %select_n3A_439 = arith.select %gt3A_415, %gather3A_436, %broadcast_in_dim3A_438 : vector<16xi1>, vector<16xf32>
      %add3A_440 = arith.addf %scan3A_412, %select_n3A_439 : vector<16xf32>
      tpu.vector_store_idx %arg8[%add3A_435], %add3A_440 masked %gt3A_415 : memref<16384xf32, #tpu.memory_space<vmem>>[vector<16xi32>], vector<16xf32>, vector<16xi1>
      scf.yield %add3A_419, %add3A_426, %add3A_433, %add3A_440 : vector<16xf32>, vector<16xf32>, vector<16xf32>, vector<16xf32>
    }
    %scan3A_303 = arith.constant 15 : i32
    %add3A_304 = arith.constant 32768 : i32
    %add3A_305 = arith.addi %mul3A_2, %add3A_304 : i32
    %dma_start3A_306 = tpu.memref_slice %arg5[%add3A_305] : memref<2097152xf32, #tpu.memory_space<hbm>> -> memref<16384xf32, #tpu.memory_space<hbm>>
    %dma_start3A_307 = tpu.memref_slice %arg5[%add3A_305] : memref<2097152xf32, #tpu.memory_space<hbm>> -> memref<16384xf32, #tpu.memory_space<hbm>>
    tpu.enqueue_dma source(%arg8 : memref<16384xf32, #tpu.memory_space<vmem>>) target(%dma_start3A_307 : memref<16384xf32, #tpu.memory_space<hbm>>) target_semaphore(%arg14 : memref<!tpu.dma_semaphore, #tpu.memory_space<semaphore_mem>>)
    %dma_wait3A_308 = tpu.memref_slice %arg2[%add3A_209] : memref<2097152xf32, #tpu.memory_space<hbm>> -> memref<16384xf32, #tpu.memory_space<hbm>>
    %dma_wait3A_309 = tpu.memref_slice %arg2[%add3A_209] : memref<2097152xf32, #tpu.memory_space<hbm>> -> memref<16384xf32, #tpu.memory_space<hbm>>
    tpu.wait_dma2 semaphore(%arg13 : memref<!tpu.dma_semaphore, #tpu.memory_space<semaphore_mem>>) src(%dma_wait3A_309 : memref<16384xf32, #tpu.memory_space<hbm>>) dst(%arg7 : memref<16384xf32, #tpu.memory_space<vmem>>)
    %dma_wait3A_310 = tpu.memref_slice %arg5[%add3A_205] : memref<2097152xf32, #tpu.memory_space<hbm>> -> memref<16384xf32, #tpu.memory_space<hbm>>
    %dma_wait3A_311 = tpu.memref_slice %arg5[%add3A_205] : memref<2097152xf32, #tpu.memory_space<hbm>> -> memref<16384xf32, #tpu.memory_space<hbm>>
    tpu.wait_dma2 semaphore(%arg15 : memref<!tpu.dma_semaphore, #tpu.memory_space<semaphore_mem>>) src(%arg9 : memref<16384xf32, #tpu.memory_space<vmem>>) dst(%dma_wait3A_311 : memref<16384xf32, #tpu.memory_space<hbm>>)
    %get3A_312 = arith.constant 192 : index
    %get3A_313 = tpu.vector_load %arg11[%get3A_312] {strides = array<i32>} : memref<256xf32, #tpu.memory_space<vmem>>, vector<16xf32>,
    %get3A_314 = arith.constant 208 : index
    %get3A_315 = tpu.vector_load %arg11[%get3A_314] {strides = array<i32>} : memref<256xf32, #tpu.memory_space<vmem>>, vector<16xf32>,
    %get3A_316 = arith.constant 224 : index
    %get3A_317 = tpu.vector_load %arg11[%get3A_316] {strides = array<i32>} : memref<256xf32, #tpu.memory_space<vmem>>, vector<16xf32>,
    %get3A_318 = arith.constant 240 : index
    %get3A_319 = tpu.vector_load %arg11[%get3A_318] {strides = array<i32>} : memref<256xf32, #tpu.memory_space<vmem>>, vector<16xf32>,
    %broadcast_in_dim3A_320 = arith.constant true
    %broadcast_in_dim3A_321 = vector.broadcast %broadcast_in_dim3A_320 : i1 to vector<16xi1>
    %masked_cumsum3A_322 = tpu.scan <sum>, %get3A_313 masked %broadcast_in_dim3A_321 : vector<16xf32>, vector<16xi1> -> vector<16xf32>
    %broadcast_in_dim3A_323 = arith.constant true
    %broadcast_in_dim3A_324 = vector.broadcast %broadcast_in_dim3A_323 : i1 to vector<16xi1>
    %masked_cumsum3A_325 = tpu.scan <sum>, %get3A_315 masked %broadcast_in_dim3A_324 : vector<16xf32>, vector<16xi1> -> vector<16xf32>
    %broadcast_in_dim3A_326 = arith.constant true
    %broadcast_in_dim3A_327 = vector.broadcast %broadcast_in_dim3A_326 : i1 to vector<16xi1>
    %masked_cumsum3A_328 = tpu.scan <sum>, %get3A_317 masked %broadcast_in_dim3A_327 : vector<16xf32>, vector<16xi1> -> vector<16xf32>
    %broadcast_in_dim3A_329 = arith.constant true
    %broadcast_in_dim3A_330 = vector.broadcast %broadcast_in_dim3A_329 : i1 to vector<16xi1>
    %masked_cumsum3A_331 = tpu.scan <sum>, %get3A_319 masked %broadcast_in_dim3A_330 : vector<16xf32>, vector<16xi1> -> vector<16xf32>
    %slice3A_332 = vector.extract_strided_slice %masked_cumsum3A_322 {offsets = [15], sizes = [1], strides = [1]} : vector<16xf32> to vector<1xf32>
    %squeeze3A_333 = vector.extract %slice3A_332[0] : f32 from vector<1xf32>
    %add3A_334 = arith.addf %add3A_259, %squeeze3A_333 : f32
    %slice3A_335 = vector.extract_strided_slice %masked_cumsum3A_325 {offsets = [15], sizes = [1], strides = [1]} : vector<16xf32> to vector<1xf32>
    %squeeze3A_336 = vector.extract %slice3A_335[0] : f32 from vector<1xf32>
    %add3A_337 = arith.addf %add3A_334, %squeeze3A_336 : f32
    %slice3A_338 = vector.extract_strided_slice %masked_cumsum3A_328 {offsets = [15], sizes = [1], strides = [1]} : vector<16xf32> to vector<1xf32>
    %squeeze3A_339 = vector.extract %slice3A_338[0] : f32 from vector<1xf32>
    %add3A_340 = arith.addf %add3A_337, %squeeze3A_339 : f32
    %sub3A_341 = arith.subf %masked_cumsum3A_322, %get3A_313 : vector<16xf32>
    %add3A_342 = vector.broadcast %add3A_259 : f32 to vector<16xf32>
    %add3A_343 = arith.addf %sub3A_341, %add3A_342 : vector<16xf32>
    %sub3A_344 = arith.subf %masked_cumsum3A_325, %get3A_315 : vector<16xf32>
    %add3A_345 = vector.broadcast %add3A_334 : f32 to vector<16xf32>
    %add3A_346 = arith.addf %sub3A_344, %add3A_345 : vector<16xf32>
    %sub3A_347 = arith.subf %masked_cumsum3A_328, %get3A_317 : vector<16xf32>
    %add3A_348 = vector.broadcast %add3A_337 : f32 to vector<16xf32>
    %add3A_349 = arith.addf %sub3A_347, %add3A_348 : vector<16xf32>
    %sub3A_350 = arith.subf %masked_cumsum3A_331, %get3A_319 : vector<16xf32>
    %add3A_351 = vector.broadcast %add3A_340 : f32 to vector<16xf32>
    %add3A_352 = arith.addf %sub3A_350, %add3A_351 : vector<16xf32>
    %slice3A_353 = vector.extract_strided_slice %masked_cumsum3A_331 {offsets = [15], sizes = [1], strides = [1]} : vector<16xf32> to vector<1xf32>
    %squeeze3A_354 = vector.extract %slice3A_353[0] : f32 from vector<1xf32>
    %add3A_355 = arith.addf %add3A_340, %squeeze3A_354 : f32
    %add3A_356 = arith.constant 0 : i32
    %add3A_357 = vector.broadcast %add3A_356 : i32 to vector<16xi32>
    %add3A_358 = arith.addi %iota3A, %add3A_357 : vector<16xi32>
    %mul3A_359 = arith.constant 256 : i32
    %mul3A_360 = vector.broadcast %mul3A_359 : i32 to vector<16xi32>
    %mul3A_361 = arith.muli %add3A_358, %mul3A_360 : vector<16xi32>
    %sub3A_362 = arith.subi %mul3A_361, %iota3A : vector<16xi32>
    %add3A_363 = arith.constant 16 : i32
    %add3A_364 = vector.broadcast %add3A_363 : i32 to vector<16xi32>
    %add3A_365 = arith.addi %iota3A, %add3A_364 : vector<16xi32>
    %mul3A_366 = arith.constant 256 : i32
    %mul3A_367 = vector.broadcast %mul3A_366 : i32 to vector<16xi32>
    %mul3A_368 = arith.muli %add3A_365, %mul3A_367 : vector<16xi32>
    %sub3A_369 = arith.subi %mul3A_368, %iota3A : vector<16xi32>
    %add3A_370 = arith.constant 32 : i32
    %add3A_371 = vector.broadcast %add3A_370 : i32 to vector<16xi32>
    %add3A_372 = arith.addi %iota3A, %add3A_371 : vector<16xi32>
    %mul3A_373 = arith.constant 256 : i32
    %mul3A_374 = vector.broadcast %mul3A_373 : i32 to vector<16xi32>
    %mul3A_375 = arith.muli %add3A_372, %mul3A_374 : vector<16xi32>
    %sub3A_376 = arith.subi %mul3A_375, %iota3A : vector<16xi32>
    %add3A_377 = arith.constant 48 : i32
    %add3A_378 = vector.broadcast %add3A_377 : i32 to vector<16xi32>
    %add3A_379 = arith.addi %iota3A, %add3A_378 : vector<16xi32>
    %mul3A_380 = arith.constant 256 : i32
    %mul3A_381 = vector.broadcast %mul3A_380 : i32 to vector<16xi32>
    %mul3A_382 = arith.muli %add3A_379, %mul3A_381 : vector<16xi32>
    %sub3A_383 = arith.subi %mul3A_382, %iota3A : vector<16xi32>
    %scan3A_384 = arith.constant 0 : i32
    %scan3A_385 = arith.constant 15 : i32
    %scan3A_386 = arith.addi %scan3A_384, %scan3A_385 : i32
    %scan3A_387 = arith.constant 1 : i32
    %scan3A_388:4 = scf.for %scan3A_408 = %scan3A_384 to %scan3A_386 step %scan3A_387 iter_args(%scan3A_409 = %add3A_343, %scan3A_410 = %add3A_346, %scan3A_411 = %add3A_349, %scan3A_412 = %add3A_352) -> (vector<16xf32>, vector<16xf32>, vector<16xf32>, vector<16xf32>)  : i32 {
      %le3A = vector.broadcast %scan3A_408 : i32 to vector<16xi32>
      %le3A_413 = arith.cmpi sle, %iota3A, %le3A : vector<16xi32>
      %add3A_414 = vector.broadcast %scan3A_408 : i32 to vector<16xi32>
      %add3A_415 = arith.addi %sub3A_362, %add3A_414 : vector<16xi32>
      %gather3A = tpu.vector_load_idx %arg7[%add3A_415] masked %le3A_413 : memref<16384xf32, #tpu.memory_space<vmem>>[vector<16xi32>], vector<16xf32>, vector<16xi1>
      %jit3A = arith.constant 0.000000e+00 : f32
      %broadcast_in_dim3A_416 = vector.broadcast %jit3A : f32 to vector<16xf32>
      %select_n3A = arith.select %le3A_413, %gather3A, %broadcast_in_dim3A_416 : vector<16xi1>, vector<16xf32>
      %add3A_417 = arith.addf %scan3A_409, %select_n3A : vector<16xf32>
      tpu.vector_store_idx %arg9[%add3A_415], %add3A_417 masked %le3A_413 : memref<16384xf32, #tpu.memory_space<vmem>>[vector<16xi32>], vector<16xf32>, vector<16xi1>
      %add3A_418 = vector.broadcast %scan3A_408 : i32 to vector<16xi32>
      %add3A_419 = arith.addi %sub3A_369, %add3A_418 : vector<16xi32>
      %gather3A_420 = tpu.vector_load_idx %arg7[%add3A_419] masked %le3A_413 : memref<16384xf32, #tpu.memory_space<vmem>>[vector<16xi32>], vector<16xf32>, vector<16xi1>
      %jit3A_421 = arith.constant 0.000000e+00 : f32
      %broadcast_in_dim3A_422 = vector.broadcast %jit3A_421 : f32 to vector<16xf32>
      %select_n3A_423 = arith.select %le3A_413, %gather3A_420, %broadcast_in_dim3A_422 : vector<16xi1>, vector<16xf32>
      %add3A_424 = arith.addf %scan3A_410, %select_n3A_423 : vector<16xf32>
      tpu.vector_store_idx %arg9[%add3A_419], %add3A_424 masked %le3A_413 : memref<16384xf32, #tpu.memory_space<vmem>>[vector<16xi32>], vector<16xf32>, vector<16xi1>
      %add3A_425 = vector.broadcast %scan3A_408 : i32 to vector<16xi32>
      %add3A_426 = arith.addi %sub3A_376, %add3A_425 : vector<16xi32>
      %gather3A_427 = tpu.vector_load_idx %arg7[%add3A_426] masked %le3A_413 : memref<16384xf32, #tpu.memory_space<vmem>>[vector<16xi32>], vector<16xf32>, vector<16xi1>
      %jit3A_428 = arith.constant 0.000000e+00 : f32
      %broadcast_in_dim3A_429 = vector.broadcast %jit3A_428 : f32 to vector<16xf32>
      %select_n3A_430 = arith.select %le3A_413, %gather3A_427, %broadcast_in_dim3A_429 : vector<16xi1>, vector<16xf32>
      %add3A_431 = arith.addf %scan3A_411, %select_n3A_430 : vector<16xf32>
      tpu.vector_store_idx %arg9[%add3A_426], %add3A_431 masked %le3A_413 : memref<16384xf32, #tpu.memory_space<vmem>>[vector<16xi32>], vector<16xf32>, vector<16xi1>
      %add3A_432 = vector.broadcast %scan3A_408 : i32 to vector<16xi32>
      %add3A_433 = arith.addi %sub3A_383, %add3A_432 : vector<16xi32>
      %gather3A_434 = tpu.vector_load_idx %arg7[%add3A_433] masked %le3A_413 : memref<16384xf32, #tpu.memory_space<vmem>>[vector<16xi32>], vector<16xf32>, vector<16xi1>
      %jit3A_435 = arith.constant 0.000000e+00 : f32
      %broadcast_in_dim3A_436 = vector.broadcast %jit3A_435 : f32 to vector<16xf32>
      %select_n3A_437 = arith.select %le3A_413, %gather3A_434, %broadcast_in_dim3A_436 : vector<16xi1>, vector<16xf32>
      %add3A_438 = arith.addf %scan3A_412, %select_n3A_437 : vector<16xf32>
      tpu.vector_store_idx %arg9[%add3A_433], %add3A_438 masked %le3A_413 : memref<16384xf32, #tpu.memory_space<vmem>>[vector<16xi32>], vector<16xf32>, vector<16xi1>
      scf.yield %add3A_417, %add3A_424, %add3A_431, %add3A_438 : vector<16xf32>, vector<16xf32>, vector<16xf32>, vector<16xf32>
    }
    %scan3A_389 = arith.constant 15 : i32
    %parallel_loop3A_390 = arith.constant 15 : i32
    %parallel_loop3A_391 = arith.constant 256 : i32
    %parallel_loop3A_392 = arith.constant 1 : i32
    %parallel_loop3A_393:4 = scf.for %parallel_loop3A_408 = %parallel_loop3A_390 to %parallel_loop3A_391 step %parallel_loop3A_392 iter_args(%parallel_loop3A_409 = %scan3A_388#0, %parallel_loop3A_410 = %scan3A_388#1, %parallel_loop3A_411 = %scan3A_388#2, %parallel_loop3A_412 = %scan3A_388#3) -> (vector<16xf32>, vector<16xf32>, vector<16xf32>, vector<16xf32>)  : i32 {
      %parallel_loop3A_413 = vector.broadcast %parallel_loop3A_408 : i32 to vector<16xi32>
      %parallel_loop3A_414 = arith.addi %sub3A_362, %parallel_loop3A_413 : vector<16xi32>
      %parallel_loop3A_415 = tpu.vector_load_idx %arg7[%parallel_loop3A_414] : memref<16384xf32, #tpu.memory_space<vmem>>[vector<16xi32>], vector<16xf32>,
      %parallel_loop3A_416 = arith.addf %parallel_loop3A_409, %parallel_loop3A_415 : vector<16xf32>
      tpu.vector_store_idx %arg9[%parallel_loop3A_414], %parallel_loop3A_416 : memref<16384xf32, #tpu.memory_space<vmem>>[vector<16xi32>], vector<16xf32>,
      %parallel_loop3A_417 = vector.broadcast %parallel_loop3A_408 : i32 to vector<16xi32>
      %parallel_loop3A_418 = arith.addi %sub3A_369, %parallel_loop3A_417 : vector<16xi32>
      %parallel_loop3A_419 = tpu.vector_load_idx %arg7[%parallel_loop3A_418] : memref<16384xf32, #tpu.memory_space<vmem>>[vector<16xi32>], vector<16xf32>,
      %parallel_loop3A_420 = arith.addf %parallel_loop3A_410, %parallel_loop3A_419 : vector<16xf32>
      tpu.vector_store_idx %arg9[%parallel_loop3A_418], %parallel_loop3A_420 : memref<16384xf32, #tpu.memory_space<vmem>>[vector<16xi32>], vector<16xf32>,
      %parallel_loop3A_421 = vector.broadcast %parallel_loop3A_408 : i32 to vector<16xi32>
      %parallel_loop3A_422 = arith.addi %sub3A_376, %parallel_loop3A_421 : vector<16xi32>
      %parallel_loop3A_423 = tpu.vector_load_idx %arg7[%parallel_loop3A_422] : memref<16384xf32, #tpu.memory_space<vmem>>[vector<16xi32>], vector<16xf32>,
      %parallel_loop3A_424 = arith.addf %parallel_loop3A_411, %parallel_loop3A_423 : vector<16xf32>
      tpu.vector_store_idx %arg9[%parallel_loop3A_422], %parallel_loop3A_424 : memref<16384xf32, #tpu.memory_space<vmem>>[vector<16xi32>], vector<16xf32>,
      %parallel_loop3A_425 = vector.broadcast %parallel_loop3A_408 : i32 to vector<16xi32>
      %parallel_loop3A_426 = arith.addi %sub3A_383, %parallel_loop3A_425 : vector<16xi32>
      %parallel_loop3A_427 = tpu.vector_load_idx %arg7[%parallel_loop3A_426] : memref<16384xf32, #tpu.memory_space<vmem>>[vector<16xi32>], vector<16xf32>,
      %parallel_loop3A_428 = arith.addf %parallel_loop3A_412, %parallel_loop3A_427 : vector<16xf32>
      tpu.vector_store_idx %arg9[%parallel_loop3A_426], %parallel_loop3A_428 : memref<16384xf32, #tpu.memory_space<vmem>>[vector<16xi32>], vector<16xf32>,
      scf.yield %parallel_loop3A_416, %parallel_loop3A_420, %parallel_loop3A_424, %parallel_loop3A_428 : vector<16xf32>, vector<16xf32>, vector<16xf32>, vector<16xf32>
    } {sc.loop_unroll_factor = 1 : i64, sc.parallel_access}
    %scan3A_394 = arith.constant 256 : i32
    %scan3A_395 = arith.constant 15 : i32
    %scan3A_396 = arith.addi %scan3A_394, %scan3A_395 : i32
    %scan3A_397 = arith.constant 1 : i32
    %scan3A_398:4 = scf.for %scan3A_408 = %scan3A_394 to %scan3A_396 step %scan3A_397 iter_args(%scan3A_409 = %parallel_loop3A_393#0, %scan3A_410 = %parallel_loop3A_393#1, %scan3A_411 = %parallel_loop3A_393#2, %scan3A_412 = %parallel_loop3A_393#3) -> (vector<16xf32>, vector<16xf32>, vector<16xf32>, vector<16xf32>)  : i32 {
      %sub3A_413 = arith.constant 256 : i32
      %sub3A_414 = arith.subi %scan3A_408, %sub3A_413 : i32
      %gt3A = vector.broadcast %sub3A_414 : i32 to vector<16xi32>
      %gt3A_415 = arith.cmpi sgt, %iota3A, %gt3A : vector<16xi32>
      %add3A_416 = vector.broadcast %scan3A_408 : i32 to vector<16xi32>
      %add3A_417 = arith.addi %sub3A_362, %add3A_416 : vector<16xi32>
      %gather3A = tpu.vector_load_idx %arg7[%add3A_417] masked %gt3A_415 : memref<16384xf32, #tpu.memory_space<vmem>>[vector<16xi32>], vector<16xf32>, vector<16xi1>
      %jit3A = arith.constant 0.000000e+00 : f32
      %broadcast_in_dim3A_418 = vector.broadcast %jit3A : f32 to vector<16xf32>
      %select_n3A = arith.select %gt3A_415, %gather3A, %broadcast_in_dim3A_418 : vector<16xi1>, vector<16xf32>
      %add3A_419 = arith.addf %scan3A_409, %select_n3A : vector<16xf32>
      tpu.vector_store_idx %arg9[%add3A_417], %add3A_419 masked %gt3A_415 : memref<16384xf32, #tpu.memory_space<vmem>>[vector<16xi32>], vector<16xf32>, vector<16xi1>
      %add3A_420 = vector.broadcast %scan3A_408 : i32 to vector<16xi32>
      %add3A_421 = arith.addi %sub3A_369, %add3A_420 : vector<16xi32>
      %gather3A_422 = tpu.vector_load_idx %arg7[%add3A_421] masked %gt3A_415 : memref<16384xf32, #tpu.memory_space<vmem>>[vector<16xi32>], vector<16xf32>, vector<16xi1>
      %jit3A_423 = arith.constant 0.000000e+00 : f32
      %broadcast_in_dim3A_424 = vector.broadcast %jit3A_423 : f32 to vector<16xf32>
      %select_n3A_425 = arith.select %gt3A_415, %gather3A_422, %broadcast_in_dim3A_424 : vector<16xi1>, vector<16xf32>
      %add3A_426 = arith.addf %scan3A_410, %select_n3A_425 : vector<16xf32>
      tpu.vector_store_idx %arg9[%add3A_421], %add3A_426 masked %gt3A_415 : memref<16384xf32, #tpu.memory_space<vmem>>[vector<16xi32>], vector<16xf32>, vector<16xi1>
      %add3A_427 = vector.broadcast %scan3A_408 : i32 to vector<16xi32>
      %add3A_428 = arith.addi %sub3A_376, %add3A_427 : vector<16xi32>
      %gather3A_429 = tpu.vector_load_idx %arg7[%add3A_428] masked %gt3A_415 : memref<16384xf32, #tpu.memory_space<vmem>>[vector<16xi32>], vector<16xf32>, vector<16xi1>
      %jit3A_430 = arith.constant 0.000000e+00 : f32
      %broadcast_in_dim3A_431 = vector.broadcast %jit3A_430 : f32 to vector<16xf32>
      %select_n3A_432 = arith.select %gt3A_415, %gather3A_429, %broadcast_in_dim3A_431 : vector<16xi1>, vector<16xf32>
      %add3A_433 = arith.addf %scan3A_411, %select_n3A_432 : vector<16xf32>
      tpu.vector_store_idx %arg9[%add3A_428], %add3A_433 masked %gt3A_415 : memref<16384xf32, #tpu.memory_space<vmem>>[vector<16xi32>], vector<16xf32>, vector<16xi1>
      %add3A_434 = vector.broadcast %scan3A_408 : i32 to vector<16xi32>
      %add3A_435 = arith.addi %sub3A_383, %add3A_434 : vector<16xi32>
      %gather3A_436 = tpu.vector_load_idx %arg7[%add3A_435] masked %gt3A_415 : memref<16384xf32, #tpu.memory_space<vmem>>[vector<16xi32>], vector<16xf32>, vector<16xi1>
      %jit3A_437 = arith.constant 0.000000e+00 : f32
      %broadcast_in_dim3A_438 = vector.broadcast %jit3A_437 : f32 to vector<16xf32>
      %select_n3A_439 = arith.select %gt3A_415, %gather3A_436, %broadcast_in_dim3A_438 : vector<16xi1>, vector<16xf32>
      %add3A_440 = arith.addf %scan3A_412, %select_n3A_439 : vector<16xf32>
      tpu.vector_store_idx %arg9[%add3A_435], %add3A_440 masked %gt3A_415 : memref<16384xf32, #tpu.memory_space<vmem>>[vector<16xi32>], vector<16xf32>, vector<16xi1>
      scf.yield %add3A_419, %add3A_426, %add3A_433, %add3A_440 : vector<16xf32>, vector<16xf32>, vector<16xf32>, vector<16xf32>
    }
    %scan3A_399 = arith.constant 15 : i32
    %add3A_400 = arith.constant 49152 : i32
    %add3A_401 = arith.addi %mul3A_2, %add3A_400 : i32
    %dma_start3A_402 = tpu.memref_slice %arg5[%add3A_401] : memref<2097152xf32, #tpu.memory_space<hbm>> -> memref<16384xf32, #tpu.memory_space<hbm>>
    %dma_start3A_403 = tpu.memref_slice %arg5[%add3A_401] : memref<2097152xf32, #tpu.memory_space<hbm>> -> memref<16384xf32, #tpu.memory_space<hbm>>
    tpu.enqueue_dma source(%arg9 : memref<16384xf32, #tpu.memory_space<vmem>>) target(%dma_start3A_403 : memref<16384xf32, #tpu.memory_space<hbm>>) target_semaphore(%arg15 : memref<!tpu.dma_semaphore, #tpu.memory_space<semaphore_mem>>)
    %dma_wait3A_404 = tpu.memref_slice %arg5[%add3A_305] : memref<2097152xf32, #tpu.memory_space<hbm>> -> memref<16384xf32, #tpu.memory_space<hbm>>
    %dma_wait3A_405 = tpu.memref_slice %arg5[%add3A_305] : memref<2097152xf32, #tpu.memory_space<hbm>> -> memref<16384xf32, #tpu.memory_space<hbm>>
    tpu.wait_dma2 semaphore(%arg14 : memref<!tpu.dma_semaphore, #tpu.memory_space<semaphore_mem>>) src(%arg8 : memref<16384xf32, #tpu.memory_space<vmem>>) dst(%dma_wait3A_405 : memref<16384xf32, #tpu.memory_space<hbm>>)
    %dma_wait3A_406 = tpu.memref_slice %arg5[%add3A_401] : memref<2097152xf32, #tpu.memory_space<hbm>> -> memref<16384xf32, #tpu.memory_space<hbm>>
    %dma_wait3A_407 = tpu.memref_slice %arg5[%add3A_401] : memref<2097152xf32, #tpu.memory_space<hbm>> -> memref<16384xf32, #tpu.memory_space<hbm>>
    tpu.wait_dma2 semaphore(%arg15 : memref<!tpu.dma_semaphore, #tpu.memory_space<semaphore_mem>>) src(%arg9 : memref<16384xf32, #tpu.memory_space<vmem>>) dst(%dma_wait3A_407 : memref<16384xf32, #tpu.memory_space<hbm>>)
    return
  }
}

</mosaic_0001>

<sc_bundles>
// kernel: kernel.4.cloned.1.call-start
scs
__scs_entry_jumppad:
0x0: {  	(pc) =	sbr.rel $0x88, $3  }
0x1: {  	(tag) =	ssettag $0x0;
	lr =	simm.s32 $0x1  }
0x2: {  	[smem:$0x3FA0] =	sst lr;
	_ =	strace $0xD0000000  }
0x3: {  	_ = 	snop  }
0x4: {  	_ = 	snop  }
0x5: {  	_ = 	snop  }
0x6: {  	_ = 	snop  }
0x7: {  	_ = 	snop  }
__scs_overlays_trampoline_lowered:
0x8: {  	[smem:$0x3FAF] =	sst s0  }
0x9: {  	[smem:$0x3FB0] =	sst s1  }
0xa: {  	[smem:$0x3FB1] =	sst s2  }
0xb: {  	[smem:$0x3FB2] =	sst s3  }
0xc: {  	[smem:$0x3FB3] =	sst s4  }
0xd: {  	[smem:$0x3FB4] =	sst s5  }
0xe: {  	[smem:$0x3FB5] =	sst s6  }
0xf: {  	[smem:$0x3FB6] =	sst s7  }
0x10: {  	[smem:$0x3FB7] =	sst s8  }
0x11: {  	[smem:$0x3FB8] =	sst s9;
	s0 =	simm.s32 @!p0 $0x0  }
0x12: {  	s1 =	sld [smem:$0x3F9E];
	s0 =	simm.s32 @p0 $0x1  }
0x13: {  	[smem:$0x3FB9] =	sst s0;
	s0 =	simm.s32 @!p1 $0x0  }
0x14: {  	s2 =	sld [smem:$0x3F9D];
	s0 =	simm.s32 @p1 $0x1  }
0x15: {  	[smem:$0x3FBA] =	sst s0;
	s0 =	simm.s32 @!p2 $0x0  }
0x16: {  	s3 =	sld [smem:$0x3FDB];
	s0 =	simm.s32 @p2 $0x1  }
0x17: {  	s4 =	simm.s32 $0x1BF5;
	[smem:$0x3FBC] =	sst s0  }
0x18: {  	s0 =	sld [smem:$0x3F9F];
	_ =	swait.ge [sflag:s4], $0x0  }
0x19: {  	s7 =	sld [smem:$0x3FA0]  }
0x1a: {  	s8 =	sadd.s32 $0xFFFFE003, lr  }
0x1b: {  	s9 =	sadd.s32 $0xFFFFFEF7, lr;
	s5 =	simm.s32 $0xFFFFFFFF;
	p2 =	slt.u32 s8, $0xFFFFF086  }
0x1c: {  	p1 =	slt.u32 s9, $0xF7A;
	s5 =	simm.s32 @!p2 $0x0  }
0x1d: {  	s5 =	simm.s32 @p1 $0x1;
	p0 =	seq.s32 s7, s2  }
0x1e: {  	s7 =	smul.u32 @!p0 $0xF7A, s2;
	p2 =	seq.s32 @!p0 s5, $0x0  }
0x1f: {  	s9 =	smul.u32 $0xF7A, s1;
	s8 =	simm.s32 @!p0 $0x1BF5;
	p2 =	por !p2, p0  }
0x20: {  	[sflag:s8] =	ssyncset.s32 @!p0 $0xFFFFF086;
	s6 =	sadd.s32 @!p0 s3, s7;
	s7 =	simm.s32 @!p0 $0x108  }
0x21: {  	s3 =	sadd.s32 s3, s9;
	s6 =	sadd.s32 @!p0 $0x88, s6;
	s7 =	simm.s32 @p2 $0x1082  }
0x22: {  	[simem:s7], [sflag:s8] =	dma.local @!p0 [hbm:s6], $0xF7A  }
0x23: {  	s9 =	sor.u32 $0xD0000000, s2;
	s6 =	simm.s32 $0x108;
	_ =	swait.ge @!p0 [sflag:s8], $0x0  }
0x24: {  	s3 =	sadd.s32 $0x88, s3;
	s6 =	simm.s32 @!p1 $0x1082;
	[sflag:s4] =	ssyncset.s32 $0xFFFFF086  }
0x25: {  	[simem:s6], [sflag:s4] =	dma.local [hbm:s3], $0xF7A  }
0x26: {  	[smem:$0x3FA0] =	sst s1;
	(tag) =	ssettag s2;
	_ =	strace s9  }
0x27: {  	s1 =	sld [smem:$0x3FB0]  }
0x28: {  	s2 =	sld [smem:$0x3FB1]  }
0x29: {  	s4 =	sld [smem:$0x3FB3]  }
0x2a: {  	p0 =	seq.s32 s5, $0x0;
	s5 =	sld [smem:$0x3FB4]  }
0x2b: {  	s6 =	sld [smem:$0x3FB5]  }
0x2c: {  	s7 =	sld [smem:$0x3FB6]  }
0x2d: {  	s3 =	simm.s32 $0x108;
	s8 =	sld [smem:$0x3FB7]  }
0x2e: {  	s3 =	simm.s32 @!p0 $0x1082;
	s9 =	sld [smem:$0x3FB8]  }
0x2f: {  	lr =	sadd.s32 s0, s3;
	s0 =	sld [smem:$0x3FAF]  }
0x30: {  	s3 =	sld [smem:$0x3FB2]  }
0x31: {  	[smem:$0x3FBB] =	sst s10  }
0x32: {  	s10 =	sld [smem:$0x3FB9];
	_ =	sdelay $0x3  }
0x33: {  	p0 =	seq.s32 s10, $0x1;
	s10 =	sld [smem:$0x3FBB];
	_ =	sdelay $0x3  }
0x34: {  	[smem:$0x3FBB] =	sst s10  }
0x35: {  	s10 =	sld [smem:$0x3FBA];
	_ =	sdelay $0x3  }
0x36: {  	p1 =	seq.s32 s10, $0x1;
	s10 =	sld [smem:$0x3FBB];
	_ =	sdelay $0x3  }
0x37: {  	[smem:$0x3FBB] =	sst s10  }
0x38: {  	s10 =	sld [smem:$0x3FBC]  }
0x39: {  	_ = 	snop;
	(pc) =	sbr.ind lr, $3  }
0x3a: {  	_ = 	snop  }
0x3b: {  	_ = 	snop  }
0x3c: {  	p2 =	seq.s32 s10, $0x1;
	s10 =	sld [smem:$0x3FBB]  }
0x3d: {  	_ =	shalt  }
0x3e: {  	_ =	shalt  }
0x3f: {  	_ =	shalt  }
0x40: {  	_ =	shalt  }
0x41: {  	_ =	shalt  }
0x42: {  	_ =	shalt  }
0x43: {  	_ =	shalt  }
0x44: {  	_ =	shalt  }
0x45: {  	_ =	shalt  }
0x46: {  	_ =	shalt  }
0x47: {  	_ =	shalt  }
0x48: {  	_ =	shalt  }
0x49: {  	_ =	shalt  }
0x4a: {  	_ =	shalt  }
0x4b: {  	_ =	shalt  }
0x4c: {  	_ =	shalt  }
0x4d: {  	_ =	shalt  }
0x4e: {  	_ =	shalt  }
0x4f: {  	_ =	shalt  }
0x50: {  	_ =	shalt  }
0x51: {  	_ =	shalt  }
0x52: {  	_ =	shalt  }
0x53: {  	_ =	shalt  }
0x54: {  	_ =	shalt  }
0x55: {  	_ =	shalt  }
0x56: {  	_ =	shalt  }
0x57: {  	_ =	shalt  }
0x58: {  	_ =	shalt  }
0x59: {  	_ =	shalt  }
0x5a: {  	_ =	shalt  }
0x5b: {  	_ =	shalt  }
0x5c: {  	_ =	shalt  }
0x5d: {  	_ =	shalt  }
0x5e: {  	_ =	shalt  }
0x5f: {  	_ =	shalt  }
0x60: {  	_ =	shalt  }
0x61: {  	_ =	shalt  }
0x62: {  	_ =	shalt  }
0x63: {  	_ =	shalt  }
0x64: {  	_ =	shalt  }
0x65: {  	_ =	shalt  }
0x66: {  	_ =	shalt  }
0x67: {  	_ =	shalt  }
0x68: {  	_ =	shalt  }
0x69: {  	_ =	shalt  }
0x6a: {  	_ =	shalt  }
0x6b: {  	_ =	shalt  }
0x6c: {  	_ =	shalt  }
0x6d: {  	_ =	shalt  }
0x6e: {  	_ =	shalt  }
0x6f: {  	_ =	shalt  }
0x70: {  	_ =	shalt  }
0x71: {  	_ =	shalt  }
0x72: {  	_ =	shalt  }
0x73: {  	_ =	shalt  }
0x74: {  	_ =	shalt  }
0x75: {  	_ =	shalt  }
0x76: {  	_ =	shalt  }
0x77: {  	_ =	shalt  }
0x78: {  	_ =	shalt  }
0x79: {  	_ =	shalt  }
0x7a: {  	_ =	shalt  }
0x7b: {  	_ =	shalt  }
0x7c: {  	_ =	shalt  }
0x7d: {  	_ =	shalt  }
0x7e: {  	_ =	shalt  }
0x7f: {  	_ =	shalt  }
0x80: {  	_ =	shalt  }
0x81: {  	_ =	shalt  }
0x82: {  	_ =	shalt  }
0x83: {  	_ =	shalt  }
0x84: {  	_ =	shalt  }
0x85: {  	_ =	shalt  }
0x86: {  	_ =	shalt  }
0x87: {  	_ =	shalt  }
.Lfunc_end0:
.L_simem_size_0:
called_computation_lowered:
.L_overlay_start_0:
0x88: {  	s2 =	sld [smem:$0x3FD9]  }
0x89: {  	s3 =	sld [smem:$0x3FFE];
	_ =	sdelay $0x1  }
0x8a: {  	s1 =	srdreg.scid  }
0x8b: {  	s0 =	sand.u32 $0x1, s1  }
0x8c: {  	s17 =	sshll.u32 s0, $0xA;
	s2 =	sadd.s32 s3, s2  }
0x8d: {  	s2 =	sadd.s32 s2, s17  }
0x8e: {  	[smem:$0x3FC7] =	sst s2  }
0x8f: {  	_ = 	snop  }
0x90: {  	s2 =	sld [smem:$0x3FC9];
	(tm) =	ssettm $0x1  }
0x91: {  	s18 =	sld [smem:$0x3FFB];
	_ =	sdelay $0x3  }
0x92: {  	_ =	strace s18  }
0x93: {  	s3 =	sld [smem:$0x3FFC];
	_ =	sdelay $0x3  }
0x94: {  	_ =	strace s3  }
0x95: {  	s3 =	sld [smem:$0x3FFD];
	_ =	sdelay $0x3  }
0x96: {  	_ =	strace s3  }
0x97: {  	_ =	strace $0x8FFFFFFF  }
0x98: {  	s19 =	sld [smem:$0x3FDB];
	_ =	sdelay $0x1  }
0x99: {  	s4 =	simm.s32 $_scs_section_size  }
0x9a: {  	s5 =	simm.s32 $_size__tile_overlayer_lowered;
	s6 =	simm.s32 $_tile_overlayer_lowered  }
0x9b: {  	s22 =	simm.s32 $0x1BFF;
	s21 =	sshll.u32 s6, $0x1;
	s3 =	sadd.s32 s4, s19  }
0x9c: {  	s7 =	simm.s32 $0x0;
	s20 =	sshll.u32 s5, $0x1;
	s5 =	sadd.s32 s21, s3  }
0x9d: {  	[timem:s7], [sflag:s22] =	dma.local [hbm:s5], s20  }
0x9e: {  	_ =	swait.ge [sflag:s22], s20  }
0x9f: {  	s4 =	ssub.s32 $0x0, s20;
	[sflag:s22] =	ssyncset.done $0x0  }
0xa0: {  	[sflag:s22] =	ssyncadd.s32 s4;
	_ =	sdelay $0x1  }
0xa1: {  	s23 =	simm.s32 $0x1B8B  }
0xa2: {  	_ =	swait.ge [sflag:s23], $0x1  }
0xa3: {  	[sflag:s23] =	ssyncset.done $0x0  }
0xa4: {  	s25 =	simm.s32 $0x1B8E;
	s24 =	sld [smem:$0x3FFE];
	[sflag:s23] =	ssyncadd.s32 $0xFFFFFFFF  }
0xa5: {  	s26 =	simm.s32 $execute0_lowered;
	[smem:$0x3FD2] =	sst s25  }
0xa6: {  	s5 =	sshll.u32 s26, $0x1;
	_ =	strace $0x80000046;
	[dreg:$0x1] =	wrdreg $0xFFFFFFFF  }
0xa7: {  	s28 =	simm.s32 $_size_execute0_lowered;
	s3 =	sadd.s32 s3, s5;
	[dreg:$0x0] =	wrdreg $0x0  }
0xa8: {  	s5 =	sshll.u32 s28, $0x1;
	[dreg:$0x2] =	wrdreg s3  }
0xa9: {  	[dreg:$0x3] =	wrdreg s5  }
0xaa: {  	[dreg:$0x4] =	wrdreg $0xC0  }
0xab: {  	_ =	task [dreg:s7], $0x5FFFF  }
0xac: {  	[dreg:$0x1] =	wrdreg $0xFFFFFFFF  }
0xad: {  	[dreg:$0x0] =	wrdreg $0x60  }
0xae: {  	[dreg:$0x2] =	wrdreg s2  }
0xaf: {  	[dreg:$0x3] =	wrdreg s24  }
0xb0: {  	[dreg:$0x4] =	wrdreg $0x9  }
0xb1: {  	_ =	task.clear_ibuf [dreg:s7], $0x5FFFF;
	_ =	strace $0x90000046  }
0xb2: {  	s29 =	simm.s32 $0x9;
	_ =	strace $0x80000048  }
0xb3: {  	_ =	swait.ge [sflag:s29], $0x1  }
0xb4: {  	[sflag:s29] =	ssyncadd.s32 $0xFFFFFFFF  }
0xb5: {  	_ =	strace $0x90000048  }
0xb6: {  	_ =	sfence  }
0xb7: {  	s30 =	sld [smem:$0x0];
	_ =	sdelay $0x2  }
0xb8: {  	s31 =	sshll.u32 s1, $0xD;
	s1 =	sshrl.u32 s1, $0x2  }
0xb9: {  	s3 =	sand.u32 $0x4000, s31;
	s1 =	sadd.s32 s1, s30  }
0xba: {  	s0 =	sor.u32 s3, s0;
	s1 =	sshll.u32 s1, $0x11  }
0xbb: {  	s0 =	sor.u32 s1, s0  }
0xbc: {  	s0 =	sadd.s32 $0x8F2B, s0  }
0xbd: {  	[sflag:s0] =	ssyncadd.remote.s32 $0x1  }
0xbe: {  	_ =	sfence.sel $0xFFFF  }
0xbf: {  	[dreg:$0x0] =	wrdreg $0xFFFFFFFF;
	(pc) =	sbr.abs _section_cstart, $3  }
0xc0: {  	[dreg:$0x1] =	wrdreg $0xFFFFFFFF  }
0xc1: {  	_ =	task.clear_ibuf [dreg:s7], $0x2FFFF;
	_ =	strace $0x9FFFFFFF  }
0xc2: {  	(tm) =	ssettm $0x7FFFFFFF  }
0xc3: {  	_ =	shalt  }
tec
execute0_lowered:
.L_overlay_start_1:
0x0: {  	(tag) =	ssettag $0x1  }
0x1: {  	s0 =	srdreg.scid;
	s3 =	rddreg [dreg:$0x0]  }
0x2: {  	s5 =	rddreg [dreg:$0x1];
	s1 =	stileid.u32  }
0x3: {  	s2 =	simm.s32 $0x0;
	s10 =	simm.s32 $0x10080;
	s11 =	simm.s32 $0x2  }
0x4: {  	s12 =	simm.s32 $0x10000;
	s13 =	simm.s32 $0x3;
	s4 =	sand.u32 $0x1, s0  }
0x5: {  	s14 =	simm.s32 $0x0;
	s0 =	rddreg [dreg:$0x2];
	s6 =	sshll.u32 s4, $0x4  }
0x6: {  	[smem:$0x7FF] =	sst s2;
	s4 =	ssub.s32 $0x2, s4;
	s6 =	sor.u32 s1, s6  }
0x7: {  	_ =	strace $0x80000047;
	s31 =	sshrl.u32 s4, $0x1;
	s7 =	sshll.u32 s6, $0x1  }
0x8: {  	s8 =	sshll.u32 s6, $0x5;
	s6 =	sshll.u32 s6, $0xD;
	s9 =	ssub.s32 s4, s31  }
0x9: {  	s7 =	sadd.s32 s7, s5;
	s8 =	sadd.s32 s8, s5;
	s3 =	sadd.s32 s3, s6  }
0xa: {  	s4 =	sadd.s32 $0x1000, s3;
	s5 =	sadd.s32 $0xC00, s7;
	s6 =	sadd.s32 $0xE00, s8  }
0xb: {  	s7 =	smax.u32 s9, $0x1;
	s8 =	simm.s32 $0x8000;
	s9 =	simm.s32 $0x1  }
.LBB2_1:
0xc: {  	[tilespmem:s2], [sflag:$0x1] =	stream.linear.gather [hbm4b:s3+s2], $0x8000, $0x38;
	[tilespmem:$0x10180] =	vst v63  }
0xd: {  	_ = 	snop  }
0xe: {  	[tilespmem:s8], [sflag:$0x2] =	stream.linear.gather [hbm4b:s4+s2], $0x8000, $0x38;
	[tilespmem:$0x10180] =	vst v63  }
0xf: {  	_ =	swait.ge [sflag:s9], $0x8000  }
0x10: {  	[sflag:s9] =	ssyncset.done $0x0  }
0x11: {  	s15 =	simm.s32 $0x80;
	[sflag:s9] =	ssyncadd.s32 $0xFFFF8000  }
0x12: {  	v0 =	vld [tilespmem:s15+$0x40]  }
0x13: {  	v5 =	vld [tilespmem:s15+$0x50]  }
0x14: {  	v2 =	vld [tilespmem:s15+$0x0]  }
0x15: {  	v4 =	vld [tilespmem:s15+$0x10]  }
0x16: {  	v1 =	vld [tilespmem:s15+$0xFFFFFF80]  }
0x17: {  	v3 =	vld [tilespmem:s15+$0xFFFFFF90]  }
0x18: {  	v6 =	vld [tilespmem:s15+$0xFFFFFFA0]  }
0x19: {  	v7 =	vld [tilespmem:s15+$0xFFFFFFB0]  }
0x1a: {  	v8 =	vld [tilespmem:s15+$0xFFFFFFC0]  }
0x1b: {  	v9 =	vld [tilespmem:s15+$0xFFFFFFD0]  }
0x1c: {  	v10 =	vld [tilespmem:s15+$0xFFFFFFE0]  }
0x1d: {  	v11 =	vld [tilespmem:s15+$0xFFFFFFF0]  }
0x1e: {  	v12 =	vld [tilespmem:s15+$0x20]  }
0x1f: {  	v13 =	vld [tilespmem:s15+$0x30]  }
0x20: {  	v14 =	vld [tilespmem:s15+$0x60]  }
0x21: {  	v15 =	vld [tilespmem:s15+$0x70];
	s15 =	simm.s32 $0x180;
	v8 =	vadd.f32 v8, v1;
	v9 =	vadd.f32 v9, v3  }
0x22: {  	v1 =	vld [tilespmem:s15+$0x40];
	v6 =	vadd.f32 v10, v6;
	v7 =	vadd.f32 v11, v7  }
0x23: {  	v3 =	vld [tilespmem:s15+$0x50];
	v8 =	vadd.f32 v2, v8;
	v9 =	vadd.f32 v4, v9  }
0x24: {  	v11 =	vld [tilespmem:s15+$0xFFFFFFD0];
	v6 =	vadd.f32 v12, v6;
	v7 =	vadd.f32 v13, v7  }
0x25: {  	v2 =	vld [tilespmem:s15+$0x0];
	v0 =	vadd.f32 v0, v8;
	v8 =	vadd.f32 v5, v9  }
0x26: {  	v4 =	vld [tilespmem:s15+$0x10];
	v9 =	vadd.f32 v14, v6;
	v10 =	vadd.f32 v15, v7  }
0x27: {  	v5 =	vld [tilespmem:s15+$0xFFFFFF80]  }
0x28: {  	v7 =	vld [tilespmem:s15+$0xFFFFFF90];
	v0 =	vadd.f32 v8, v0;
	v10 =	vadd.f32 v10, v9  }
0x29: {  	v6 =	vld [tilespmem:s15+$0xFFFFFFA0]  }
0x2a: {  	v8 =	vld [tilespmem:s15+$0xFFFFFFB0];
	v12 =	vadd.f32 v10, v0  }
0x2b: {  	v9 =	vld [tilespmem:s15+$0xFFFFFFC0]  }
0x2c: {  	v0 =	vimm.f32 $0.0e+00;
	v10 =	vld [tilespmem:s15+$0xFFFFFFE0];
	(xrf2) =	vadd.scan.msk.f32 $0xffff, v12  }
0x2d: {  	s16 =	simm.s32 $0x1;
	s18 =	simm.s32 $0x2;
	s17 =	simm.s32 $0x0;
	v0 =	vadd.f32 v12, v0;
	v12 =	vld [tilespmem:s15+$0xFFFFFFF0]  }
.LBB2_2:
0x2e: {  	p0 =	sne.s32 s18, $0x7F;
	v13 =	vld [tilespmem:s15+$0x20]  }
0x2f: {  	v14 =	vld [tilespmem:s15+$0x30]  }
0x30: {  	v15 =	vld [tilespmem:s15+$0x60]  }
0x31: {  	v5 =	vadd.f32 v9, v5;
	v7 =	vadd.f32 v11, v7;
	v9 =	vld [tilespmem:s15+$0x70];
	s15 =	sadd.s32 $0x100, s15  }
0x32: {  	v6 =	vadd.f32 v10, v6;
	v11 =	vld [tilespmem:s15+$0x40];
	v8 =	vadd.f32 v12, v8  }
0x33: {  	v5 =	vadd.f32 v2, v5;
	v7 =	vadd.f32 v4, v7;
	v10 =	vld [tilespmem:s15+$0x50]  }
0x34: {  	v12 =	vmov s17;
	s17 =	smov.u32 s16;
	s16 =	smov.u32 s18;
	v6 =	vadd.f32 v13, v6;
	v2 =	vld [tilespmem:s15+$0x0];
	v8 =	vadd.f32 v14, v8  }
0x35: {  	v13 =	vadd.f32 v1, v5;
	v16 =	vadd.f32 v3, v7;
	v4 =	vld [tilespmem:s15+$0x10]  }
0x36: {  	v14 =	vadd.f32 v15, v6;
	v5 =	vld [tilespmem:s15+$0xFFFFFF80];
	v8 =	vadd.f32 v9, v8;
	v1, _, _ =	vpop (xrf2)  }
0x37: {  	v7 =	vld [tilespmem:s15+$0xFFFFFF90];
	v9 =	vbroadcast v1, $0xF;
	v1 =	vmov v11  }
0x38: {  	v11 =	vadd.f32 v16, v13;
	v6 =	vld [tilespmem:s15+$0xFFFFFFA0];
	v13 =	vadd.f32 v8, v14;
	v3 =	vmov v10  }
.Ltmp0:
0x39: {  	v8 =	vld [tilespmem:s15+$0xFFFFFFB0];
	[tilespmem:v12+s10+$0x0] =	vst.idx.msk $0x1, v9;
	(pc) =	sbr.rel @p0 .LBB2_2-.Ltmp0, $4  }
0x3a: {  	v9 =	vld [tilespmem:s15+$0xFFFFFFC0];
	v12 =	vadd.f32 v13, v11  }
0x3b: {  	v11 =	vld [tilespmem:s15+$0xFFFFFFD0]  }
0x3c: {  	v10 =	vld [tilespmem:s15+$0xFFFFFFE0];
	v0 =	vadd.f32 v12, v0;
	(xrf2) =	vadd.scan.msk.f32 $0xffff, v12  }
0x3d: {  	s18 =	sadd.s32 $0x1, s18;
	v12 =	vld [tilespmem:s15+$0xFFFFFFF0]  }
0x3e: {  	v13 =	vld [tilespmem:s15+$0x20]  }
0x3f: {  	v14 =	vld [tilespmem:s15+$0x30]  }
0x40: {  	v15 =	vld [tilespmem:s15+$0x60]  }
0x41: {  	v5 =	vadd.f32 v9, v5;
	v9 =	vld [tilespmem:s15+$0x70];
	v7 =	vadd.f32 v11, v7  }
0x42: {  	v6 =	vadd.f32 v10, v6;
	v8 =	vadd.f32 v12, v8  }
0x43: {  	v2 =	vadd.f32 v2, v5;
	v4 =	vadd.f32 v4, v7  }
0x44: {  	v5 =	vadd.f32 v13, v6;
	v6 =	vadd.f32 v14, v8  }
0x45: {  	v1 =	vadd.f32 v1, v2;
	v2 =	vadd.f32 v3, v4  }
0x46: {  	v3 =	vadd.f32 v15, v5;
	v4 =	vadd.f32 v9, v6;
	_ =	sdelay $0x1  }
0x47: {  	v1 =	vadd.f32 v2, v1;
	v2 =	vadd.f32 v4, v3;
	_ =	sdelay $0x1  }
0x48: {  	v10 =	vadd.f32 v2, v1;
	_ =	sdelay $0x1  }
0x49: {  	(xrf2) =	vadd.scan.msk.f32 $0xffff, v10;
	_ =	sdelay $0x6  }
0x4a: {  	v1 =	vmov s17  }
0x4b: {  	v2 =	vmov s16  }
0x4c: {  	v3, _, _ =	vpop (xrf2)  }
0x4d: {  	v3 =	vbroadcast v3, $0xF;
	v4, _, _ =	vpop (xrf2)  }
0x4e: {  	v4 =	vbroadcast v4, $0xF  }
0x4f: {  	[tilespmem:v1+s10+$0x0] =	vst.idx.msk $0x1, v3  }
0x50: {  	[tilespmem:v2+s10+$0x0] =	vst.idx.msk $0x1, v4  }
0x51: {  	_ =	swait.ge [sflag:s11], $0x8000  }
0x52: {  	[sflag:s11] =	ssyncset.done $0x0  }
0x53: {  	s31 =	simm.s32 $0x8080;
	[sflag:s11] =	ssyncadd.s32 $0xFFFF8000  }
0x54: {  	v5 =	vld [tilespmem:s31+$0x40]  }
0x55: {  	v6 =	vld [tilespmem:s31+$0x50]  }
0x56: {  	v2 =	vld [tilespmem:s31+$0x0]  }
0x57: {  	v4 =	vld [tilespmem:s31+$0x10]  }
0x58: {  	v1 =	vld [tilespmem:s31+$0xFFFFFF80]  }
0x59: {  	v3 =	vld [tilespmem:s31+$0xFFFFFF90]  }
0x5a: {  	v7 =	vld [tilespmem:s31+$0xFFFFFFA0]  }
0x5b: {  	v8 =	vld [tilespmem:s31+$0xFFFFFFB0]  }
0x5c: {  	v9 =	vld [tilespmem:s31+$0xFFFFFFC0]  }
0x5d: {  	v11 =	vld [tilespmem:s31+$0xFFFFFFD0]  }
0x5e: {  	v12 =	vld [tilespmem:s31+$0xFFFFFFE0]  }
0x5f: {  	v13 =	vld [tilespmem:s31+$0xFFFFFFF0]  }
0x60: {  	v14 =	vld [tilespmem:s31+$0x20]  }
0x61: {  	v15 =	vld [tilespmem:s31+$0x30]  }
0x62: {  	v0 =	vadd.f32 v10, v0;
	v16 =	vld [tilespmem:s31+$0x60]  }
0x63: {  	s15 =	simm.s32 $0x8180;
	v17 =	vld [tilespmem:s31+$0x70];
	v9 =	vadd.f32 v9, v1;
	v11 =	vadd.f32 v11, v3  }
0x64: {  	v10 =	vld [tilespmem:s15+$0xFFFFFFE0];
	v7 =	vadd.f32 v12, v7;
	v8 =	vadd.f32 v13, v8  }
0x65: {  	v1 =	vld [tilespmem:s15+$0x40];
	v9 =	vadd.f32 v2, v9;
	v11 =	vadd.f32 v4, v11  }
0x66: {  	v3 =	vld [tilespmem:s15+$0x50];
	v7 =	vadd.f32 v14, v7;
	v8 =	vadd.f32 v15, v8  }
0x67: {  	v2 =	vld [tilespmem:s15+$0x0];
	v9 =	vadd.f32 v5, v9;
	v11 =	vadd.f32 v6, v11  }
0x68: {  	v4 =	vld [tilespmem:s15+$0x10];
	v12 =	vadd.f32 v16, v7;
	v8 =	vadd.f32 v17, v8  }
0x69: {  	v5 =	vld [tilespmem:s15+$0xFFFFFF80]  }
0x6a: {  	v7 =	vld [tilespmem:s15+$0xFFFFFF90];
	v11 =	vadd.f32 v11, v9;
	v12 =	vadd.f32 v8, v12  }
0x6b: {  	v6 =	vld [tilespmem:s15+$0xFFFFFFA0]  }
0x6c: {  	v8 =	vld [tilespmem:s15+$0xFFFFFFB0];
	v12 =	vadd.f32 v12, v11  }
0x6d: {  	v9 =	vld [tilespmem:s15+$0xFFFFFFC0]  }
0x6e: {  	v11 =	vld [tilespmem:s15+$0xFFFFFFD0];
	(xrf2) =	vadd.scan.msk.f32 $0xffff, v12  }
0x6f: {  	s18 =	simm.s32 $0x82;
	s16 =	simm.s32 $0x80;
	s17 =	simm.s32 $0x81;
	v0 =	vadd.f32 v12, v0;
	v12 =	vld [tilespmem:s15+$0xFFFFFFF0]  }
.LBB2_4:
0x70: {  	p0 =	sne.s32 s18, $0xFF;
	v13 =	vld [tilespmem:s15+$0x20]  }
0x71: {  	v14 =	vld [tilespmem:s15+$0x30]  }
0x72: {  	v15 =	vld [tilespmem:s15+$0x60]  }
0x73: {  	v5 =	vadd.f32 v9, v5;
	v7 =	vadd.f32 v11, v7;
	v9 =	vld [tilespmem:s15+$0x70];
	s15 =	sadd.s32 $0x100, s15  }
0x74: {  	v6 =	vadd.f32 v10, v6;
	v11 =	vld [tilespmem:s15+$0x40];
	v8 =	vadd.f32 v12, v8  }
0x75: {  	v5 =	vadd.f32 v2, v5;
	v7 =	vadd.f32 v4, v7;
	v10 =	vld [tilespmem:s15+$0x50]  }
0x76: {  	v12 =	vmov s16;
	s16 =	smov.u32 s17;
	s17 =	smov.u32 s18;
	v6 =	vadd.f32 v13, v6;
	v2 =	vld [tilespmem:s15+$0x0];
	v8 =	vadd.f32 v14, v8  }
0x77: {  	v13 =	vadd.f32 v1, v5;
	v16 =	vadd.f32 v3, v7;
	v4 =	vld [tilespmem:s15+$0x10]  }
0x78: {  	v14 =	vadd.f32 v15, v6;
	v5 =	vld [tilespmem:s15+$0xFFFFFF80];
	v8 =	vadd.f32 v9, v8;
	v1, _, _ =	vpop (xrf2)  }
0x79: {  	v7 =	vld [tilespmem:s15+$0xFFFFFF90];
	v9 =	vbroadcast v1, $0xF;
	v1 =	vmov v11  }
0x7a: {  	v11 =	vadd.f32 v16, v13;
	v6 =	vld [tilespmem:s15+$0xFFFFFFA0];
	v13 =	vadd.f32 v8, v14;
	v3 =	vmov v10  }
.Ltmp1:
0x7b: {  	v8 =	vld [tilespmem:s15+$0xFFFFFFB0];
	[tilespmem:v12+s10+$0x0] =	vst.idx.msk $0x1, v9;
	(pc) =	sbr.rel @p0 .LBB2_4-.Ltmp1, $4  }
0x7c: {  	v9 =	vld [tilespmem:s15+$0xFFFFFFC0];
	v12 =	vadd.f32 v13, v11  }
0x7d: {  	v11 =	vld [tilespmem:s15+$0xFFFFFFD0]  }
0x7e: {  	v10 =	vld [tilespmem:s15+$0xFFFFFFE0];
	v0 =	vadd.f32 v12, v0;
	(xrf2) =	vadd.scan.msk.f32 $0xffff, v12  }
0x7f: {  	s18 =	sadd.s32 $0x1, s18;
	v12 =	vld [tilespmem:s15+$0xFFFFFFF0]  }
0x80: {  	v13 =	vld [tilespmem:s15+$0x20]  }
0x81: {  	v14 =	vld [tilespmem:s15+$0x30]  }
0x82: {  	v15 =	vld [tilespmem:s15+$0x60]  }
0x83: {  	v53 =	vld [tilespmem:s15+$0x70];
	v5 =	vadd.f32 v9, v5;
	v7 =	vadd.f32 v11, v7  }
0x84: {  	v6 =	vadd.f32 v10, v6;
	v8 =	vadd.f32 v12, v8  }
0x85: {  	v2 =	vadd.f32 v2, v5;
	v4 =	vadd.f32 v4, v7  }
0x86: {  	v54 =	vadd.f32 v13, v6;
	v55 =	vadd.f32 v14, v8  }
0x87: {  	v1 =	vadd.f32 v1, v2;
	v56 =	vadd.f32 v3, v4  }
0x88: {  	v57 =	vadd.f32 v15, v54;
	v58 =	vadd.f32 v53, v55;
	_ =	sdelay $0x1  }
0x89: {  	v1 =	vadd.f32 v56, v1;
	v59 =	vadd.f32 v58, v57;
	_ =	sdelay $0x1  }
0x8a: {  	v1 =	vadd.f32 v59, v1;
	_ =	sdelay $0x1  }
0x8b: {  	(xrf2) =	vadd.scan.msk.f32 $0xffff, v1;
	_ =	sdelay $0x6  }
0x8c: {  	v60 =	vmov s16  }
0x8d: {  	v61 =	vmov s17  }
0x8e: {  	v62, _, _ =	vpop (xrf2)  }
0x8f: {  	v4 =	vbroadcast v62, $0xF;
	v63, _, _ =	vpop (xrf2)  }
0x90: {  	v5 =	vbroadcast v63, $0xF  }
0x91: {  	[tilespmem:v60+s10+$0x0] =	vst.idx.msk $0x1, v4;
	v0 =	vadd.f32 v1, v0  }
0x92: {  	[tilespmem:v61+s10+$0x0] =	vst.idx.msk $0x1, v5  }
0x93: {  	[tilespmem:$0x10000] =	vst v0  }
0x94: {  	[hbm4b:s5+s2] =	stream.linear.scatter [tilespmem:s12], [sflag:$0x3], $0x10, $0x38;
	[tilespmem:$0x10180] =	vst v63  }
0x95: {  	s14 =	sadd.s32 $0x1, s14;
	_ =	swait.ge [sflag:s13], $0x10  }
0x96: {  	p0 =	sne.s32 s14, s7;
	[sflag:s13] =	ssyncset.done $0x0  }
.Ltmp2:
0x97: {  	[sflag:s13] =	ssyncadd.s32 $0xFFFFFFF0;
	(pc) =	sbr.rel @p0 .LBB2_1-.Ltmp2, $4  }
0x98: {  	[hbm4b:s6+s2] =	stream.linear.scatter [tilespmem:s10], [sflag:$0x3], $0x100, $0x38;
	[tilespmem:$0x10180] =	vst v63  }
0x99: {  	_ =	swait.ge [sflag:s13], $0x100  }
0x9a: {  	[sflag:s13] =	ssyncset.done $0x0  }
0x9b: {  	[sflag:s13] =	ssyncadd.s32 $0xFFFFFF00  }
0x9c: {  	_ =	sfence.sel $0x180000  }
0x9d: {  	[bflag:$0x0] =	sbarrier.arrive $0xFFFF  }
0x9e: {  	p0 =	sne.s32 s1, $0x0;
	_ =	strace $0x90000047  }
0x9f: {  	s0 =	sadd.s32 @!p0 $0x100000, s0;
	[bflag:$0x2] =	sbarrier.arrive $0xFFFF  }
0xa0: {  	[sflag:s0] =	ssyncadd.tile.s32 @!p0 $0x1;
	_ =	shalt  }
.Lfunc_end2:
_tile_overlayer_lowered:
.L_overlay_start_2:
0xa1: {  	(tag) =	ssettag $0x2  }
0xa2: {  	s0 =	rddreg [dreg:$0x0];
	s2 =	stileid.u32  }
0xa3: {  	s1 =	rddreg [dreg:$0x1];
	p0 =	sne.s32 s2, $0x0  }
0xa4: {  	s3 =	rddreg [dreg:$0x2];
	[bflag:$0x3] =	sbarrier.arrive $0xFFFF;
	s2 =	simm.s32 @!p0 $0x1C03  }
0xa5: {  	[timem:s3], [sflag:s2] =	dma.local @!p0 [hbm:s0], s1  }
0xa6: {  	s0 =	simm.s32 @!p0 $0x3  }
0xa7: {  	_ =	swait.ge @!p0 [sflag:s0], s1  }
0xa8: {  	s1 =	ssub.s32 @!p0 $0x0, s1;
	[sflag:s0] =	ssyncset.done @!p0 $0x0  }
0xa9: {  	[sflag:s0] =	ssyncadd.s32 @!p0 s1  }
0xaa: {  	[bflag:$0x3] =	sbarrier.arrive $0xFFFF  }
0xab: {  	_ =	shalt  }

// kernel: kernel.7.cloned.1.call-start
scs
__scs_entry_jumppad:
0x0: {  	(pc) =	sbr.rel $0x88, $3  }
0x1: {  	(tag) =	ssettag $0x0;
	lr =	simm.s32 $0x1  }
0x2: {  	[smem:$0x3FA0] =	sst lr;
	_ =	strace $0xD0000000  }
0x3: {  	_ = 	snop  }
0x4: {  	_ = 	snop  }
0x5: {  	_ = 	snop  }
0x6: {  	_ = 	snop  }
0x7: {  	_ = 	snop  }
__scs_overlays_trampoline_lowered:
0x8: {  	[smem:$0x3FAF] =	sst s0  }
0x9: {  	[smem:$0x3FB0] =	sst s1  }
0xa: {  	[smem:$0x3FB1] =	sst s2  }
0xb: {  	[smem:$0x3FB2] =	sst s3  }
0xc: {  	[smem:$0x3FB3] =	sst s4  }
0xd: {  	[smem:$0x3FB4] =	sst s5  }
0xe: {  	[smem:$0x3FB5] =	sst s6  }
0xf: {  	[smem:$0x3FB6] =	sst s7  }
0x10: {  	[smem:$0x3FB7] =	sst s8  }
0x11: {  	[smem:$0x3FB8] =	sst s9;
	s0 =	simm.s32 @!p0 $0x0  }
0x12: {  	s1 =	sld [smem:$0x3F9E];
	s0 =	simm.s32 @p0 $0x1  }
0x13: {  	[smem:$0x3FB9] =	sst s0;
	s0 =	simm.s32 @!p1 $0x0  }
0x14: {  	s2 =	sld [smem:$0x3F9D];
	s0 =	simm.s32 @p1 $0x1  }
0x15: {  	[smem:$0x3FBA] =	sst s0;
	s0 =	simm.s32 @!p2 $0x0  }
0x16: {  	s3 =	sld [smem:$0x3FDB];
	s0 =	simm.s32 @p2 $0x1  }
0x17: {  	s4 =	simm.s32 $0x1BF5;
	[smem:$0x3FBC] =	sst s0  }
0x18: {  	s0 =	sld [smem:$0x3F9F];
	_ =	swait.ge [sflag:s4], $0x0  }
0x19: {  	s7 =	sld [smem:$0x3FA0]  }
0x1a: {  	s8 =	sadd.s32 $0xFFFFE003, lr  }
0x1b: {  	s9 =	sadd.s32 $0xFFFFFEF7, lr;
	s5 =	simm.s32 $0xFFFFFFFF;
	p2 =	slt.u32 s8, $0xFFFFF086  }
0x1c: {  	p1 =	slt.u32 s9, $0xF7A;
	s5 =	simm.s32 @!p2 $0x0  }
0x1d: {  	s5 =	simm.s32 @p1 $0x1;
	p0 =	seq.s32 s7, s2  }
0x1e: {  	s7 =	smul.u32 @!p0 $0xF7A, s2;
	p2 =	seq.s32 @!p0 s5, $0x0  }
0x1f: {  	s9 =	smul.u32 $0xF7A, s1;
	s8 =	simm.s32 @!p0 $0x1BF5;
	p2 =	por !p2, p0  }
0x20: {  	[sflag:s8] =	ssyncset.s32 @!p0 $0xFFFFF086;
	s6 =	sadd.s32 @!p0 s3, s7;
	s7 =	simm.s32 @!p0 $0x108  }
0x21: {  	s3 =	sadd.s32 s3, s9;
	s6 =	sadd.s32 @!p0 $0x88, s6;
	s7 =	simm.s32 @p2 $0x1082  }
0x22: {  	[simem:s7], [sflag:s8] =	dma.local @!p0 [hbm:s6], $0xF7A  }
0x23: {  	s9 =	sor.u32 $0xD0000000, s2;
	s6 =	simm.s32 $0x108;
	_ =	swait.ge @!p0 [sflag:s8], $0x0  }
0x24: {  	s3 =	sadd.s32 $0x88, s3;
	s6 =	simm.s32 @!p1 $0x1082;
	[sflag:s4] =	ssyncset.s32 $0xFFFFF086  }
0x25: {  	[simem:s6], [sflag:s4] =	dma.local [hbm:s3], $0xF7A  }
0x26: {  	[smem:$0x3FA0] =	sst s1;
	(tag) =	ssettag s2;
	_ =	strace s9  }
0x27: {  	s1 =	sld [smem:$0x3FB0]  }
0x28: {  	s2 =	sld [smem:$0x3FB1]  }
0x29: {  	s4 =	sld [smem:$0x3FB3]  }
0x2a: {  	p0 =	seq.s32 s5, $0x0;
	s5 =	sld [smem:$0x3FB4]  }
0x2b: {  	s6 =	sld [smem:$0x3FB5]  }
0x2c: {  	s7 =	sld [smem:$0x3FB6]  }
0x2d: {  	s3 =	simm.s32 $0x108;
	s8 =	sld [smem:$0x3FB7]  }
0x2e: {  	s3 =	simm.s32 @!p0 $0x1082;
	s9 =	sld [smem:$0x3FB8]  }
0x2f: {  	lr =	sadd.s32 s0, s3;
	s0 =	sld [smem:$0x3FAF]  }
0x30: {  	s3 =	sld [smem:$0x3FB2]  }
0x31: {  	[smem:$0x3FBB] =	sst s10  }
0x32: {  	s10 =	sld [smem:$0x3FB9];
	_ =	sdelay $0x3  }
0x33: {  	p0 =	seq.s32 s10, $0x1;
	s10 =	sld [smem:$0x3FBB];
	_ =	sdelay $0x3  }
0x34: {  	[smem:$0x3FBB] =	sst s10  }
0x35: {  	s10 =	sld [smem:$0x3FBA];
	_ =	sdelay $0x3  }
0x36: {  	p1 =	seq.s32 s10, $0x1;
	s10 =	sld [smem:$0x3FBB];
	_ =	sdelay $0x3  }
0x37: {  	[smem:$0x3FBB] =	sst s10  }
0x38: {  	s10 =	sld [smem:$0x3FBC]  }
0x39: {  	_ = 	snop;
	(pc) =	sbr.ind lr, $3  }
0x3a: {  	_ = 	snop  }
0x3b: {  	_ = 	snop  }
0x3c: {  	p2 =	seq.s32 s10, $0x1;
	s10 =	sld [smem:$0x3FBB]  }
0x3d: {  	_ =	shalt  }
0x3e: {  	_ =	shalt  }
0x3f: {  	_ =	shalt  }
0x40: {  	_ =	shalt  }
0x41: {  	_ =	shalt  }
0x42: {  	_ =	shalt  }
0x43: {  	_ =	shalt  }
0x44: {  	_ =	shalt  }
0x45: {  	_ =	shalt  }
0x46: {  	_ =	shalt  }
0x47: {  	_ =	shalt  }
0x48: {  	_ =	shalt  }
0x49: {  	_ =	shalt  }
0x4a: {  	_ =	shalt  }
0x4b: {  	_ =	shalt  }
0x4c: {  	_ =	shalt  }
0x4d: {  	_ =	shalt  }
0x4e: {  	_ =	shalt  }
0x4f: {  	_ =	shalt  }
0x50: {  	_ =	shalt  }
0x51: {  	_ =	shalt  }
0x52: {  	_ =	shalt  }
0x53: {  	_ =	shalt  }
0x54: {  	_ =	shalt  }
0x55: {  	_ =	shalt  }
0x56: {  	_ =	shalt  }
0x57: {  	_ =	shalt  }
0x58: {  	_ =	shalt  }
0x59: {  	_ =	shalt  }
0x5a: {  	_ =	shalt  }
0x5b: {  	_ =	shalt  }
0x5c: {  	_ =	shalt  }
0x5d: {  	_ =	shalt  }
0x5e: {  	_ =	shalt  }
0x5f: {  	_ =	shalt  }
0x60: {  	_ =	shalt  }
0x61: {  	_ =	shalt  }
0x62: {  	_ =	shalt  }
0x63: {  	_ =	shalt  }
0x64: {  	_ =	shalt  }
0x65: {  	_ =	shalt  }
0x66: {  	_ =	shalt  }
0x67: {  	_ =	shalt  }
0x68: {  	_ =	shalt  }
0x69: {  	_ =	shalt  }
0x6a: {  	_ =	shalt  }
0x6b: {  	_ =	shalt  }
0x6c: {  	_ =	shalt  }
0x6d: {  	_ =	shalt  }
0x6e: {  	_ =	shalt  }
0x6f: {  	_ =	shalt  }
0x70: {  	_ =	shalt  }
0x71: {  	_ =	shalt  }
0x72: {  	_ =	shalt  }
0x73: {  	_ =	shalt  }
0x74: {  	_ =	shalt  }
0x75: {  	_ =	shalt  }
0x76: {  	_ =	shalt  }
0x77: {  	_ =	shalt  }
0x78: {  	_ =	shalt  }
0x79: {  	_ =	shalt  }
0x7a: {  	_ =	shalt  }
0x7b: {  	_ =	shalt  }
0x7c: {  	_ =	shalt  }
0x7d: {  	_ =	shalt  }
0x7e: {  	_ =	shalt  }
0x7f: {  	_ =	shalt  }
0x80: {  	_ =	shalt  }
0x81: {  	_ =	shalt  }
0x82: {  	_ =	shalt  }
0x83: {  	_ =	shalt  }
0x84: {  	_ =	shalt  }
0x85: {  	_ =	shalt  }
0x86: {  	_ =	shalt  }
0x87: {  	_ =	shalt  }
.Lfunc_end0:
.L_simem_size_0:
called_computation.1_lowered:
.L_overlay_start_0:
0x88: {  	s2 =	sld [smem:$0x3FD9]  }
0x89: {  	s3 =	sld [smem:$0x3FFE];
	_ =	sdelay $0x1  }
0x8a: {  	s1 =	srdreg.scid  }
0x8b: {  	s0 =	sand.u32 $0x1, s1  }
0x8c: {  	s17 =	sshll.u32 s0, $0xA;
	s2 =	sadd.s32 s3, s2  }
0x8d: {  	s2 =	sadd.s32 s2, s17  }
0x8e: {  	[smem:$0x3FC7] =	sst s2  }
0x8f: {  	_ = 	snop  }
0x90: {  	s2 =	sld [smem:$0x3FC9]  }
0x91: {  	s18 =	sld [smem:$0x3FD0];
	(tm) =	ssettm $0x1  }
0x92: {  	s4 =	sld [smem:$0x3FFB];
	_ =	sdelay $0x3  }
0x93: {  	_ =	strace s4  }
0x94: {  	s4 =	sld [smem:$0x3FFC];
	_ =	sdelay $0x3  }
0x95: {  	_ =	strace s4  }
0x96: {  	s4 =	sld [smem:$0x3FFD];
	_ =	sdelay $0x3  }
0x97: {  	_ =	strace s4  }
0x98: {  	_ =	strace $0x8FFFFFFF  }
0x99: {  	s19 =	sld [smem:$0x3FDB];
	_ =	sdelay $0x1  }
0x9a: {  	s5 =	simm.s32 $_scs_section_size  }
0x9b: {  	s6 =	simm.s32 $_size__tile_overlayer_lowered;
	s7 =	simm.s32 $_tile_overlayer_lowered  }
0x9c: {  	s22 =	simm.s32 $0x1BFF;
	s21 =	sshll.u32 s7, $0x1;
	s4 =	sadd.s32 s5, s19  }
0x9d: {  	s8 =	simm.s32 $0x0;
	s20 =	sshll.u32 s6, $0x1;
	s6 =	sadd.s32 s21, s4  }
0x9e: {  	[timem:s8], [sflag:s22] =	dma.local [hbm:s6], s20  }
0x9f: {  	_ =	swait.ge [sflag:s22], s20  }
0xa0: {  	s5 =	ssub.s32 $0x0, s20;
	[sflag:s22] =	ssyncset.done $0x0  }
0xa1: {  	[sflag:s22] =	ssyncadd.s32 s5;
	_ =	sdelay $0x1  }
0xa2: {  	s23 =	simm.s32 $0x1B8B  }
0xa3: {  	_ =	swait.ge [sflag:s23], $0x1  }
0xa4: {  	[sflag:s23] =	ssyncset.done $0x0  }
0xa5: {  	s25 =	simm.s32 $0x1B8E;
	s24 =	sld [smem:$0x3FFE];
	[sflag:s23] =	ssyncadd.s32 $0xFFFFFFFF  }
0xa6: {  	s26 =	simm.s32 $execute0_lowered;
	[smem:$0x3FD2] =	sst s25  }
0xa7: {  	s6 =	sshll.u32 s26, $0x1;
	_ =	strace $0x80000049;
	[dreg:$0x1] =	wrdreg $0xFFFFFFFF  }
0xa8: {  	s28 =	simm.s32 $_size_execute0_lowered;
	s4 =	sadd.s32 s4, s6;
	[dreg:$0x0] =	wrdreg $0x0  }
0xa9: {  	s6 =	sshll.u32 s28, $0x1;
	[dreg:$0x2] =	wrdreg s4  }
0xaa: {  	[dreg:$0x3] =	wrdreg s6  }
0xab: {  	[dreg:$0x4] =	wrdreg $0xC0  }
0xac: {  	_ =	task [dreg:s8], $0x5FFFF  }
0xad: {  	[dreg:$0x1] =	wrdreg $0xFFFFFFFF  }
0xae: {  	[dreg:$0x0] =	wrdreg $0x60  }
0xaf: {  	[dreg:$0x2] =	wrdreg s2  }
0xb0: {  	[dreg:$0x3] =	wrdreg s24  }
0xb1: {  	[dreg:$0x4] =	wrdreg s18  }
0xb2: {  	[dreg:$0x5] =	wrdreg $0x9  }
0xb3: {  	_ =	task.clear_ibuf [dreg:s8], $0x6FFFF;
	_ =	strace $0x90000049  }
0xb4: {  	s29 =	simm.s32 $0x9;
	_ =	strace $0x8000004B  }
0xb5: {  	_ =	swait.ge [sflag:s29], $0x1  }
0xb6: {  	[sflag:s29] =	ssyncadd.s32 $0xFFFFFFFF  }
0xb7: {  	_ =	strace $0x9000004B  }
0xb8: {  	_ =	sfence  }
0xb9: {  	s30 =	sld [smem:$0x0];
	_ =	sdelay $0x2  }
0xba: {  	s31 =	sshll.u32 s1, $0xD;
	s1 =	sshrl.u32 s1, $0x2  }
0xbb: {  	s3 =	sand.u32 $0x4000, s31;
	s1 =	sadd.s32 s1, s30  }
0xbc: {  	s0 =	sor.u32 s3, s0;
	s1 =	sshll.u32 s1, $0x11  }
0xbd: {  	s0 =	sor.u32 s1, s0  }
0xbe: {  	s0 =	sadd.s32 $0x8F2B, s0  }
0xbf: {  	[sflag:s0] =	ssyncadd.remote.s32 $0x1  }
0xc0: {  	_ =	sfence.sel $0xFFFF  }
0xc1: {  	[dreg:$0x0] =	wrdreg $0xFFFFFFFF;
	(pc) =	sbr.abs _section_cstart, $3  }
0xc2: {  	[dreg:$0x1] =	wrdreg $0xFFFFFFFF  }
0xc3: {  	_ =	task.clear_ibuf [dreg:s8], $0x2FFFF;
	_ =	strace $0x9FFFFFFF  }
0xc4: {  	(tm) =	ssettm $0x7FFFFFFF  }
0xc5: {  	_ =	shalt  }
tec
execute0_lowered:
.L_overlay_start_1:
0x0: {  	(tag) =	ssettag $0x1  }
0x1: {  	s0 =	rddreg [dreg:$0x0]  }
0x2: {  	s1 =	rddreg [dreg:$0x1]  }
0x3: {  	s4 =	rddreg [dreg:$0x2];
	s3 =	srdreg.scid;
	s2 =	simm.s32 $0x0  }
0x4: {  	s6 =	stileid.u32;
	s15 =	simm.s32 $0x4000;
	s16 =	simm.s32 $0x5  }
0x5: {  	s18 =	simm.s32 $0x1;
	s19 =	simm.s32 $0x8000;
	s20 =	simm.s32 $0x2  }
0x6: {  	s21 =	simm.s32 $0xC000;
	s22 =	simm.s32 $0x3;
	s23 =	simm.s32 $0x4  }
0x7: {  	s24 =	simm.s32 $0x0;
	s5 =	sand.u32 $0x1, s3;
	[smem:$0x7FF] =	sst s2  }
0x8: {  	s25 =	sadd.s32 $0xC00, s1;
	s3 =	sshll.u32 s5, $0x4;
	_ =	strace $0x8000004A  }
0x9: {  	[dreg:$0x4] =	wrdreg s25;
	s5 =	ssub.s32 $0x2, s5;
	s3 =	sor.u32 s6, s3  }
0xa: {  	s28 =	sshrl.u32 s5, $0x1;
	s26 =	sshll.u32 s3, $0x5;
	s10 =	sshll.u32 s3, $0xD  }
0xb: {  	s5 =	ssub.s32 s5, s28;
	s1 =	sadd.s32 s26, s1;
	s29 =	sadd.s32 s0, s10  }
0xc: {  	s11 =	sor.u32 $0x800, s10;
	s31 =	sor.u32 $0x1000, s10;
	s8 =	sadd.s32 s4, s10  }
0xd: {  	v0 =	vlaneseq.u32;
	s13 =	sor.u32 $0x1800, s10;
	s14 =	smax.u32 s5, $0x1;
	[dreg:$0x5] =	wrdreg s29  }
0xe: {  	v1 =	vmul.u32 $0xFF, v0;
	s30 =	sadd.s32 s0, s11;
	s1 =	sadd.s32 $0xE00, s1;
	s9 =	sadd.s32 s0, s31  }
0xf: {  	v2 =	vadd.s32 $0xFFFFFFFF, v0;
	s10 =	sadd.s32 s4, s11;
	s11 =	sadd.s32 s0, s13;
	[dreg:$0x6] =	wrdreg s30  }
0x10: {  	v3 =	vor.u32 $0x1000, v1;
	v4 =	vor.u32 $0x2000, v1;
	v5 =	vor.u32 $0x3000, v1;
	s12 =	sadd.s32 s4, s31;
	s13 =	sadd.s32 s4, s13;
	[dreg:$0x7] =	wrdreg s1  }
.LBB2_1:
0x11: {  	s0 =	rddreg [dreg:$0x5]  }
0x12: {  	[tilespmem:s2], [sflag:$0x1] =	stream.linear.gather [hbm4b:s0+s2], $0x4000, $0x38;
	[tilespmem:$0x10300] =	vst v63  }
0x13: {  	s29 =	rddreg [dreg:$0x6]  }
0x14: {  	[tilespmem:s15], [sflag:$0x2] =	stream.linear.gather [hbm4b:s29+s2], $0x4000, $0x38;
	[tilespmem:$0x10300] =	vst v63  }
0x15: {  	s30 =	simm.s32 $0x10000;
	s1 =	rddreg [dreg:$0x4]  }
0x16: {  	[tilespmem:s30], [sflag:$0x5] =	stream.linear.gather [hbm4b:s1+s2], $0x200, $0x38;
	[tilespmem:$0x10300] =	vst v63  }
0x17: {  	_ =	swait.ge [sflag:s16], $0x200  }
0x18: {  	[sflag:s16] =	ssyncset.done $0x0  }
0x19: {  	s4 =	simm.s32 $0x10200;
	s31 =	rddreg [dreg:$0x7];
	[sflag:s16] =	ssyncadd.s32 $0xFFFFFE00  }
0x1a: {  	[tilespmem:s4], [sflag:$0x5] =	stream.linear.gather [hbm4b:s31+s2], $0x100, $0x38;
	[tilespmem:$0x10300] =	vst v63  }
0x1b: {  	_ =	swait.ge [sflag:s16], $0x100  }
0x1c: {  	[sflag:s16] =	ssyncset.done $0x0  }
0x1d: {  	[sflag:s16] =	ssyncadd.s32 $0xFFFFFF00  }
0x1e: {  	v7 =	vld [tilespmem:s30+$0x0];
	_ =	sdelay $0x2  }
0x1f: {  	p0 =	sgt.u32 s3, $0x0;
	s1 =	simm.f32 $1.000000000e+00  }
0x20: {  	s1 =	simm.s32 @!p0 $0x0  }
0x21: {  	v6 =	vimm.f32 $0.0e+00;
	s0 =	simm.s32 $0x1;
	v7 =	vmul.f32 s1, v7;
	s1 =	simm.s32 $0x10010  }
.LBB2_2:
0x22: {  	v8 =	vld [tilespmem:s1+$0x0];
	p0 =	sne.s32 s0, $0x1F;
	s4 =	smov.u32 s0;
	s0 =	sadd.s32 $0x1, s0  }
.Ltmp0:
0x23: {  	v6 =	vadd.f32 v7, v6;
	(pc) =	sbr.rel @p0 .LBB2_2-.Ltmp0, $4  }
0x24: {  	_ = 	snop  }
0x25: {  	p1 =	slt.u32 s4, s3;
	s4 =	simm.f32 $1.000000000e+00  }
0x26: {  	s4 =	simm.s32 @!p1 $0x0  }
0x27: {  	s1 =	sadd.s32 $0x10, s1;
	v7 =	vmul.f32 s4, v8  }
0x28: {  	_ = 	snop  }
0x29: {  	v6 =	vadd.f32 v7, v6;
	_ =	sdelay $0x1  }
0x2a: {  	(xrf2) =	vadd.scan.msk.f32 $0xffff, v6;
	_ =	sdelay $0x9  }
0x2b: {  	v6, _, _ =	vpop (xrf2)  }
0x2c: {  	(v2sf) =	vpush v6, $0xF;
	_ =	sdelay $0xe  }
0x2d: {  	s0 =	spop (v2sf)  }
0x2e: {  	_ =	swait.ge [sflag:s18], $0x4000  }
0x2f: {  	[sflag:s18] =	ssyncset.done $0x0  }
0x30: {  	[sflag:s18] =	ssyncadd.s32 $0xFFFFC000  }
0x31: {  	v6 =	vld [tilespmem:$0x10200];
	_ =	sdelay $0x4  }
0x32: {  	(xrf2) =	vadd.scan.msk.f32 $0xffff, v6;
	_ =	sdelay $0x3  }
0x33: {  	v8 =	vld [tilespmem:$0x10210];
	_ =	sdelay $0x3  }
0x34: {  	s1 =	simm.s32 $0x0  }
0x35: {  	v7 =	vmov s1;
	(xrf2) =	vadd.scan.msk.f32 $0xffff, v8  }
0x36: {  	vm0 =	vgt.s32 v7, v2;
	v9, _, _ =	vpop (xrf2)  }
0x37: {  	v10 =	vadd.s32 s1, v1;
	(v2sf) =	vpush v9, $0xF  }
0x38: {  	v11 =	vld [tilespmem:$0x10220];
	_ =	sdelay $0x3  }
0x39: {  	v7 =	vld.idx.msk [tilespmem:v10+s2+$0x0], vm0  }
0x3a: {  	(xrf2) =	vadd.scan.msk.f32 $0xffff, v11  }
0x3b: {  	s0 =	sadd.f32 $-1.000000000e+00, s0;
	vm0 =	vmmov vm0;
	v6 =	vsub.f32 v9, v6  }
0x3c: {  	v9, _, _ =	vpop (xrf2)  }
0x3d: {  	v12 =	vadd.s32 s1, v3;
	(v2sf) =	vpush v9, $0xF;
	v6 =	vadd.f32 s0, v6  }
0x3e: {  	v7 =	vnsel vm0, $0x0, v7  }
0x3f: {  	v7 =	vadd.f32 v7, v6;
	_ =	sdelay $0x1  }
0x40: {  	v13 =	vld [tilespmem:$0x10230];
	[tilespmem:v10+s19+$0x0] =	vst.idx.msk vm0, v7  }
0x41: {  	v6 =	vld.idx.msk [tilespmem:v12+s2+$0x0], vm0  }
0x42: {  	s4 =	spop (v2sf)  }
0x43: {  	v8 =	vsub.f32 v9, v8;
	v9, _, _ =	vpop (xrf2);
	s0 =	sadd.f32 s4, s0  }
0x44: {  	(v2sf) =	vpush v9, $0xF  }
0x45: {  	v10 =	vadd.s32 s1, v4;
	v8 =	vadd.f32 s0, v8  }
0x46: {  	v6 =	vnsel vm0, $0x0, v6  }
0x47: {  	v8 =	vadd.f32 v6, v8;
	_ =	sdelay $0x1  }
0x48: {  	(xrf2) =	vadd.scan.msk.f32 $0xffff, v13;
	[tilespmem:v12+s19+$0x0] =	vst.idx.msk vm0, v8  }
0x49: {  	v6 =	vld.idx.msk [tilespmem:v10+s2+$0x0], vm0  }
0x4a: {  	s30 =	spop (v2sf)  }
0x4b: {  	v9 =	vsub.f32 v9, v11;
	s0 =	sadd.f32 s30, s0;
	_ =	sdelay $0x1  }
0x4c: {  	v11 =	vadd.s32 s1, v5;
	v9 =	vadd.f32 s0, v9  }
0x4d: {  	v6 =	vnsel vm0, $0x0, v6  }
0x4e: {  	v9 =	vadd.f32 v6, v9;
	_ =	sdelay $0x1  }
0x4f: {  	[tilespmem:v10+s19+$0x0] =	vst.idx.msk vm0, v9  }
0x50: {  	s31 =	spop (v2sf);
	v6, _, _ =	vpop (xrf2);
	v10 =	vld.idx.msk [tilespmem:v11+s2+$0x0], vm0  }
0x51: {  	s25 =	sadd.f32 s31, s0;
	v12 =	vsub.f32 v6, v13  }
0x52: {  	s26 =	simm.s32 $0x1  }
0x53: {  	v13 =	vadd.f32 s25, v12;
	v12 =	vmov s26  }
0x54: {  	vm1 =	vgt.s32 v12, v2;
	v12 =	vadd.s32 s26, v1  }
0x55: {  	v10 =	vnsel vm0, $0x0, v10  }
0x56: {  	s0 =	simm.s32 $0x2;
	v10 =	vadd.f32 v10, v13  }
.LBB2_4:
0x57: {  	_ = 	snop  }
0x58: {  	p0 =	sne.s32 s0, $0xE;
	s1 =	smov.u32 s0;
	s0 =	sadd.s32 $0x1, s0;
	[tilespmem:v11+s19+$0x0] =	vst.idx.msk vm0, v10;
	vm0 =	vmmov vm1  }
0x59: {  	v11 =	vld.idx.msk [tilespmem:v12+s2+$0x0], vm1;
	_ =	sdelay $0x4  }
0x5a: {  	v13 =	vadd.s32 s26, v3  }
0x5b: {  	v11 =	vnsel vm0, $0x0, v11  }
0x5c: {  	v7 =	vadd.f32 v11, v7;
	_ =	sdelay $0x1  }
0x5d: {  	[tilespmem:v12+s19+$0x0] =	vst.idx.msk vm1, v7  }
0x5e: {  	v11 =	vld.idx.msk [tilespmem:v13+s2+$0x0], vm1;
	_ =	sdelay $0x4  }
0x5f: {  	v12 =	vadd.s32 s26, v4  }
0x60: {  	v11 =	vnsel vm0, $0x0, v11  }
0x61: {  	v8 =	vadd.f32 v11, v8;
	_ =	sdelay $0x1  }
0x62: {  	[tilespmem:v13+s19+$0x0] =	vst.idx.msk vm1, v8  }
0x63: {  	v13 =	vld.idx.msk [tilespmem:v12+s2+$0x0], vm1;
	_ =	sdelay $0x4  }
0x64: {  	v11 =	vadd.s32 s26, v5;
	s26 =	smov.u32 s1  }
0x65: {  	v13 =	vnsel vm0, $0x0, v13  }
0x66: {  	v9 =	vadd.f32 v13, v9;
	_ =	sdelay $0x1  }
0x67: {  	[tilespmem:v12+s19+$0x0] =	vst.idx.msk vm1, v9  }
0x68: {  	v13 =	vld.idx.msk [tilespmem:v11+s2+$0x0], vm1;
	_ =	sdelay $0x2  }
.Ltmp1:
0x69: {  	v12 =	vmov s26;
	(pc) =	sbr.rel @p0 .LBB2_4-.Ltmp1, $4  }
0x6a: {  	vm1 =	vgt.s32 v12, v2  }
0x6b: {  	v12 =	vadd.s32 s26, v1  }
0x6c: {  	v13 =	vnsel vm0, $0x0, v13  }
0x6d: {  	v10 =	vadd.f32 v13, v10  }
0x6e: {  	_ =	sdelay $0x4  }
0x6f: {  	[tilespmem:v11+s19+$0x0] =	vst.idx.msk vm0, v10  }
0x70: {  	v11 =	vld.idx.msk [tilespmem:v12+s2+$0x0], vm1;
	_ =	sdelay $0x3  }
0x71: {  	vm15 =	vmmov vm1;
	v13 =	vadd.s32 s26, v3  }
0x72: {  	v11 =	vnsel vm15, $0x0, v11  }
0x73: {  	v7 =	vadd.f32 v11, v7;
	_ =	sdelay $0x1  }
0x74: {  	[tilespmem:v12+s19+$0x0] =	vst.idx.msk vm1, v7  }
0x75: {  	v11 =	vld.idx.msk [tilespmem:v13+s2+$0x0], vm1;
	_ =	sdelay $0x3  }
0x76: {  	v12 =	vadd.s32 s26, v4  }
0x77: {  	v11 =	vnsel vm15, $0x0, v11  }
0x78: {  	v8 =	vadd.f32 v11, v8;
	_ =	sdelay $0x1  }
0x79: {  	[tilespmem:v13+s19+$0x0] =	vst.idx.msk vm1, v8  }
0x7a: {  	v11 =	vld.idx.msk [tilespmem:v12+s2+$0x0], vm1;
	_ =	sdelay $0x3  }
0x7b: {  	v13 =	vadd.s32 s26, v5  }
0x7c: {  	v11 =	vnsel vm15, $0x0, v11  }
0x7d: {  	v14 =	vadd.f32 v11, v9;
	_ =	sdelay $0x1  }
0x7e: {  	[tilespmem:v12+s19+$0x0] =	vst.idx.msk vm1, v14  }
0x7f: {  	v9 =	vld.idx.msk [tilespmem:v13+s2+$0x0], vm1;
	_ =	sdelay $0x2  }
0x80: {  	s0 =	simm.s32 $0xF  }
0x81: {  	v11 =	vadd.s32 s0, v1  }
0x82: {  	v9 =	vnsel vm15, $0x0, v9  }
0x83: {  	v9 =	vadd.f32 v9, v10;
	_ =	sdelay $0x1  }
0x84: {  	s26 =	simm.s32 $0x0;
	[tilespmem:v13+s19+$0x0] =	vst.idx.msk vm1, v9  }
0x85: {  	v10 =	vld.idx.msk [tilespmem:v11+s26+$0x0], $0xffff  }
0x86: {  	s1 =	simm.s32 $0x10  }
0x87: {  	v12 =	vadd.s32 s1, v1;
	_ =	sdelay $0x1  }
0x88: {  	s29 =	simm.s32 $0x11;
	v13 =	vadd.s32 s0, v3  }
0x89: {  	v7 =	vadd.f32 v10, v7;
	v10 =	vadd.s32 s29, v1;
	_ =	sdelay $0x1  }
0x8a: {  	v15 =	vld.idx.msk [tilespmem:v12+s26+$0x0], $0xffff  }
0x8b: {  	[tilespmem:v11+s19+$0x0] =	vst.idx.msk $0xffff, v7  }
0x8c: {  	v11 =	vld.idx.msk [tilespmem:v13+s26+$0x0], $0xffff  }
0x8d: {  	s28 =	simm.s32 $0x12;
	v16 =	vadd.s32 s1, v3;
	v17 =	vld.idx.msk [tilespmem:v10+s26+$0x0], $0xffff  }
0x8e: {  	v18 =	vadd.s32 s28, v1  }
0x8f: {  	v21 =	vadd.s32 s0, v4;
	v7 =	vadd.f32 v15, v7  }
0x90: {  	v24 =	vadd.s32 s29, v3  }
0x91: {  	[tilespmem:v12+s19+$0x0] =	vst.idx.msk $0xffff, v7;
	v12 =	vadd.f32 v11, v8  }
0x92: {  	v15 =	vld.idx.msk [tilespmem:v16+s26+$0x0], $0xffff;
	v17 =	vadd.f32 v17, v7  }
0x93: {  	s31 =	simm.s32 $0x13;
	[tilespmem:v13+s19+$0x0] =	vst.idx.msk $0xffff, v12;
	v13 =	vld.idx.msk [tilespmem:v18+s26+$0x0], $0xffff  }
0x94: {  	v7 =	vadd.s32 s31, v1;
	v19 =	vld.idx.msk [tilespmem:v21+s26+$0x0], $0xffff;
	[tilespmem:v10+s19+$0x0] =	vst.idx.msk $0xffff, v17  }
0x95: {  	v11 =	vadd.s32 s1, v4;
	v22 =	vld.idx.msk [tilespmem:v24+s26+$0x0], $0xffff;
	_ =	sdelay $0x1  }
0x96: {  	v8 =	vadd.s32 s28, v3;
	v12 =	vadd.f32 v15, v12  }
0x97: {  	s30 =	simm.s32 $0x14;
	v10 =	vadd.s32 s0, v5  }
0x98: {  	[tilespmem:v16+s19+$0x0] =	vst.idx.msk $0xffff, v12;
	v26 =	vld.idx.msk [tilespmem:v7+s26+$0x0], $0xffff;
	v27 =	vadd.f32 v13, v17;
	v17 =	vadd.s32 s30, v1  }
0x99: {  	v15 =	vld.idx.msk [tilespmem:v11+s26+$0x0], $0xffff;
	v14 =	vadd.f32 v19, v14;
	v19 =	vadd.f32 v22, v12;
	v22 =	vadd.s32 s29, v4  }
0x9a: {  	[tilespmem:v18+s19+$0x0] =	vst.idx.msk $0xffff, v27  }
0x9b: {  	v23 =	vadd.s32 s31, v3;
	v20 =	vld.idx.msk [tilespmem:v8+s26+$0x0], $0xffff;
	[tilespmem:v21+s19+$0x0] =	vst.idx.msk $0xffff, v14  }
0x9c: {  	s5 =	simm.s32 $0x15;
	s17 =	simm.s32 $0x0;
	v18 =	vadd.s32 s1, v5;
	v21 =	vmov v23;
	v13 =	vld.idx.msk [tilespmem:v10+s26+$0x0], $0xffff  }
0x9d: {  	s4 =	simm.s32 $0x0;
	s0 =	simm.s32 $0x0;
	s1 =	simm.s32 $0x0;
	v12 =	vmov v18;
	v16 =	vmov v22;
	[tilespmem:v24+s19+$0x0] =	vst.idx.msk $0xffff, v19;
	v25 =	vld.idx.msk [tilespmem:v17+s26+$0x0], $0xffff;
	v24 =	vadd.f32 v26, v27  }
.LBB2_6:
0x9e: {  	v26 =	vadd.s32 s5, v1;
	v14 =	vadd.f32 v15, v14;
	v15 =	vld.idx.msk [tilespmem:v22+s0+$0x0], $0xffff;
	s6 =	smov.u32 s5;
	s7 =	smov.u32 s26;
	p0 =	sne.s32 s5, $0xFF  }
.Ltmp2:
0x9f: {  	s5 =	sadd.s32 $0x1, s5;
	v22 =	vadd.s32 s28, v4;
	[tilespmem:v7+s19+$0x0] =	vst.idx.msk $0xffff, v24;
	v7 =	vmov v17;
	v17 =	vmov v26;
	(pc) =	sbr.rel @p0 .LBB2_6-.Ltmp2, $4  }
0xa0: {  	v19 =	vadd.f32 v20, v19;
	v20 =	vld.idx.msk [tilespmem:v23+s17+$0x0], $0xffff;
	[tilespmem:v11+s19+$0x0] =	vst.idx.msk $0xffff, v14;
	v11 =	vmov v16;
	v16 =	vmov v22  }
0xa1: {  	v23 =	vadd.s32 s30, v3;
	v9 =	vadd.f32 v13, v9;
	v13 =	vld.idx.msk [tilespmem:v18+s4+$0x0], $0xffff;
	s4 =	smov.u32 s0;
	s0 =	smov.u32 s1;
	s1 =	smov.u32 s17  }
0xa2: {  	v18 =	vadd.s32 s29, v5;
	s29 =	smov.u32 s28;
	s28 =	smov.u32 s31;
	[tilespmem:v8+s19+$0x0] =	vst.idx.msk $0xffff, v19;
	v8 =	vmov v21;
	v21 =	vmov v23  }
0xa3: {  	s31 =	smov.u32 s30;
	s30 =	smov.u32 s6;
	s17 =	smov.u32 s7;
	v24 =	vadd.f32 v25, v24;
	v25 =	vld.idx.msk [tilespmem:v26+s26+$0x0], $0xffff;
	[tilespmem:v10+s19+$0x0] =	vst.idx.msk $0xffff, v9;
	v10 =	vmov v12;
	v12 =	vmov v18  }
0xa4: {  	_ =	sdelay $0x1  }
0xa5: {  	v26 =	vadd.s32 s30, v3;
	_ =	sdelay $0x1  }
0xa6: {  	[tilespmem:v7+s19+$0x0] =	vst.idx.msk $0xffff, v24;
	v7 =	vadd.f32 v25, v24  }
0xa7: {  	v23 =	vld.idx.msk [tilespmem:v23+s17+$0x0], $0xffff  }
0xa8: {  	v52 =	vadd.s32 s28, v4;
	[tilespmem:v17+s19+$0x0] =	vst.idx.msk $0xffff, v7  }
0xa9: {  	v17 =	vld.idx.msk [tilespmem:v26+s26+$0x0], $0xffff  }
0xaa: {  	v53 =	vadd.s32 s31, v4;
	v19 =	vadd.f32 v20, v19  }
0xab: {  	v22 =	vld.idx.msk [tilespmem:v22+s0+$0x0], $0xffff  }
0xac: {  	v54 =	vadd.s32 s30, v4;
	[tilespmem:v8+s19+$0x0] =	vst.idx.msk $0xffff, v19;
	v8 =	vadd.f32 v23, v19  }
0xad: {  	v14 =	vadd.f32 v15, v14;
	v55 =	vld.idx.msk [tilespmem:v52+s1+$0x0], $0xffff  }
0xae: {  	v56 =	vadd.s32 s29, v5;
	[tilespmem:v21+s19+$0x0] =	vst.idx.msk $0xffff, v8;
	v8 =	vadd.f32 v17, v8  }
0xaf: {  	[tilespmem:v11+s19+$0x0] =	vst.idx.msk $0xffff, v14;
	v11 =	vld.idx.msk [tilespmem:v53+s17+$0x0], $0xffff  }
0xb0: {  	v58 =	vadd.s32 s28, v5;
	v57 =	vld.idx.msk [tilespmem:v18+s4+$0x0], $0xffff;
	v14 =	vadd.f32 v22, v14;
	[tilespmem:v26+s19+$0x0] =	vst.idx.msk $0xffff, v8  }
0xb1: {  	v59 =	vld.idx.msk [tilespmem:v54+s26+$0x0], $0xffff  }
0xb2: {  	v60 =	vadd.s32 s31, v5;
	[tilespmem:v16+s19+$0x0] =	vst.idx.msk $0xffff, v14;
	v14 =	vadd.f32 v55, v14  }
0xb3: {  	v16 =	vld.idx.msk [tilespmem:v56+s0+$0x0], $0xffff  }
0xb4: {  	v13 =	vadd.f32 v13, v9;
	[tilespmem:v52+s19+$0x0] =	vst.idx.msk $0xffff, v14;
	v9 =	vadd.f32 v11, v14;
	v11 =	vadd.s32 s30, v5  }
0xb5: {  	v61 =	vld.idx.msk [tilespmem:v58+s1+$0x0], $0xffff  }
0xb6: {  	v17 =	vadd.f32 v57, v13;
	[tilespmem:v53+s19+$0x0] =	vst.idx.msk $0xffff, v9;
	v9 =	vadd.f32 v59, v9  }
0xb7: {  	v20 =	vld.idx.msk [tilespmem:v60+s17+$0x0], $0xffff  }
0xb8: {  	v16 =	vadd.f32 v16, v17;
	[tilespmem:v54+s19+$0x0] =	vst.idx.msk $0xffff, v9  }
0xb9: {  	v19 =	vld.idx.msk [tilespmem:v11+s26+$0x0], $0xffff  }
0xba: {  	v14 =	vadd.f32 v61, v16  }
0xbb: {  	p1 =	por $0x1, $0x1;
	[tilespmem:v10+s19+$0x0] =	vst.idx.msk $0xffff, v13  }
.Ltmp3:
0xbc: {  	[tilespmem:v12+s19+$0x0] =	vst.idx.msk $0xffff, v17;
	v62 =	vadd.f32 v20, v14;
	(pc) =	sbr.rel @!p1 .LBB2_8-.Ltmp3, $4  }
0xbd: {  	[tilespmem:v56+s19+$0x0] =	vst.idx.msk $0xffff, v16  }
0xbe: {  	[tilespmem:v58+s19+$0x0] =	vst.idx.msk $0xffff, v14;
	v10 =	vadd.f32 v19, v62  }
0xbf: {  	v63 =	vmov s26;
	s26 =	simm.s32 $0x100;
	[tilespmem:v60+s19+$0x0] =	vst.idx.msk $0xffff, v62  }
0xc0: {  	p0 =	por $0x0, $0x0;
	vm1 =	vlt.s32 v63, v0;
	s0 =	simm.s32 $0x1;
	[tilespmem:v11+s19+$0x0] =	vst.idx.msk $0xffff, v10;
	v11 =	vadd.s32 s26, v1  }
0xc1: {  	_ =	sdelay $0x4  }
0xc2: {  	v12 =	vld.idx.msk [tilespmem:v11+s2+$0x0], vm1;
	_ =	sdelay $0x3  }
0xc3: {  	vm0 =	vmmov vm1;
	v13 =	vadd.s32 s26, v3  }
0xc4: {  	v12 =	vnsel vm0, $0x0, v12  }
0xc5: {  	v7 =	vadd.f32 v12, v7;
	_ =	sdelay $0x1  }
0xc6: {  	[tilespmem:v11+s19+$0x0] =	vst.idx.msk vm1, v7  }
0xc7: {  	v11 =	vld.idx.msk [tilespmem:v13+s2+$0x0], vm1;
	_ =	sdelay $0x3  }
0xc8: {  	v14 =	vadd.s32 s26, v4  }
0xc9: {  	v11 =	vnsel vm0, $0x0, v11  }
0xca: {  	v8 =	vadd.f32 v11, v8;
	_ =	sdelay $0x1  }
0xcb: {  	[tilespmem:v13+s19+$0x0] =	vst.idx.msk vm1, v8  }
0xcc: {  	v11 =	vld.idx.msk [tilespmem:v14+s2+$0x0], vm1;
	_ =	sdelay $0x3  }
0xcd: {  	v12 =	vadd.s32 s26, v5  }
0xce: {  	v11 =	vnsel vm0, $0x0, v11  }
0xcf: {  	v9 =	vadd.f32 v11, v9;
	_ =	sdelay $0x1  }
0xd0: {  	[tilespmem:v14+s19+$0x0] =	vst.idx.msk vm1, v9  }
0xd1: {  	v11 =	vld.idx.msk [tilespmem:v12+s2+$0x0], vm1;
	_ =	sdelay $0x1  }
0xd2: {  	p1 =	por $0x1, $0x1  }
.Ltmp4:
0xd3: {  	_ = 	snop;
	(pc) =	sbr.rel @!p1 .LBB2_11-.Ltmp4, $4  }
0xd4: {  	s26 =	simm.s32 $0x101  }
0xd5: {  	v14 =	vnsel vm0, $0x0, v11;
	v11 =	vadd.s32 s26, v1  }
0xd6: {  	v13 =	vmov s0  }
0xd7: {  	p0 =	por $0x1, $0x1;
	s0 =	simm.s32 $0x2;
	vm1 =	vlt.s32 v13, v0;
	v10 =	vadd.f32 v14, v10  }
.LBB2_10:
0xd8: {  	_ = 	snop  }
0xd9: {  	p1 =	sne.s32 s0, $0xE;
	s1 =	smov.u32 s0;
	s0 =	sadd.s32 $0x1, s0;
	[tilespmem:v12+s19+$0x0] =	vst.idx.msk vm0, v10;
	vm0 =	vmmov vm1  }
0xda: {  	v12 =	vld.idx.msk [tilespmem:v11+s2+$0x0], vm1;
	_ =	sdelay $0x4  }
0xdb: {  	v13 =	vadd.s32 s26, v3  }
0xdc: {  	v12 =	vnsel vm0, $0x0, v12  }
0xdd: {  	v7 =	vadd.f32 v12, v7;
	_ =	sdelay $0x1  }
0xde: {  	[tilespmem:v11+s19+$0x0] =	vst.idx.msk vm1, v7  }
0xdf: {  	v11 =	vld.idx.msk [tilespmem:v13+s2+$0x0], vm1;
	_ =	sdelay $0x4  }
0xe0: {  	v14 =	vadd.s32 s26, v4  }
0xe1: {  	v11 =	vnsel vm0, $0x0, v11  }
0xe2: {  	v8 =	vadd.f32 v11, v8;
	_ =	sdelay $0x1  }
0xe3: {  	[tilespmem:v13+s19+$0x0] =	vst.idx.msk vm1, v8  }
0xe4: {  	v11 =	vld.idx.msk [tilespmem:v14+s2+$0x0], vm1;
	_ =	sdelay $0x4  }
0xe5: {  	v12 =	vadd.s32 s26, v5  }
0xe6: {  	v11 =	vnsel vm0, $0x0, v11  }
0xe7: {  	v9 =	vadd.f32 v11, v9;
	_ =	sdelay $0x1  }
0xe8: {  	[tilespmem:v14+s19+$0x0] =	vst.idx.msk vm1, v9  }
0xe9: {  	v13 =	vld.idx.msk [tilespmem:v12+s2+$0x0], vm1;
	_ =	sdelay $0x2  }
.Ltmp5:
0xea: {  	v11 =	vmov s1;
	(pc) =	sbr.rel @p1 .LBB2_10-.Ltmp5, $4  }
0xeb: {  	s26 =	sadd.s32 $0x100, s1;
	vm1 =	vlt.s32 v11, v0  }
0xec: {  	v11 =	vadd.s32 s26, v1  }
0xed: {  	v13 =	vnsel vm0, $0x0, v13  }
0xee: {  	v10 =	vadd.f32 v13, v10  }
.LBB2_11:
0xef: {  	_ =	sdelay $0x4  }
0xf0: {  	[tilespmem:v12+s19+$0x0] =	vst.idx.msk @p0 vm0, v10  }
0xf1: {  	v12 =	vld.idx.msk [tilespmem:v11+s2+$0x0], vm1;
	_ =	sdelay $0x3  }
0xf2: {  	v13 =	vadd.s32 s26, v3;
	vm0 =	vmmov vm1  }
0xf3: {  	v12 =	vnsel vm0, $0x0, v12  }
0xf4: {  	v7 =	vadd.f32 v12, v7;
	_ =	sdelay $0x1  }
0xf5: {  	[tilespmem:v11+s19+$0x0] =	vst.idx.msk vm1, v7  }
0xf6: {  	v7 =	vld.idx.msk [tilespmem:v13+s2+$0x0], vm1;
	_ =	sdelay $0x3  }
0xf7: {  	v11 =	vadd.s32 s26, v4  }
0xf8: {  	v7 =	vnsel vm0, $0x0, v7  }
0xf9: {  	v7 =	vadd.f32 v7, v8;
	_ =	sdelay $0x1  }
0xfa: {  	[tilespmem:v13+s19+$0x0] =	vst.idx.msk vm1, v7  }
0xfb: {  	v7 =	vld.idx.msk [tilespmem:v11+s2+$0x0], vm1;
	_ =	sdelay $0x3  }
0xfc: {  	(v2sf) =	vpush v6, $0xF;
	v8 =	vadd.s32 s26, v5  }
0xfd: {  	v6 =	vnsel vm0, $0x0, v7  }
0xfe: {  	v6 =	vadd.f32 v6, v9;
	_ =	sdelay $0x1  }
0xff: {  	[tilespmem:v11+s19+$0x0] =	vst.idx.msk vm1, v6  }
0x100: {  	v6 =	vld.idx.msk [tilespmem:v8+s2+$0x0], vm1;
	_ =	sdelay $0x4  }
0x101: {  	v6 =	vnsel vm0, $0x0, v6  }
0x102: {  	v6 =	vadd.f32 v6, v10;
	_ =	sdelay $0x1  }
0x103: {  	s0 =	simm.s32 $0x0;
	[tilespmem:v8+s19+$0x0] =	vst.idx.msk vm1, v6  }
0x104: {  	[hbm4b:s8+s0] =	stream.linear.scatter [tilespmem:s19], [sflag:$0x3], $0x4000, $0x38;
	[tilespmem:$0x10300] =	vst v63  }
0x105: {  	s1 =	spop (v2sf)  }
0x106: {  	[tilespmem:s0], [sflag:$0x1] =	stream.linear.gather [hbm4b:s9+s0], $0x4000, $0x38;
	[tilespmem:$0x10300] =	vst v63  }
0x107: {  	_ =	swait.ge [sflag:s20], $0x4000  }
0x108: {  	[sflag:s20] =	ssyncset.done $0x0  }
0x109: {  	[sflag:s20] =	ssyncadd.s32 $0xFFFFC000  }
0x10a: {  	v6 =	vld [tilespmem:$0x10240];
	_ =	sdelay $0x4  }
0x10b: {  	(xrf2) =	vadd.scan.msk.f32 $0xffff, v6;
	_ =	sdelay $0x3  }
0x10c: {  	v8 =	vld [tilespmem:$0x10250];
	_ =	sdelay $0x4  }
0x10d: {  	v7 =	vmov s0;
	(xrf2) =	vadd.scan.msk.f32 $0xffff, v8  }
0x10e: {  	vm0 =	vgt.s32 v7, v2;
	v9, _, _ =	vpop (xrf2)  }
0x10f: {  	v10 =	vadd.s32 s0, v1;
	(v2sf) =	vpush v9, $0xF  }
0x110: {  	v11 =	vld [tilespmem:$0x10260];
	_ =	sdelay $0x3  }
0x111: {  	v7 =	vld.idx.msk [tilespmem:v10+s15+$0x0], vm0  }
0x112: {  	(xrf2) =	vadd.scan.msk.f32 $0xffff, v11  }
0x113: {  	s1 =	sadd.f32 s1, s25;
	vm0 =	vmmov vm0;
	v6 =	vsub.f32 v9, v6  }
0x114: {  	v9, _, _ =	vpop (xrf2)  }
0x115: {  	v12 =	vadd.s32 s0, v3;
	(v2sf) =	vpush v9, $0xF;
	v6 =	vadd.f32 s1, v6  }
0x116: {  	v7 =	vnsel vm0, $0x0, v7  }
0x117: {  	v7 =	vadd.f32 v7, v6;
	_ =	sdelay $0x1  }
0x118: {  	v13 =	vld [tilespmem:$0x10270];
	[tilespmem:v10+s21+$0x0] =	vst.idx.msk vm0, v7  }
0x119: {  	v6 =	vld.idx.msk [tilespmem:v12+s15+$0x0], vm0  }
0x11a: {  	s4 =	spop (v2sf)  }
0x11b: {  	v8 =	vsub.f32 v9, v8;
	v9, _, _ =	vpop (xrf2);
	s1 =	sadd.f32 s4, s1  }
0x11c: {  	(v2sf) =	vpush v9, $0xF  }
0x11d: {  	v10 =	vadd.s32 s0, v4;
	v8 =	vadd.f32 s1, v8  }
0x11e: {  	v6 =	vnsel vm0, $0x0, v6  }
0x11f: {  	v8 =	vadd.f32 v6, v8;
	_ =	sdelay $0x1  }
0x120: {  	(xrf2) =	vadd.scan.msk.f32 $0xffff, v13;
	[tilespmem:v12+s21+$0x0] =	vst.idx.msk vm0, v8  }
0x121: {  	v6 =	vld.idx.msk [tilespmem:v10+s15+$0x0], vm0  }
0x122: {  	s30 =	spop (v2sf)  }
0x123: {  	v9 =	vsub.f32 v9, v11;
	s1 =	sadd.f32 s30, s1;
	_ =	sdelay $0x1  }
0x124: {  	v11 =	vadd.s32 s0, v5;
	v9 =	vadd.f32 s1, v9  }
0x125: {  	v6 =	vnsel vm0, $0x0, v6  }
0x126: {  	v9 =	vadd.f32 v6, v9;
	_ =	sdelay $0x1  }
0x127: {  	[tilespmem:v10+s21+$0x0] =	vst.idx.msk vm0, v9  }
0x128: {  	s31 =	spop (v2sf);
	v6, _, _ =	vpop (xrf2);
	v10 =	vld.idx.msk [tilespmem:v11+s15+$0x0], vm0  }
0x129: {  	s25 =	sadd.f32 s31, s1;
	v12 =	vsub.f32 v6, v13  }
0x12a: {  	s26 =	simm.s32 $0x1  }
0x12b: {  	v13 =	vadd.f32 s25, v12;
	v12 =	vmov s26  }
0x12c: {  	vm1 =	vgt.s32 v12, v2;
	v12 =	vadd.s32 s26, v1  }
0x12d: {  	v10 =	vnsel vm0, $0x0, v10  }
0x12e: {  	s0 =	simm.s32 $0x2;
	v10 =	vadd.f32 v10, v13  }
.LBB2_12:
0x12f: {  	_ = 	snop  }
0x130: {  	p0 =	sne.s32 s0, $0xE;
	s1 =	smov.u32 s0;
	s0 =	sadd.s32 $0x1, s0;
	[tilespmem:v11+s21+$0x0] =	vst.idx.msk vm0, v10;
	vm0 =	vmmov vm1  }
0x131: {  	v11 =	vld.idx.msk [tilespmem:v12+s15+$0x0], vm1;
	_ =	sdelay $0x4  }
0x132: {  	v13 =	vadd.s32 s26, v3  }
0x133: {  	v11 =	vnsel vm0, $0x0, v11  }
0x134: {  	v7 =	vadd.f32 v11, v7;
	_ =	sdelay $0x1  }
0x135: {  	[tilespmem:v12+s21+$0x0] =	vst.idx.msk vm1, v7  }
0x136: {  	v11 =	vld.idx.msk [tilespmem:v13+s15+$0x0], vm1;
	_ =	sdelay $0x4  }
0x137: {  	v12 =	vadd.s32 s26, v4  }
0x138: {  	v11 =	vnsel vm0, $0x0, v11  }
0x139: {  	v8 =	vadd.f32 v11, v8;
	_ =	sdelay $0x1  }
0x13a: {  	[tilespmem:v13+s21+$0x0] =	vst.idx.msk vm1, v8  }
0x13b: {  	v13 =	vld.idx.msk [tilespmem:v12+s15+$0x0], vm1;
	_ =	sdelay $0x4  }
0x13c: {  	v11 =	vadd.s32 s26, v5;
	s26 =	smov.u32 s1  }
0x13d: {  	v13 =	vnsel vm0, $0x0, v13  }
0x13e: {  	v9 =	vadd.f32 v13, v9;
	_ =	sdelay $0x1  }
0x13f: {  	[tilespmem:v12+s21+$0x0] =	vst.idx.msk vm1, v9  }
0x140: {  	v13 =	vld.idx.msk [tilespmem:v11+s15+$0x0], vm1;
	_ =	sdelay $0x2  }
.Ltmp6:
0x141: {  	v12 =	vmov s26;
	(pc) =	sbr.rel @p0 .LBB2_12-.Ltmp6, $4  }
0x142: {  	vm1 =	vgt.s32 v12, v2  }
0x143: {  	v12 =	vadd.s32 s26, v1  }
0x144: {  	v13 =	vnsel vm0, $0x0, v13  }
0x145: {  	v10 =	vadd.f32 v13, v10  }
0x146: {  	_ =	sdelay $0x4  }
0x147: {  	[tilespmem:v11+s21+$0x0] =	vst.idx.msk vm0, v10  }
0x148: {  	v11 =	vld.idx.msk [tilespmem:v12+s15+$0x0], vm1;
	_ =	sdelay $0x3  }
0x149: {  	vm15 =	vmmov vm1;
	v13 =	vadd.s32 s26, v3  }
0x14a: {  	v11 =	vnsel vm15, $0x0, v11  }
0x14b: {  	v11 =	vadd.f32 v11, v7;
	_ =	sdelay $0x1  }
0x14c: {  	[tilespmem:v12+s21+$0x0] =	vst.idx.msk vm1, v11  }
0x14d: {  	v7 =	vld.idx.msk [tilespmem:v13+s15+$0x0], vm1;
	_ =	sdelay $0x3  }
0x14e: {  	v12 =	vadd.s32 s26, v4  }
0x14f: {  	v7 =	vnsel vm15, $0x0, v7  }
0x150: {  	v8 =	vadd.f32 v7, v8;
	_ =	sdelay $0x1  }
0x151: {  	[tilespmem:v13+s21+$0x0] =	vst.idx.msk vm1, v8  }
0x152: {  	v7 =	vld.idx.msk [tilespmem:v12+s15+$0x0], vm1;
	_ =	sdelay $0x3  }
0x153: {  	v13 =	vadd.s32 s26, v5  }
0x154: {  	v7 =	vnsel vm15, $0x0, v7  }
0x155: {  	v9 =	vadd.f32 v7, v9;
	_ =	sdelay $0x1  }
0x156: {  	[tilespmem:v12+s21+$0x0] =	vst.idx.msk vm1, v9  }
0x157: {  	v7 =	vld.idx.msk [tilespmem:v13+s15+$0x0], vm1;
	_ =	sdelay $0x2  }
0x158: {  	s0 =	simm.s32 $0xF  }
0x159: {  	v12 =	vadd.s32 s0, v1  }
0x15a: {  	v7 =	vnsel vm15, $0x0, v7  }
0x15b: {  	v7 =	vadd.f32 v7, v10;
	_ =	sdelay $0x1  }
0x15c: {  	[tilespmem:v13+s21+$0x0] =	vst.idx.msk vm1, v7  }
0x15d: {  	s1 =	simm.s32 $0x10;
	v10 =	vld.idx.msk [tilespmem:v12+s15+$0x0], $0xffff  }
0x15e: {  	v13 =	vadd.s32 s1, v1;
	_ =	sdelay $0x2  }
0x15f: {  	s28 =	simm.s32 $0x11;
	v14 =	vadd.s32 s0, v3  }
0x160: {  	v10 =	vadd.f32 v10, v11;
	v11 =	vadd.s32 s28, v1  }
0x161: {  	v15 =	vld.idx.msk [tilespmem:v13+s15+$0x0], $0xffff;
	_ =	sdelay $0x1  }
0x162: {  	[tilespmem:v12+s21+$0x0] =	vst.idx.msk $0xffff, v10  }
0x163: {  	v16 =	vadd.s32 s1, v3;
	s26 =	simm.s32 $0x12;
	v12 =	vld.idx.msk [tilespmem:v14+s15+$0x0], $0xffff  }
0x164: {  	v19 =	vadd.s32 s26, v1;
	v17 =	vld.idx.msk [tilespmem:v11+s15+$0x0], $0xffff  }
0x165: {  	v10 =	vadd.f32 v15, v10  }
0x166: {  	v21 =	vadd.s32 s0, v4  }
0x167: {  	v24 =	vadd.s32 s28, v3;
	[tilespmem:v13+s21+$0x0] =	vst.idx.msk $0xffff, v10  }
0x168: {  	v13 =	vld.idx.msk [tilespmem:v16+s15+$0x0], $0xffff;
	v8 =	vadd.f32 v12, v8  }
0x169: {  	v15 =	vld.idx.msk [tilespmem:v19+s15+$0x0], $0xffff;
	v17 =	vadd.f32 v17, v10  }
0x16a: {  	s29 =	simm.s32 $0x13;
	[tilespmem:v14+s21+$0x0] =	vst.idx.msk $0xffff, v8  }
0x16b: {  	v14 =	vadd.s32 s29, v1;
	v20 =	vld.idx.msk [tilespmem:v21+s15+$0x0], $0xffff;
	[tilespmem:v11+s21+$0x0] =	vst.idx.msk $0xffff, v17  }
0x16c: {  	s30 =	simm.s32 $0x14;
	v10 =	vadd.s32 s1, v4;
	v11 =	vld.idx.msk [tilespmem:v24+s15+$0x0], $0xffff  }
0x16d: {  	v18 =	vadd.s32 s30, v1;
	v22 =	vadd.f32 v13, v8  }
0x16e: {  	v12 =	vadd.s32 s26, v3;
	v27 =	vadd.f32 v15, v17  }
0x16f: {  	v8 =	vadd.s32 s0, v5;
	[tilespmem:v16+s21+$0x0] =	vst.idx.msk $0xffff, v22  }
0x170: {  	[tilespmem:v19+s21+$0x0] =	vst.idx.msk $0xffff, v27;
	v26 =	vld.idx.msk [tilespmem:v14+s15+$0x0], $0xffff  }
0x171: {  	v15 =	vld.idx.msk [tilespmem:v10+s15+$0x0], $0xffff;
	v13 =	vadd.f32 v20, v9;
	v19 =	vadd.f32 v11, v22;
	v22 =	vadd.s32 s28, v4  }
0x172: {  	v25 =	vld.idx.msk [tilespmem:v18+s15+$0x0], $0xffff  }
0x173: {  	v23 =	vadd.s32 s29, v3;
	v20 =	vld.idx.msk [tilespmem:v12+s15+$0x0], $0xffff;
	[tilespmem:v21+s21+$0x0] =	vst.idx.msk $0xffff, v13  }
0x174: {  	v17 =	vadd.s32 s1, v5;
	v11 =	vld.idx.msk [tilespmem:v8+s15+$0x0], $0xffff  }
0x175: {  	s0 =	simm.s32 $0x15;
	v9 =	vmovc v17;
	v21 =	vmov v23;
	v16 =	vmov v22;
	[tilespmem:v24+s21+$0x0] =	vst.idx.msk $0xffff, v19;
	v24 =	vadd.f32 v26, v27  }
.LBB2_14:
0x176: {  	v26 =	vadd.s32 s0, v1;
	v13 =	vadd.f32 v15, v13;
	v15 =	vld.idx.msk [tilespmem:v22+s15+$0x0], $0xffff;
	s1 =	smov.u32 s0;
	p0 =	sne.s32 s0, $0xFF  }
.Ltmp7:
0x177: {  	s0 =	sadd.s32 $0x1, s0;
	v22 =	vadd.s32 s26, v4;
	[tilespmem:v14+s21+$0x0] =	vst.idx.msk $0xffff, v24;
	v14 =	vmov v18;
	v18 =	vmov v26;
	(pc) =	sbr.rel @p0 .LBB2_14-.Ltmp7, $4  }
0x178: {  	v19 =	vadd.f32 v20, v19;
	v20 =	vld.idx.msk [tilespmem:v23+s15+$0x0], $0xffff;
	[tilespmem:v10+s21+$0x0] =	vst.idx.msk $0xffff, v13;
	v10 =	vmov v16;
	v16 =	vmov v22  }
0x179: {  	v23 =	vadd.s32 s30, v3;
	v7 =	vadd.f32 v11, v7;
	v11 =	vld.idx.msk [tilespmem:v17+s15+$0x0], $0xffff  }
0x17a: {  	v17 =	vadd.s32 s28, v5;
	s28 =	smov.u32 s26;
	s26 =	smov.u32 s29;
	s29 =	smov.u32 s30;
	[tilespmem:v12+s21+$0x0] =	vst.idx.msk $0xffff, v19;
	v12 =	vmov v21;
	v21 =	vmov v23  }
0x17b: {  	s30 =	smov.u32 s1;
	v24 =	vadd.f32 v25, v24;
	v25 =	vld.idx.msk [tilespmem:v26+s15+$0x0], $0xffff;
	[tilespmem:v8+s21+$0x0] =	vst.idx.msk $0xffff, v7;
	v8 =	vmov v9;
	v9 =	vmov v17  }
0x17c: {  	_ =	sdelay $0x1  }
0x17d: {  	v26 =	vadd.s32 s30, v3;
	_ =	sdelay $0x1  }
0x17e: {  	[tilespmem:v14+s21+$0x0] =	vst.idx.msk $0xffff, v24;
	v14 =	vadd.f32 v25, v24  }
0x17f: {  	v23 =	vld.idx.msk [tilespmem:v23+s15+$0x0], $0xffff  }
0x180: {  	v57 =	vadd.s32 s26, v4;
	[tilespmem:v18+s21+$0x0] =	vst.idx.msk $0xffff, v14  }
0x181: {  	v18 =	vld.idx.msk [tilespmem:v26+s15+$0x0], $0xffff  }
0x182: {  	v58 =	vadd.s32 s29, v4;
	v19 =	vadd.f32 v20, v19  }
0x183: {  	v22 =	vld.idx.msk [tilespmem:v22+s15+$0x0], $0xffff  }
0x184: {  	v59 =	vadd.s32 s30, v4;
	[tilespmem:v12+s21+$0x0] =	vst.idx.msk $0xffff, v19;
	v12 =	vadd.f32 v23, v19  }
0x185: {  	v13 =	vadd.f32 v15, v13;
	v15 =	vld.idx.msk [tilespmem:v57+s15+$0x0], $0xffff  }
0x186: {  	v60 =	vadd.s32 s28, v5;
	[tilespmem:v21+s21+$0x0] =	vst.idx.msk $0xffff, v12;
	v12 =	vadd.f32 v18, v12  }
0x187: {  	[tilespmem:v10+s21+$0x0] =	vst.idx.msk $0xffff, v13;
	v10 =	vld.idx.msk [tilespmem:v58+s15+$0x0], $0xffff  }
0x188: {  	v61 =	vadd.s32 s26, v5;
	v17 =	vld.idx.msk [tilespmem:v17+s15+$0x0], $0xffff;
	v13 =	vadd.f32 v22, v13;
	[tilespmem:v26+s21+$0x0] =	vst.idx.msk $0xffff, v12  }
0x189: {  	v62 =	vld.idx.msk [tilespmem:v59+s15+$0x0], $0xffff  }
0x18a: {  	[tilespmem:v16+s21+$0x0] =	vst.idx.msk $0xffff, v13;
	v13 =	vadd.f32 v15, v13;
	v15 =	vadd.s32 s29, v5  }
0x18b: {  	v16 =	vld.idx.msk [tilespmem:v60+s15+$0x0], $0xffff  }
0x18c: {  	v7 =	vadd.f32 v11, v7;
	v11 =	vadd.s32 s30, v5;
	[tilespmem:v57+s21+$0x0] =	vst.idx.msk $0xffff, v13;
	v10 =	vadd.f32 v10, v13  }
0x18d: {  	v13 =	vld.idx.msk [tilespmem:v61+s15+$0x0], $0xffff  }
0x18e: {  	v17 =	vadd.f32 v17, v7;
	[tilespmem:v58+s21+$0x0] =	vst.idx.msk $0xffff, v10;
	v10 =	vadd.f32 v62, v10  }
0x18f: {  	v20 =	vld.idx.msk [tilespmem:v15+s15+$0x0], $0xffff  }
0x190: {  	v16 =	vadd.f32 v16, v17;
	[tilespmem:v59+s21+$0x0] =	vst.idx.msk $0xffff, v10  }
0x191: {  	s0 =	simm.s32 $0x0;
	v19 =	vld.idx.msk [tilespmem:v11+s15+$0x0], $0xffff  }
0x192: {  	v63 =	vmov s0;
	v13 =	vadd.f32 v13, v16  }
0x193: {  	s30 =	simm.s32 $0x100;
	vm0 =	vlt.s32 v63, v0;
	[tilespmem:v8+s21+$0x0] =	vst.idx.msk $0xffff, v7  }
0x194: {  	[tilespmem:v9+s21+$0x0] =	vst.idx.msk $0xffff, v17;
	v9 =	vadd.s32 s30, v1;
	v7 =	vadd.f32 v20, v13  }
0x195: {  	[tilespmem:v60+s21+$0x0] =	vst.idx.msk $0xffff, v16  }
0x196: {  	[tilespmem:v61+s21+$0x0] =	vst.idx.msk $0xffff, v13;
	v13 =	vadd.f32 v19, v7  }
0x197: {  	[tilespmem:v15+s21+$0x0] =	vst.idx.msk $0xffff, v7  }
0x198: {  	[tilespmem:v11+s21+$0x0] =	vst.idx.msk $0xffff, v13  }
0x199: {  	v7 =	vld.idx.msk [tilespmem:v9+s15+$0x0], vm0;
	_ =	sdelay $0x1  }
0x19a: {  	vm0 =	vmmov vm0;
	_ =	sdelay $0x1  }
0x19b: {  	v11 =	vadd.s32 s30, v3  }
0x19c: {  	v7 =	vnsel vm0, $0x0, v7  }
0x19d: {  	v8 =	vadd.f32 v7, v14;
	_ =	sdelay $0x1  }
0x19e: {  	[tilespmem:v9+s21+$0x0] =	vst.idx.msk vm0, v8  }
0x19f: {  	v7 =	vld.idx.msk [tilespmem:v11+s15+$0x0], vm0;
	_ =	sdelay $0x3  }
0x1a0: {  	v14 =	vadd.s32 s30, v4  }
0x1a1: {  	v7 =	vnsel vm0, $0x0, v7  }
0x1a2: {  	v9 =	vadd.f32 v7, v12;
	_ =	sdelay $0x1  }
0x1a3: {  	[tilespmem:v11+s21+$0x0] =	vst.idx.msk vm0, v9  }
0x1a4: {  	v7 =	vld.idx.msk [tilespmem:v14+s15+$0x0], vm0;
	_ =	sdelay $0x3  }
0x1a5: {  	v11 =	vadd.s32 s30, v5  }
0x1a6: {  	v7 =	vnsel vm0, $0x0, v7  }
0x1a7: {  	v7 =	vadd.f32 v7, v10;
	_ =	sdelay $0x1  }
0x1a8: {  	[tilespmem:v14+s21+$0x0] =	vst.idx.msk vm0, v7  }
0x1a9: {  	v10 =	vld.idx.msk [tilespmem:v11+s15+$0x0], vm0;
	_ =	sdelay $0x1  }
0x1aa: {  	s31 =	simm.s32 $0x1  }
0x1ab: {  	s0 =	simm.s32 $0x101;
	v12 =	vmov s31  }
0x1ac: {  	vm1 =	vlt.s32 v12, v0;
	v12 =	vadd.s32 s0, v1  }
0x1ad: {  	v10 =	vnsel vm0, $0x0, v10  }
0x1ae: {  	s1 =	simm.s32 $0x2;
	v10 =	vadd.f32 v10, v13  }
.LBB2_16:
0x1af: {  	_ = 	snop  }
0x1b0: {  	p0 =	sne.s32 s1, $0xE;
	s4 =	smov.u32 s1;
	s1 =	sadd.s32 $0x1, s1;
	[tilespmem:v11+s21+$0x0] =	vst.idx.msk vm0, v10;
	vm0 =	vmmov vm1  }
0x1b1: {  	v11 =	vld.idx.msk [tilespmem:v12+s15+$0x0], vm1;
	_ =	sdelay $0x4  }
0x1b2: {  	v13 =	vadd.s32 s0, v3  }
0x1b3: {  	v11 =	vnsel vm0, $0x0, v11  }
0x1b4: {  	v8 =	vadd.f32 v11, v8;
	_ =	sdelay $0x1  }
0x1b5: {  	[tilespmem:v12+s21+$0x0] =	vst.idx.msk vm1, v8  }
0x1b6: {  	v11 =	vld.idx.msk [tilespmem:v13+s15+$0x0], vm1;
	_ =	sdelay $0x4  }
0x1b7: {  	v12 =	vadd.s32 s0, v4  }
0x1b8: {  	v11 =	vnsel vm0, $0x0, v11  }
0x1b9: {  	v9 =	vadd.f32 v11, v9;
	_ =	sdelay $0x1  }
0x1ba: {  	[tilespmem:v13+s21+$0x0] =	vst.idx.msk vm1, v9  }
0x1bb: {  	v13 =	vld.idx.msk [tilespmem:v12+s15+$0x0], vm1;
	_ =	sdelay $0x4  }
0x1bc: {  	v11 =	vadd.s32 s0, v5  }
0x1bd: {  	v13 =	vnsel vm0, $0x0, v13  }
0x1be: {  	v7 =	vadd.f32 v13, v7;
	_ =	sdelay $0x1  }
0x1bf: {  	[tilespmem:v12+s21+$0x0] =	vst.idx.msk vm1, v7  }
0x1c0: {  	v13 =	vld.idx.msk [tilespmem:v11+s15+$0x0], vm1;
	_ =	sdelay $0x2  }
.Ltmp8:
0x1c1: {  	v12 =	vmov s4;
	(pc) =	sbr.rel @p0 .LBB2_16-.Ltmp8, $4  }
0x1c2: {  	s0 =	sadd.s32 $0x100, s4;
	vm1 =	vlt.s32 v12, v0  }
0x1c3: {  	v12 =	vadd.s32 s0, v1  }
0x1c4: {  	v13 =	vnsel vm0, $0x0, v13  }
0x1c5: {  	v10 =	vadd.f32 v13, v10  }
0x1c6: {  	_ =	sdelay $0x4  }
0x1c7: {  	[tilespmem:v11+s21+$0x0] =	vst.idx.msk vm0, v10  }
0x1c8: {  	v11 =	vld.idx.msk [tilespmem:v12+s15+$0x0], vm1;
	_ =	sdelay $0x3  }
0x1c9: {  	v13 =	vadd.s32 s0, v3;
	vm0 =	vmmov vm1  }
0x1ca: {  	v11 =	vnsel vm0, $0x0, v11  }
0x1cb: {  	v8 =	vadd.f32 v11, v8;
	_ =	sdelay $0x1  }
0x1cc: {  	[tilespmem:v12+s21+$0x0] =	vst.idx.msk vm1, v8  }
0x1cd: {  	v8 =	vld.idx.msk [tilespmem:v13+s15+$0x0], vm1;
	_ =	sdelay $0x3  }
0x1ce: {  	v11 =	vadd.s32 s0, v4  }
0x1cf: {  	v8 =	vnsel vm0, $0x0, v8  }
0x1d0: {  	v8 =	vadd.f32 v8, v9;
	_ =	sdelay $0x1  }
0x1d1: {  	[tilespmem:v13+s21+$0x0] =	vst.idx.msk vm1, v8  }
0x1d2: {  	v8 =	vld.idx.msk [tilespmem:v11+s15+$0x0], vm1;
	_ =	sdelay $0x3  }
0x1d3: {  	(v2sf) =	vpush v6, $0xF;
	v9 =	vadd.s32 s0, v5  }
0x1d4: {  	v6 =	vnsel vm0, $0x0, v8  }
0x1d5: {  	v6 =	vadd.f32 v6, v7;
	_ =	sdelay $0x1  }
0x1d6: {  	[tilespmem:v11+s21+$0x0] =	vst.idx.msk vm1, v6  }
0x1d7: {  	v6 =	vld.idx.msk [tilespmem:v9+s15+$0x0], vm1;
	_ =	sdelay $0x4  }
0x1d8: {  	v6 =	vnsel vm0, $0x0, v6  }
0x1d9: {  	v6 =	vadd.f32 v6, v10;
	_ =	sdelay $0x1  }
0x1da: {  	s29 =	simm.s32 $0x0;
	[tilespmem:v9+s21+$0x0] =	vst.idx.msk vm1, v6  }
0x1db: {  	[hbm4b:s10+s29] =	stream.linear.scatter [tilespmem:s21], [sflag:$0x4], $0x4000, $0x38;
	[tilespmem:$0x10300] =	vst v63  }
0x1dc: {  	s1 =	spop (v2sf)  }
0x1dd: {  	[tilespmem:s15], [sflag:$0x2] =	stream.linear.gather [hbm4b:s11+s29], $0x4000, $0x38;
	[tilespmem:$0x10300] =	vst v63  }
0x1de: {  	_ =	swait.ge [sflag:s18], $0x4000  }
0x1df: {  	[sflag:s18] =	ssyncset.done $0x0  }
0x1e0: {  	[sflag:s18] =	ssyncadd.s32 $0xFFFFC000  }
0x1e1: {  	_ =	swait.ge [sflag:s22], $0x4000  }
0x1e2: {  	[sflag:s22] =	ssyncset.done $0x0  }
0x1e3: {  	[sflag:s22] =	ssyncadd.s32 $0xFFFFC000  }
0x1e4: {  	v6 =	vld [tilespmem:$0x10280];
	_ =	sdelay $0x4  }
0x1e5: {  	(xrf2) =	vadd.scan.msk.f32 $0xffff, v6;
	_ =	sdelay $0x3  }
0x1e6: {  	v8 =	vld [tilespmem:$0x10290];
	_ =	sdelay $0x4  }
0x1e7: {  	v7 =	vmov s29;
	(xrf2) =	vadd.scan.msk.f32 $0xffff, v8  }
0x1e8: {  	vm0 =	vgt.s32 v7, v2;
	v9, _, _ =	vpop (xrf2)  }
0x1e9: {  	v10 =	vadd.s32 s29, v1;
	(v2sf) =	vpush v9, $0xF  }
0x1ea: {  	v11 =	vld [tilespmem:$0x102A0];
	_ =	sdelay $0x3  }
0x1eb: {  	v7 =	vld.idx.msk [tilespmem:v10+s2+$0x0], vm0  }
0x1ec: {  	(xrf2) =	vadd.scan.msk.f32 $0xffff, v11  }
0x1ed: {  	s1 =	sadd.f32 s1, s25;
	vm0 =	vmmov vm0;
	v6 =	vsub.f32 v9, v6  }
0x1ee: {  	v9, _, _ =	vpop (xrf2)  }
0x1ef: {  	v12 =	vadd.s32 s29, v3;
	(v2sf) =	vpush v9, $0xF;
	v6 =	vadd.f32 s1, v6  }
0x1f0: {  	v7 =	vnsel vm0, $0x0, v7  }
0x1f1: {  	v7 =	vadd.f32 v7, v6;
	_ =	sdelay $0x1  }
0x1f2: {  	v13 =	vld [tilespmem:$0x102B0];
	[tilespmem:v10+s19+$0x0] =	vst.idx.msk vm0, v7  }
0x1f3: {  	v6 =	vld.idx.msk [tilespmem:v12+s2+$0x0], vm0  }
0x1f4: {  	s4 =	spop (v2sf)  }
0x1f5: {  	v8 =	vsub.f32 v9, v8;
	v9, _, _ =	vpop (xrf2);
	s1 =	sadd.f32 s4, s1  }
0x1f6: {  	(v2sf) =	vpush v9, $0xF  }
0x1f7: {  	v10 =	vadd.s32 s29, v4;
	v8 =	vadd.f32 s1, v8  }
0x1f8: {  	v6 =	vnsel vm0, $0x0, v6  }
0x1f9: {  	v8 =	vadd.f32 v6, v8;
	_ =	sdelay $0x1  }
0x1fa: {  	(xrf2) =	vadd.scan.msk.f32 $0xffff, v13;
	[tilespmem:v12+s19+$0x0] =	vst.idx.msk vm0, v8  }
0x1fb: {  	v6 =	vld.idx.msk [tilespmem:v10+s2+$0x0], vm0  }
0x1fc: {  	s30 =	spop (v2sf)  }
0x1fd: {  	v9 =	vsub.f32 v9, v11;
	s1 =	sadd.f32 s30, s1;
	_ =	sdelay $0x1  }
0x1fe: {  	v11 =	vadd.s32 s29, v5;
	v9 =	vadd.f32 s1, v9  }
0x1ff: {  	v6 =	vnsel vm0, $0x0, v6  }
0x200: {  	v9 =	vadd.f32 v6, v9;
	_ =	sdelay $0x1  }
0x201: {  	[tilespmem:v10+s19+$0x0] =	vst.idx.msk vm0, v9  }
0x202: {  	s31 =	spop (v2sf);
	v6, _, _ =	vpop (xrf2);
	v10 =	vld.idx.msk [tilespmem:v11+s2+$0x0], vm0  }
0x203: {  	s25 =	sadd.f32 s31, s1;
	v12 =	vsub.f32 v6, v13  }
0x204: {  	s26 =	simm.s32 $0x1  }
0x205: {  	v13 =	vadd.f32 s25, v12;
	v12 =	vmov s26  }
0x206: {  	vm1 =	vgt.s32 v12, v2;
	v12 =	vadd.s32 s26, v1  }
0x207: {  	v10 =	vnsel vm0, $0x0, v10  }
0x208: {  	s0 =	simm.s32 $0x2;
	v10 =	vadd.f32 v10, v13  }
.LBB2_18:
0x209: {  	_ = 	snop  }
0x20a: {  	p0 =	sne.s32 s0, $0xE;
	s1 =	smov.u32 s0;
	s0 =	sadd.s32 $0x1, s0;
	[tilespmem:v11+s19+$0x0] =	vst.idx.msk vm0, v10;
	vm0 =	vmmov vm1  }
0x20b: {  	v11 =	vld.idx.msk [tilespmem:v12+s2+$0x0], vm1;
	_ =	sdelay $0x4  }
0x20c: {  	v13 =	vadd.s32 s26, v3  }
0x20d: {  	v11 =	vnsel vm0, $0x0, v11  }
0x20e: {  	v7 =	vadd.f32 v11, v7;
	_ =	sdelay $0x1  }
0x20f: {  	[tilespmem:v12+s19+$0x0] =	vst.idx.msk vm1, v7  }
0x210: {  	v11 =	vld.idx.msk [tilespmem:v13+s2+$0x0], vm1;
	_ =	sdelay $0x4  }
0x211: {  	v12 =	vadd.s32 s26, v4  }
0x212: {  	v11 =	vnsel vm0, $0x0, v11  }
0x213: {  	v8 =	vadd.f32 v11, v8;
	_ =	sdelay $0x1  }
0x214: {  	[tilespmem:v13+s19+$0x0] =	vst.idx.msk vm1, v8  }
0x215: {  	v13 =	vld.idx.msk [tilespmem:v12+s2+$0x0], vm1;
	_ =	sdelay $0x4  }
0x216: {  	v11 =	vadd.s32 s26, v5;
	s26 =	smov.u32 s1  }
0x217: {  	v13 =	vnsel vm0, $0x0, v13  }
0x218: {  	v9 =	vadd.f32 v13, v9;
	_ =	sdelay $0x1  }
0x219: {  	[tilespmem:v12+s19+$0x0] =	vst.idx.msk vm1, v9  }
0x21a: {  	v13 =	vld.idx.msk [tilespmem:v11+s2+$0x0], vm1;
	_ =	sdelay $0x2  }
.Ltmp9:
0x21b: {  	v12 =	vmov s26;
	(pc) =	sbr.rel @p0 .LBB2_18-.Ltmp9, $4  }
0x21c: {  	vm1 =	vgt.s32 v12, v2  }
0x21d: {  	v12 =	vadd.s32 s26, v1  }
0x21e: {  	v13 =	vnsel vm0, $0x0, v13  }
0x21f: {  	v10 =	vadd.f32 v13, v10  }
0x220: {  	_ =	sdelay $0x4  }
0x221: {  	[tilespmem:v11+s19+$0x0] =	vst.idx.msk vm0, v10  }
0x222: {  	v11 =	vld.idx.msk [tilespmem:v12+s2+$0x0], vm1;
	_ =	sdelay $0x3  }
0x223: {  	vm15 =	vmmov vm1;
	v13 =	vadd.s32 s26, v3  }
0x224: {  	v11 =	vnsel vm15, $0x0, v11  }
0x225: {  	v7 =	vadd.f32 v11, v7;
	_ =	sdelay $0x1  }
0x226: {  	[tilespmem:v12+s19+$0x0] =	vst.idx.msk vm1, v7  }
0x227: {  	v11 =	vld.idx.msk [tilespmem:v13+s2+$0x0], vm1;
	_ =	sdelay $0x3  }
0x228: {  	v12 =	vadd.s32 s26, v4  }
0x229: {  	v11 =	vnsel vm15, $0x0, v11  }
0x22a: {  	v8 =	vadd.f32 v11, v8;
	_ =	sdelay $0x1  }
0x22b: {  	[tilespmem:v13+s19+$0x0] =	vst.idx.msk vm1, v8  }
0x22c: {  	v11 =	vld.idx.msk [tilespmem:v12+s2+$0x0], vm1;
	_ =	sdelay $0x3  }
0x22d: {  	v13 =	vadd.s32 s26, v5  }
0x22e: {  	v11 =	vnsel vm15, $0x0, v11  }
0x22f: {  	v14 =	vadd.f32 v11, v9;
	_ =	sdelay $0x1  }
0x230: {  	[tilespmem:v12+s19+$0x0] =	vst.idx.msk vm1, v14  }
0x231: {  	v9 =	vld.idx.msk [tilespmem:v13+s2+$0x0], vm1;
	_ =	sdelay $0x2  }
0x232: {  	s0 =	simm.s32 $0xF  }
0x233: {  	v11 =	vadd.s32 s0, v1  }
0x234: {  	v9 =	vnsel vm15, $0x0, v9  }
0x235: {  	v9 =	vadd.f32 v9, v10;
	_ =	sdelay $0x1  }
0x236: {  	s26 =	simm.s32 $0x0;
	[tilespmem:v13+s19+$0x0] =	vst.idx.msk vm1, v9  }
0x237: {  	v10 =	vld.idx.msk [tilespmem:v11+s26+$0x0], $0xffff  }
0x238: {  	s1 =	simm.s32 $0x10  }
0x239: {  	v12 =	vadd.s32 s1, v1;
	_ =	sdelay $0x1  }
0x23a: {  	s29 =	simm.s32 $0x11;
	v13 =	vadd.s32 s0, v3  }
0x23b: {  	v7 =	vadd.f32 v10, v7;
	v10 =	vadd.s32 s29, v1;
	_ =	sdelay $0x1  }
0x23c: {  	v15 =	vld.idx.msk [tilespmem:v12+s26+$0x0], $0xffff  }
0x23d: {  	[tilespmem:v11+s19+$0x0] =	vst.idx.msk $0xffff, v7  }
0x23e: {  	v11 =	vld.idx.msk [tilespmem:v13+s26+$0x0], $0xffff  }
0x23f: {  	s28 =	simm.s32 $0x12;
	v16 =	vadd.s32 s1, v3;
	v17 =	vld.idx.msk [tilespmem:v10+s26+$0x0], $0xffff  }
0x240: {  	v18 =	vadd.s32 s28, v1  }
0x241: {  	v21 =	vadd.s32 s0, v4;
	v7 =	vadd.f32 v15, v7  }
0x242: {  	v24 =	vadd.s32 s29, v3  }
0x243: {  	[tilespmem:v12+s19+$0x0] =	vst.idx.msk $0xffff, v7;
	v12 =	vadd.f32 v11, v8  }
0x244: {  	v15 =	vld.idx.msk [tilespmem:v16+s26+$0x0], $0xffff;
	v17 =	vadd.f32 v17, v7  }
0x245: {  	s31 =	simm.s32 $0x13;
	[tilespmem:v13+s19+$0x0] =	vst.idx.msk $0xffff, v12;
	v13 =	vld.idx.msk [tilespmem:v18+s26+$0x0], $0xffff  }
0x246: {  	v7 =	vadd.s32 s31, v1;
	v19 =	vld.idx.msk [tilespmem:v21+s26+$0x0], $0xffff;
	[tilespmem:v10+s19+$0x0] =	vst.idx.msk $0xffff, v17  }
0x247: {  	v11 =	vadd.s32 s1, v4;
	v22 =	vld.idx.msk [tilespmem:v24+s26+$0x0], $0xffff;
	_ =	sdelay $0x1  }
0x248: {  	v8 =	vadd.s32 s28, v3;
	v12 =	vadd.f32 v15, v12  }
0x249: {  	s30 =	simm.s32 $0x14;
	v10 =	vadd.s32 s0, v5  }
0x24a: {  	[tilespmem:v16+s19+$0x0] =	vst.idx.msk $0xffff, v12;
	v26 =	vld.idx.msk [tilespmem:v7+s26+$0x0], $0xffff;
	v27 =	vadd.f32 v13, v17;
	v17 =	vadd.s32 s30, v1  }
0x24b: {  	v15 =	vld.idx.msk [tilespmem:v11+s26+$0x0], $0xffff;
	v14 =	vadd.f32 v19, v14;
	v19 =	vadd.f32 v22, v12;
	v22 =	vadd.s32 s29, v4  }
0x24c: {  	[tilespmem:v18+s19+$0x0] =	vst.idx.msk $0xffff, v27  }
0x24d: {  	v23 =	vadd.s32 s31, v3;
	v20 =	vld.idx.msk [tilespmem:v8+s26+$0x0], $0xffff;
	[tilespmem:v21+s19+$0x0] =	vst.idx.msk $0xffff, v14  }
0x24e: {  	s5 =	simm.s32 $0x15;
	s17 =	simm.s32 $0x0;
	v18 =	vadd.s32 s1, v5;
	v21 =	vmov v23;
	v13 =	vld.idx.msk [tilespmem:v10+s26+$0x0], $0xffff  }
0x24f: {  	s4 =	simm.s32 $0x0;
	s0 =	simm.s32 $0x0;
	s1 =	simm.s32 $0x0;
	v12 =	vmov v18;
	v16 =	vmov v22;
	[tilespmem:v24+s19+$0x0] =	vst.idx.msk $0xffff, v19;
	v25 =	vld.idx.msk [tilespmem:v17+s26+$0x0], $0xffff;
	v24 =	vadd.f32 v26, v27  }
.LBB2_20:
0x250: {  	v26 =	vadd.s32 s5, v1;
	v14 =	vadd.f32 v15, v14;
	v15 =	vld.idx.msk [tilespmem:v22+s0+$0x0], $0xffff;
	s6 =	smov.u32 s5;
	s7 =	smov.u32 s26;
	p0 =	sne.s32 s5, $0xFF  }
.Ltmp10:
0x251: {  	s5 =	sadd.s32 $0x1, s5;
	v22 =	vadd.s32 s28, v4;
	[tilespmem:v7+s19+$0x0] =	vst.idx.msk $0xffff, v24;
	v7 =	vmov v17;
	v17 =	vmov v26;
	(pc) =	sbr.rel @p0 .LBB2_20-.Ltmp10, $4  }
0x252: {  	v19 =	vadd.f32 v20, v19;
	v20 =	vld.idx.msk [tilespmem:v23+s17+$0x0], $0xffff;
	[tilespmem:v11+s19+$0x0] =	vst.idx.msk $0xffff, v14;
	v11 =	vmov v16;
	v16 =	vmov v22  }
0x253: {  	v23 =	vadd.s32 s30, v3;
	v9 =	vadd.f32 v13, v9;
	v13 =	vld.idx.msk [tilespmem:v18+s4+$0x0], $0xffff;
	s4 =	smov.u32 s0;
	s0 =	smov.u32 s1;
	s1 =	smov.u32 s17  }
0x254: {  	v18 =	vadd.s32 s29, v5;
	s29 =	smov.u32 s28;
	s28 =	smov.u32 s31;
	[tilespmem:v8+s19+$0x0] =	vst.idx.msk $0xffff, v19;
	v8 =	vmov v21;
	v21 =	vmov v23  }
0x255: {  	s31 =	smov.u32 s30;
	s30 =	smov.u32 s6;
	s17 =	smov.u32 s7;
	v24 =	vadd.f32 v25, v24;
	v25 =	vld.idx.msk [tilespmem:v26+s26+$0x0], $0xffff;
	[tilespmem:v10+s19+$0x0] =	vst.idx.msk $0xffff, v9;
	v10 =	vmov v12;
	v12 =	vmov v18  }
0x256: {  	_ =	sdelay $0x1  }
0x257: {  	v26 =	vadd.s32 s30, v3;
	_ =	sdelay $0x1  }
0x258: {  	[tilespmem:v7+s19+$0x0] =	vst.idx.msk $0xffff, v24;
	v7 =	vadd.f32 v25, v24  }
0x259: {  	v23 =	vld.idx.msk [tilespmem:v23+s17+$0x0], $0xffff  }
0x25a: {  	v52 =	vadd.s32 s28, v4;
	[tilespmem:v17+s19+$0x0] =	vst.idx.msk $0xffff, v7  }
0x25b: {  	v17 =	vld.idx.msk [tilespmem:v26+s26+$0x0], $0xffff  }
0x25c: {  	v53 =	vadd.s32 s31, v4;
	v19 =	vadd.f32 v20, v19  }
0x25d: {  	v22 =	vld.idx.msk [tilespmem:v22+s0+$0x0], $0xffff  }
0x25e: {  	v54 =	vadd.s32 s30, v4;
	[tilespmem:v8+s19+$0x0] =	vst.idx.msk $0xffff, v19;
	v8 =	vadd.f32 v23, v19  }
0x25f: {  	v14 =	vadd.f32 v15, v14;
	v55 =	vld.idx.msk [tilespmem:v52+s1+$0x0], $0xffff  }
0x260: {  	v56 =	vadd.s32 s29, v5;
	[tilespmem:v21+s19+$0x0] =	vst.idx.msk $0xffff, v8;
	v8 =	vadd.f32 v17, v8  }
0x261: {  	[tilespmem:v11+s19+$0x0] =	vst.idx.msk $0xffff, v14;
	v11 =	vld.idx.msk [tilespmem:v53+s17+$0x0], $0xffff  }
0x262: {  	v58 =	vadd.s32 s28, v5;
	v57 =	vld.idx.msk [tilespmem:v18+s4+$0x0], $0xffff;
	v14 =	vadd.f32 v22, v14;
	[tilespmem:v26+s19+$0x0] =	vst.idx.msk $0xffff, v8  }
0x263: {  	v59 =	vld.idx.msk [tilespmem:v54+s26+$0x0], $0xffff  }
0x264: {  	v60 =	vadd.s32 s31, v5;
	[tilespmem:v16+s19+$0x0] =	vst.idx.msk $0xffff, v14;
	v14 =	vadd.f32 v55, v14  }
0x265: {  	v16 =	vld.idx.msk [tilespmem:v56+s0+$0x0], $0xffff  }
0x266: {  	v13 =	vadd.f32 v13, v9;
	[tilespmem:v52+s19+$0x0] =	vst.idx.msk $0xffff, v14;
	v9 =	vadd.f32 v11, v14;
	v11 =	vadd.s32 s30, v5  }
0x267: {  	v61 =	vld.idx.msk [tilespmem:v58+s1+$0x0], $0xffff  }
0x268: {  	v17 =	vadd.f32 v57, v13;
	[tilespmem:v53+s19+$0x0] =	vst.idx.msk $0xffff, v9;
	v9 =	vadd.f32 v59, v9  }
0x269: {  	v20 =	vld.idx.msk [tilespmem:v60+s17+$0x0], $0xffff  }
0x26a: {  	v16 =	vadd.f32 v16, v17;
	[tilespmem:v54+s19+$0x0] =	vst.idx.msk $0xffff, v9  }
0x26b: {  	v19 =	vld.idx.msk [tilespmem:v11+s26+$0x0], $0xffff  }
0x26c: {  	v14 =	vadd.f32 v61, v16  }
0x26d: {  	p1 =	por $0x1, $0x1;
	[tilespmem:v10+s19+$0x0] =	vst.idx.msk $0xffff, v13  }
.Ltmp11:
0x26e: {  	[tilespmem:v12+s19+$0x0] =	vst.idx.msk $0xffff, v17;
	v62 =	vadd.f32 v20, v14;
	(pc) =	sbr.rel @!p1 .LBB2_22-.Ltmp11, $4  }
0x26f: {  	[tilespmem:v56+s19+$0x0] =	vst.idx.msk $0xffff, v16  }
0x270: {  	[tilespmem:v58+s19+$0x0] =	vst.idx.msk $0xffff, v14;
	v10 =	vadd.f32 v19, v62  }
0x271: {  	v63 =	vmov s26;
	s26 =	simm.s32 $0x100;
	[tilespmem:v60+s19+$0x0] =	vst.idx.msk $0xffff, v62  }
0x272: {  	p0 =	por $0x0, $0x0;
	vm1 =	vlt.s32 v63, v0;
	s0 =	simm.s32 $0x1;
	[tilespmem:v11+s19+$0x0] =	vst.idx.msk $0xffff, v10;
	v11 =	vadd.s32 s26, v1  }
0x273: {  	_ =	sdelay $0x4  }
0x274: {  	v12 =	vld.idx.msk [tilespmem:v11+s2+$0x0], vm1;
	_ =	sdelay $0x3  }
0x275: {  	vm0 =	vmmov vm1;
	v13 =	vadd.s32 s26, v3  }
0x276: {  	v12 =	vnsel vm0, $0x0, v12  }
0x277: {  	v7 =	vadd.f32 v12, v7;
	_ =	sdelay $0x1  }
0x278: {  	[tilespmem:v11+s19+$0x0] =	vst.idx.msk vm1, v7  }
0x279: {  	v11 =	vld.idx.msk [tilespmem:v13+s2+$0x0], vm1;
	_ =	sdelay $0x3  }
0x27a: {  	v14 =	vadd.s32 s26, v4  }
0x27b: {  	v11 =	vnsel vm0, $0x0, v11  }
0x27c: {  	v8 =	vadd.f32 v11, v8;
	_ =	sdelay $0x1  }
0x27d: {  	[tilespmem:v13+s19+$0x0] =	vst.idx.msk vm1, v8  }
0x27e: {  	v11 =	vld.idx.msk [tilespmem:v14+s2+$0x0], vm1;
	_ =	sdelay $0x3  }
0x27f: {  	v12 =	vadd.s32 s26, v5  }
0x280: {  	v11 =	vnsel vm0, $0x0, v11  }
0x281: {  	v9 =	vadd.f32 v11, v9;
	_ =	sdelay $0x1  }
0x282: {  	[tilespmem:v14+s19+$0x0] =	vst.idx.msk vm1, v9  }
0x283: {  	v11 =	vld.idx.msk [tilespmem:v12+s2+$0x0], vm1;
	_ =	sdelay $0x1  }
0x284: {  	p1 =	por $0x1, $0x1  }
.Ltmp12:
0x285: {  	_ = 	snop;
	(pc) =	sbr.rel @!p1 .LBB2_25-.Ltmp12, $4  }
0x286: {  	s26 =	simm.s32 $0x101  }
0x287: {  	v14 =	vnsel vm0, $0x0, v11;
	v11 =	vadd.s32 s26, v1  }
0x288: {  	v13 =	vmov s0  }
0x289: {  	p0 =	por $0x1, $0x1;
	s0 =	simm.s32 $0x2;
	vm1 =	vlt.s32 v13, v0;
	v10 =	vadd.f32 v14, v10  }
.LBB2_24:
0x28a: {  	_ = 	snop  }
0x28b: {  	p1 =	sne.s32 s0, $0xE;
	s1 =	smov.u32 s0;
	s0 =	sadd.s32 $0x1, s0;
	[tilespmem:v12+s19+$0x0] =	vst.idx.msk vm0, v10;
	vm0 =	vmmov vm1  }
0x28c: {  	v12 =	vld.idx.msk [tilespmem:v11+s2+$0x0], vm1;
	_ =	sdelay $0x4  }
0x28d: {  	v13 =	vadd.s32 s26, v3  }
0x28e: {  	v12 =	vnsel vm0, $0x0, v12  }
0x28f: {  	v7 =	vadd.f32 v12, v7;
	_ =	sdelay $0x1  }
0x290: {  	[tilespmem:v11+s19+$0x0] =	vst.idx.msk vm1, v7  }
0x291: {  	v11 =	vld.idx.msk [tilespmem:v13+s2+$0x0], vm1;
	_ =	sdelay $0x4  }
0x292: {  	v14 =	vadd.s32 s26, v4  }
0x293: {  	v11 =	vnsel vm0, $0x0, v11  }
0x294: {  	v8 =	vadd.f32 v11, v8;
	_ =	sdelay $0x1  }
0x295: {  	[tilespmem:v13+s19+$0x0] =	vst.idx.msk vm1, v8  }
0x296: {  	v11 =	vld.idx.msk [tilespmem:v14+s2+$0x0], vm1;
	_ =	sdelay $0x4  }
0x297: {  	v12 =	vadd.s32 s26, v5  }
0x298: {  	v11 =	vnsel vm0, $0x0, v11  }
0x299: {  	v9 =	vadd.f32 v11, v9;
	_ =	sdelay $0x1  }
0x29a: {  	[tilespmem:v14+s19+$0x0] =	vst.idx.msk vm1, v9  }
0x29b: {  	v13 =	vld.idx.msk [tilespmem:v12+s2+$0x0], vm1;
	_ =	sdelay $0x2  }
.Ltmp13:
0x29c: {  	v11 =	vmov s1;
	(pc) =	sbr.rel @p1 .LBB2_24-.Ltmp13, $4  }
0x29d: {  	s26 =	sadd.s32 $0x100, s1;
	vm1 =	vlt.s32 v11, v0  }
0x29e: {  	v11 =	vadd.s32 s26, v1  }
0x29f: {  	v13 =	vnsel vm0, $0x0, v13  }
0x2a0: {  	v10 =	vadd.f32 v13, v10  }
.LBB2_25:
0x2a1: {  	_ =	sdelay $0x4  }
0x2a2: {  	[tilespmem:v12+s19+$0x0] =	vst.idx.msk @p0 vm0, v10  }
0x2a3: {  	v12 =	vld.idx.msk [tilespmem:v11+s2+$0x0], vm1;
	_ =	sdelay $0x3  }
0x2a4: {  	v13 =	vadd.s32 s26, v3;
	vm0 =	vmmov vm1  }
0x2a5: {  	v12 =	vnsel vm0, $0x0, v12  }
0x2a6: {  	v7 =	vadd.f32 v12, v7;
	_ =	sdelay $0x1  }
0x2a7: {  	[tilespmem:v11+s19+$0x0] =	vst.idx.msk vm1, v7  }
0x2a8: {  	v7 =	vld.idx.msk [tilespmem:v13+s2+$0x0], vm1;
	_ =	sdelay $0x3  }
0x2a9: {  	v11 =	vadd.s32 s26, v4  }
0x2aa: {  	v7 =	vnsel vm0, $0x0, v7  }
0x2ab: {  	v7 =	vadd.f32 v7, v8;
	_ =	sdelay $0x1  }
0x2ac: {  	[tilespmem:v13+s19+$0x0] =	vst.idx.msk vm1, v7  }
0x2ad: {  	v7 =	vld.idx.msk [tilespmem:v11+s2+$0x0], vm1;
	_ =	sdelay $0x1  }
0x2ae: {  	(v2sf) =	vpush v6, $0xF;
	_ =	sdelay $0x1  }
0x2af: {  	v6 =	vadd.s32 s26, v5  }
0x2b0: {  	v7 =	vnsel vm0, $0x0, v7  }
0x2b1: {  	v7 =	vadd.f32 v7, v9;
	_ =	sdelay $0x1  }
0x2b2: {  	[tilespmem:v11+s19+$0x0] =	vst.idx.msk vm1, v7  }
0x2b3: {  	v7 =	vld.idx.msk [tilespmem:v6+s2+$0x0], vm1;
	_ =	sdelay $0x4  }
0x2b4: {  	v7 =	vnsel vm0, $0x0, v7  }
0x2b5: {  	v7 =	vadd.f32 v7, v10;
	_ =	sdelay $0x1  }
0x2b6: {  	s1 =	simm.s32 $0x0;
	s0 =	spop (v2sf);
	[tilespmem:v6+s19+$0x0] =	vst.idx.msk vm1, v7  }
0x2b7: {  	[hbm4b:s12+s1] =	stream.linear.scatter [tilespmem:s19], [sflag:$0x3], $0x4000, $0x38;
	[tilespmem:$0x10300] =	vst v63  }
0x2b8: {  	_ =	swait.ge [sflag:s20], $0x4000  }
0x2b9: {  	[sflag:s20] =	ssyncset.done $0x0  }
0x2ba: {  	[sflag:s20] =	ssyncadd.s32 $0xFFFFC000  }
0x2bb: {  	_ =	swait.ge [sflag:s23], $0x4000  }
0x2bc: {  	[sflag:s23] =	ssyncset.done $0x0  }
0x2bd: {  	[sflag:s23] =	ssyncadd.s32 $0xFFFFC000  }
0x2be: {  	v6 =	vld [tilespmem:$0x102C0];
	_ =	sdelay $0x4  }
0x2bf: {  	(xrf2) =	vadd.scan.msk.f32 $0xffff, v6;
	_ =	sdelay $0x3  }
0x2c0: {  	v7 =	vld [tilespmem:$0x102D0];
	_ =	sdelay $0x4  }
0x2c1: {  	v8 =	vmov s1;
	(xrf2) =	vadd.scan.msk.f32 $0xffff, v7  }
0x2c2: {  	vm0 =	vgt.s32 v8, v2;
	v9, _, _ =	vpop (xrf2)  }
0x2c3: {  	v8 =	vadd.s32 s1, v1;
	(v2sf) =	vpush v9, $0xF  }
0x2c4: {  	v10 =	vld [tilespmem:$0x102E0];
	_ =	sdelay $0x3  }
0x2c5: {  	v11 =	vld.idx.msk [tilespmem:v8+s15+$0x0], vm0  }
0x2c6: {  	(xrf2) =	vadd.scan.msk.f32 $0xffff, v10  }
0x2c7: {  	s0 =	sadd.f32 s0, s25;
	vm0 =	vmmov vm0;
	v6 =	vsub.f32 v9, v6  }
0x2c8: {  	v9, _, _ =	vpop (xrf2)  }
0x2c9: {  	v61 =	vadd.s32 s1, v3;
	(v2sf) =	vpush v9, $0xF;
	v6 =	vadd.f32 s0, v6  }
0x2ca: {  	v11 =	vnsel vm0, $0x0, v11  }
0x2cb: {  	v6 =	vadd.f32 v11, v6;
	_ =	sdelay $0x1  }
0x2cc: {  	v11 =	vld [tilespmem:$0x102F0];
	[tilespmem:v8+s21+$0x0] =	vst.idx.msk vm0, v6  }
0x2cd: {  	v8 =	vld.idx.msk [tilespmem:v61+s15+$0x0], vm0  }
0x2ce: {  	s4 =	spop (v2sf)  }
0x2cf: {  	v7 =	vsub.f32 v9, v7;
	v9, _, _ =	vpop (xrf2);
	s0 =	sadd.f32 s4, s0  }
0x2d0: {  	(v2sf) =	vpush v9, $0xF  }
0x2d1: {  	v62 =	vadd.s32 s1, v4;
	v7 =	vadd.f32 s0, v7  }
0x2d2: {  	v8 =	vnsel vm0, $0x0, v8  }
0x2d3: {  	v7 =	vadd.f32 v8, v7;
	_ =	sdelay $0x1  }
0x2d4: {  	(xrf2) =	vadd.scan.msk.f32 $0xffff, v11;
	[tilespmem:v61+s21+$0x0] =	vst.idx.msk vm0, v7  }
0x2d5: {  	v8 =	vld.idx.msk [tilespmem:v62+s15+$0x0], vm0  }
0x2d6: {  	s30 =	spop (v2sf)  }
0x2d7: {  	v9 =	vsub.f32 v9, v10;
	s0 =	sadd.f32 s30, s0;
	_ =	sdelay $0x1  }
0x2d8: {  	v10 =	vadd.s32 s1, v5;
	v9 =	vadd.f32 s0, v9  }
0x2d9: {  	v8 =	vnsel vm0, $0x0, v8  }
0x2da: {  	v8 =	vadd.f32 v8, v9;
	_ =	sdelay $0x1  }
0x2db: {  	[tilespmem:v62+s21+$0x0] =	vst.idx.msk vm0, v8  }
0x2dc: {  	v63, _, _ =	vpop (xrf2);
	s31 =	spop (v2sf);
	v9 =	vld.idx.msk [tilespmem:v10+s15+$0x0], vm0  }
0x2dd: {  	v11 =	vsub.f32 v63, v11;
	s0 =	sadd.f32 s31, s0  }
0x2de: {  	s25 =	simm.s32 $0x1  }
0x2df: {  	v12 =	vadd.f32 s0, v11;
	v11 =	vmov s25  }
0x2e0: {  	vm1 =	vgt.s32 v11, v2;
	v11 =	vadd.s32 s25, v1  }
0x2e1: {  	v9 =	vnsel vm0, $0x0, v9  }
0x2e2: {  	s0 =	simm.s32 $0x2;
	v9 =	vadd.f32 v9, v12  }
.LBB2_26:
0x2e3: {  	_ = 	snop  }
0x2e4: {  	p0 =	sne.s32 s0, $0xE;
	s1 =	smov.u32 s0;
	s0 =	sadd.s32 $0x1, s0;
	[tilespmem:v10+s21+$0x0] =	vst.idx.msk vm0, v9;
	vm0 =	vmmov vm1  }
0x2e5: {  	v10 =	vld.idx.msk [tilespmem:v11+s15+$0x0], vm1;
	_ =	sdelay $0x4  }
0x2e6: {  	v12 =	vadd.s32 s25, v3  }
0x2e7: {  	v10 =	vnsel vm0, $0x0, v10  }
0x2e8: {  	v6 =	vadd.f32 v10, v6;
	_ =	sdelay $0x1  }
0x2e9: {  	[tilespmem:v11+s21+$0x0] =	vst.idx.msk vm1, v6  }
0x2ea: {  	v10 =	vld.idx.msk [tilespmem:v12+s15+$0x0], vm1;
	_ =	sdelay $0x4  }
0x2eb: {  	v11 =	vadd.s32 s25, v4  }
0x2ec: {  	v10 =	vnsel vm0, $0x0, v10  }
0x2ed: {  	v7 =	vadd.f32 v10, v7;
	_ =	sdelay $0x1  }
0x2ee: {  	[tilespmem:v12+s21+$0x0] =	vst.idx.msk vm1, v7  }
0x2ef: {  	v12 =	vld.idx.msk [tilespmem:v11+s15+$0x0], vm1;
	_ =	sdelay $0x4  }
0x2f0: {  	v10 =	vadd.s32 s25, v5;
	s25 =	smov.u32 s1  }
0x2f1: {  	v12 =	vnsel vm0, $0x0, v12  }
0x2f2: {  	v8 =	vadd.f32 v12, v8;
	_ =	sdelay $0x1  }
0x2f3: {  	[tilespmem:v11+s21+$0x0] =	vst.idx.msk vm1, v8  }
0x2f4: {  	v12 =	vld.idx.msk [tilespmem:v10+s15+$0x0], vm1;
	_ =	sdelay $0x2  }
.Ltmp14:
0x2f5: {  	v11 =	vmov s25;
	(pc) =	sbr.rel @p0 .LBB2_26-.Ltmp14, $4  }
0x2f6: {  	vm1 =	vgt.s32 v11, v2  }
0x2f7: {  	v11 =	vadd.s32 s25, v1  }
0x2f8: {  	v12 =	vnsel vm0, $0x0, v12  }
0x2f9: {  	v9 =	vadd.f32 v12, v9  }
0x2fa: {  	_ =	sdelay $0x4  }
0x2fb: {  	[tilespmem:v10+s21+$0x0] =	vst.idx.msk vm0, v9  }
0x2fc: {  	v10 =	vld.idx.msk [tilespmem:v11+s15+$0x0], vm1;
	_ =	sdelay $0x3  }
0x2fd: {  	vm15 =	vmmov vm1;
	v12 =	vadd.s32 s25, v3  }
0x2fe: {  	v10 =	vnsel vm15, $0x0, v10  }
0x2ff: {  	v10 =	vadd.f32 v10, v6;
	_ =	sdelay $0x1  }
0x300: {  	[tilespmem:v11+s21+$0x0] =	vst.idx.msk vm1, v10  }
0x301: {  	v6 =	vld.idx.msk [tilespmem:v12+s15+$0x0], vm1;
	_ =	sdelay $0x3  }
0x302: {  	v11 =	vadd.s32 s25, v4  }
0x303: {  	v6 =	vnsel vm15, $0x0, v6  }
0x304: {  	v7 =	vadd.f32 v6, v7;
	_ =	sdelay $0x1  }
0x305: {  	[tilespmem:v12+s21+$0x0] =	vst.idx.msk vm1, v7  }
0x306: {  	v6 =	vld.idx.msk [tilespmem:v11+s15+$0x0], vm1;
	_ =	sdelay $0x3  }
0x307: {  	v12 =	vadd.s32 s25, v5  }
0x308: {  	v6 =	vnsel vm15, $0x0, v6  }
0x309: {  	v8 =	vadd.f32 v6, v8;
	_ =	sdelay $0x1  }
0x30a: {  	[tilespmem:v11+s21+$0x0] =	vst.idx.msk vm1, v8  }
0x30b: {  	v6 =	vld.idx.msk [tilespmem:v12+s15+$0x0], vm1;
	_ =	sdelay $0x2  }
0x30c: {  	s0 =	simm.s32 $0xF  }
0x30d: {  	v11 =	vadd.s32 s0, v1  }
0x30e: {  	v6 =	vnsel vm15, $0x0, v6  }
0x30f: {  	v6 =	vadd.f32 v6, v9;
	_ =	sdelay $0x1  }
0x310: {  	[tilespmem:v12+s21+$0x0] =	vst.idx.msk vm1, v6  }
0x311: {  	s1 =	simm.s32 $0x10;
	v9 =	vld.idx.msk [tilespmem:v11+s15+$0x0], $0xffff  }
0x312: {  	v12 =	vadd.s32 s1, v1;
	_ =	sdelay $0x2  }
0x313: {  	s26 =	simm.s32 $0x11;
	v13 =	vadd.s32 s0, v3  }
0x314: {  	v9 =	vadd.f32 v9, v10;
	v10 =	vadd.s32 s26, v1  }
0x315: {  	v14 =	vld.idx.msk [tilespmem:v12+s15+$0x0], $0xffff;
	_ =	sdelay $0x1  }
0x316: {  	[tilespmem:v11+s21+$0x0] =	vst.idx.msk $0xffff, v9  }
0x317: {  	v15 =	vadd.s32 s1, v3;
	s25 =	simm.s32 $0x12;
	v11 =	vld.idx.msk [tilespmem:v13+s15+$0x0], $0xffff  }
0x318: {  	v18 =	vadd.s32 s25, v1;
	v16 =	vld.idx.msk [tilespmem:v10+s15+$0x0], $0xffff  }
0x319: {  	v9 =	vadd.f32 v14, v9  }
0x31a: {  	v20 =	vadd.s32 s0, v4  }
0x31b: {  	v23 =	vadd.s32 s26, v3;
	[tilespmem:v12+s21+$0x0] =	vst.idx.msk $0xffff, v9  }
0x31c: {  	v12 =	vld.idx.msk [tilespmem:v15+s15+$0x0], $0xffff;
	v7 =	vadd.f32 v11, v7  }
0x31d: {  	v14 =	vld.idx.msk [tilespmem:v18+s15+$0x0], $0xffff;
	v16 =	vadd.f32 v16, v9  }
0x31e: {  	s28 =	simm.s32 $0x13;
	[tilespmem:v13+s21+$0x0] =	vst.idx.msk $0xffff, v7  }
0x31f: {  	v13 =	vadd.s32 s28, v1;
	v19 =	vld.idx.msk [tilespmem:v20+s15+$0x0], $0xffff;
	[tilespmem:v10+s21+$0x0] =	vst.idx.msk $0xffff, v16  }
0x320: {  	s29 =	simm.s32 $0x14;
	v9 =	vadd.s32 s1, v4;
	v10 =	vld.idx.msk [tilespmem:v23+s15+$0x0], $0xffff  }
0x321: {  	v17 =	vadd.s32 s29, v1;
	v21 =	vadd.f32 v12, v7  }
0x322: {  	v11 =	vadd.s32 s25, v3;
	v26 =	vadd.f32 v14, v16  }
0x323: {  	v7 =	vadd.s32 s0, v5;
	[tilespmem:v15+s21+$0x0] =	vst.idx.msk $0xffff, v21  }
0x324: {  	[tilespmem:v18+s21+$0x0] =	vst.idx.msk $0xffff, v26;
	v25 =	vld.idx.msk [tilespmem:v13+s15+$0x0], $0xffff  }
0x325: {  	v14 =	vld.idx.msk [tilespmem:v9+s15+$0x0], $0xffff;
	v12 =	vadd.f32 v19, v8;
	v18 =	vadd.f32 v10, v21;
	v21 =	vadd.s32 s26, v4  }
0x326: {  	v24 =	vld.idx.msk [tilespmem:v17+s15+$0x0], $0xffff  }
0x327: {  	v22 =	vadd.s32 s28, v3;
	v19 =	vld.idx.msk [tilespmem:v11+s15+$0x0], $0xffff;
	[tilespmem:v20+s21+$0x0] =	vst.idx.msk $0xffff, v12  }
0x328: {  	v16 =	vadd.s32 s1, v5;
	v10 =	vld.idx.msk [tilespmem:v7+s15+$0x0], $0xffff  }
0x329: {  	s0 =	simm.s32 $0x15;
	v8 =	vmovc v16;
	v20 =	vmov v22;
	v15 =	vmov v21;
	[tilespmem:v23+s21+$0x0] =	vst.idx.msk $0xffff, v18;
	v23 =	vadd.f32 v25, v26  }
.LBB2_28:
0x32a: {  	v25 =	vadd.s32 s0, v1;
	v12 =	vadd.f32 v14, v12;
	v14 =	vld.idx.msk [tilespmem:v21+s15+$0x0], $0xffff;
	s1 =	smov.u32 s0;
	p0 =	sne.s32 s0, $0xFF  }
.Ltmp15:
0x32b: {  	s0 =	sadd.s32 $0x1, s0;
	v21 =	vadd.s32 s25, v4;
	[tilespmem:v13+s21+$0x0] =	vst.idx.msk $0xffff, v23;
	v13 =	vmov v17;
	v17 =	vmov v25;
	(pc) =	sbr.rel @p0 .LBB2_28-.Ltmp15, $4  }
0x32c: {  	v18 =	vadd.f32 v19, v18;
	v19 =	vld.idx.msk [tilespmem:v22+s15+$0x0], $0xffff;
	[tilespmem:v9+s21+$0x0] =	vst.idx.msk $0xffff, v12;
	v9 =	vmov v15;
	v15 =	vmov v21  }
0x32d: {  	v22 =	vadd.s32 s29, v3;
	v6 =	vadd.f32 v10, v6;
	v10 =	vld.idx.msk [tilespmem:v16+s15+$0x0], $0xffff  }
0x32e: {  	v16 =	vadd.s32 s26, v5;
	s26 =	smov.u32 s25;
	s25 =	smov.u32 s28;
	s28 =	smov.u32 s29;
	[tilespmem:v11+s21+$0x0] =	vst.idx.msk $0xffff, v18;
	v11 =	vmov v20;
	v20 =	vmov v22  }
0x32f: {  	s29 =	smov.u32 s1;
	v23 =	vadd.f32 v24, v23;
	v24 =	vld.idx.msk [tilespmem:v25+s15+$0x0], $0xffff;
	[tilespmem:v7+s21+$0x0] =	vst.idx.msk $0xffff, v6;
	v7 =	vmov v8;
	v8 =	vmov v16  }
0x330: {  	_ =	sdelay $0x1  }
0x331: {  	v25 =	vadd.s32 s29, v3;
	_ =	sdelay $0x1  }
0x332: {  	[tilespmem:v13+s21+$0x0] =	vst.idx.msk $0xffff, v23;
	v51 =	vadd.f32 v24, v23  }
0x333: {  	v22 =	vld.idx.msk [tilespmem:v22+s15+$0x0], $0xffff  }
0x334: {  	v52 =	vadd.s32 s25, v4;
	[tilespmem:v17+s21+$0x0] =	vst.idx.msk $0xffff, v51  }
0x335: {  	v17 =	vld.idx.msk [tilespmem:v25+s15+$0x0], $0xffff  }
0x336: {  	v53 =	vadd.s32 s28, v4;
	v18 =	vadd.f32 v19, v18  }
0x337: {  	v21 =	vld.idx.msk [tilespmem:v21+s15+$0x0], $0xffff  }
0x338: {  	v54 =	vadd.s32 s29, v4;
	[tilespmem:v11+s21+$0x0] =	vst.idx.msk $0xffff, v18;
	v11 =	vadd.f32 v22, v18  }
0x339: {  	v12 =	vadd.f32 v14, v12;
	v55 =	vld.idx.msk [tilespmem:v52+s15+$0x0], $0xffff  }
0x33a: {  	v56 =	vadd.s32 s26, v5;
	[tilespmem:v20+s21+$0x0] =	vst.idx.msk $0xffff, v11;
	v11 =	vadd.f32 v17, v11  }
0x33b: {  	[tilespmem:v9+s21+$0x0] =	vst.idx.msk $0xffff, v12;
	v9 =	vld.idx.msk [tilespmem:v53+s15+$0x0], $0xffff  }
0x33c: {  	v57 =	vadd.s32 s25, v5;
	v16 =	vld.idx.msk [tilespmem:v16+s15+$0x0], $0xffff;
	v12 =	vadd.f32 v21, v12;
	[tilespmem:v25+s21+$0x0] =	vst.idx.msk $0xffff, v11  }
0x33d: {  	v58 =	vld.idx.msk [tilespmem:v54+s15+$0x0], $0xffff  }
0x33e: {  	v59 =	vadd.s32 s28, v5;
	[tilespmem:v15+s21+$0x0] =	vst.idx.msk $0xffff, v12;
	v12 =	vadd.f32 v55, v12  }
0x33f: {  	v15 =	vld.idx.msk [tilespmem:v56+s15+$0x0], $0xffff  }
0x340: {  	v6 =	vadd.f32 v10, v6;
	v10 =	vadd.s32 s29, v5;
	[tilespmem:v52+s21+$0x0] =	vst.idx.msk $0xffff, v12;
	v9 =	vadd.f32 v9, v12  }
0x341: {  	v60 =	vld.idx.msk [tilespmem:v57+s15+$0x0], $0xffff  }
0x342: {  	v16 =	vadd.f32 v16, v6;
	[tilespmem:v53+s21+$0x0] =	vst.idx.msk $0xffff, v9;
	v9 =	vadd.f32 v58, v9  }
0x343: {  	v19 =	vld.idx.msk [tilespmem:v59+s15+$0x0], $0xffff  }
0x344: {  	v15 =	vadd.f32 v15, v16;
	[tilespmem:v54+s21+$0x0] =	vst.idx.msk $0xffff, v9  }
0x345: {  	s0 =	simm.s32 $0x0;
	v18 =	vld.idx.msk [tilespmem:v10+s15+$0x0], $0xffff  }
0x346: {  	v61 =	vmov s0;
	v12 =	vadd.f32 v60, v15  }
0x347: {  	s30 =	simm.s32 $0x100;
	vm0 =	vlt.s32 v61, v0;
	[tilespmem:v7+s21+$0x0] =	vst.idx.msk $0xffff, v6  }
0x348: {  	v7 =	vadd.s32 s30, v1;
	[tilespmem:v8+s21+$0x0] =	vst.idx.msk $0xffff, v16;
	v6 =	vadd.f32 v19, v12  }
0x349: {  	[tilespmem:v56+s21+$0x0] =	vst.idx.msk $0xffff, v15  }
0x34a: {  	[tilespmem:v57+s21+$0x0] =	vst.idx.msk $0xffff, v12;
	v62 =	vadd.f32 v18, v6  }
0x34b: {  	[tilespmem:v59+s21+$0x0] =	vst.idx.msk $0xffff, v6  }
0x34c: {  	[tilespmem:v10+s21+$0x0] =	vst.idx.msk $0xffff, v62  }
0x34d: {  	v6 =	vld.idx.msk [tilespmem:v7+s15+$0x0], vm0;
	_ =	sdelay $0x1  }
0x34e: {  	vm0 =	vmmov vm0;
	_ =	sdelay $0x1  }
0x34f: {  	v8 =	vadd.s32 s30, v3  }
0x350: {  	v6 =	vnsel vm0, $0x0, v6  }
0x351: {  	v6 =	vadd.f32 v6, v51;
	_ =	sdelay $0x1  }
0x352: {  	[tilespmem:v7+s21+$0x0] =	vst.idx.msk vm0, v6  }
0x353: {  	v7 =	vld.idx.msk [tilespmem:v8+s15+$0x0], vm0;
	_ =	sdelay $0x3  }
0x354: {  	v63 =	vadd.s32 s30, v4  }
0x355: {  	v7 =	vnsel vm0, $0x0, v7  }
0x356: {  	v7 =	vadd.f32 v7, v11;
	_ =	sdelay $0x1  }
0x357: {  	[tilespmem:v8+s21+$0x0] =	vst.idx.msk vm0, v7  }
0x358: {  	v8 =	vld.idx.msk [tilespmem:v63+s15+$0x0], vm0;
	_ =	sdelay $0x3  }
0x359: {  	v10 =	vadd.s32 s30, v5  }
0x35a: {  	v8 =	vnsel vm0, $0x0, v8  }
0x35b: {  	v8 =	vadd.f32 v8, v9;
	_ =	sdelay $0x1  }
0x35c: {  	[tilespmem:v63+s21+$0x0] =	vst.idx.msk vm0, v8  }
0x35d: {  	v9 =	vld.idx.msk [tilespmem:v10+s15+$0x0], vm0;
	_ =	sdelay $0x1  }
0x35e: {  	s31 =	simm.s32 $0x1  }
0x35f: {  	s0 =	simm.s32 $0x101;
	v11 =	vmov s31  }
0x360: {  	vm1 =	vlt.s32 v11, v0;
	v11 =	vadd.s32 s0, v1  }
0x361: {  	v9 =	vnsel vm0, $0x0, v9  }
0x362: {  	s1 =	simm.s32 $0x2;
	v9 =	vadd.f32 v9, v62  }
.LBB2_30:
0x363: {  	_ = 	snop  }
0x364: {  	p0 =	sne.s32 s1, $0xE;
	s4 =	smov.u32 s1;
	s1 =	sadd.s32 $0x1, s1;
	[tilespmem:v10+s21+$0x0] =	vst.idx.msk vm0, v9;
	vm0 =	vmmov vm1  }
0x365: {  	v10 =	vld.idx.msk [tilespmem:v11+s15+$0x0], vm1;
	_ =	sdelay $0x4  }
0x366: {  	v12 =	vadd.s32 s0, v3  }
0x367: {  	v10 =	vnsel vm0, $0x0, v10  }
0x368: {  	v6 =	vadd.f32 v10, v6;
	_ =	sdelay $0x1  }
0x369: {  	[tilespmem:v11+s21+$0x0] =	vst.idx.msk vm1, v6  }
0x36a: {  	v10 =	vld.idx.msk [tilespmem:v12+s15+$0x0], vm1;
	_ =	sdelay $0x4  }
0x36b: {  	v11 =	vadd.s32 s0, v4  }
0x36c: {  	v10 =	vnsel vm0, $0x0, v10  }
0x36d: {  	v7 =	vadd.f32 v10, v7;
	_ =	sdelay $0x1  }
0x36e: {  	[tilespmem:v12+s21+$0x0] =	vst.idx.msk vm1, v7  }
0x36f: {  	v12 =	vld.idx.msk [tilespmem:v11+s15+$0x0], vm1;
	_ =	sdelay $0x4  }
0x370: {  	v10 =	vadd.s32 s0, v5  }
0x371: {  	v12 =	vnsel vm0, $0x0, v12  }
0x372: {  	v8 =	vadd.f32 v12, v8;
	_ =	sdelay $0x1  }
0x373: {  	[tilespmem:v11+s21+$0x0] =	vst.idx.msk vm1, v8  }
0x374: {  	v12 =	vld.idx.msk [tilespmem:v10+s15+$0x0], vm1;
	_ =	sdelay $0x2  }
.Ltmp16:
0x375: {  	v11 =	vmov s4;
	(pc) =	sbr.rel @p0 .LBB2_30-.Ltmp16, $4  }
0x376: {  	s0 =	sadd.s32 $0x100, s4;
	vm1 =	vlt.s32 v11, v0  }
0x377: {  	v11 =	vadd.s32 s0, v1  }
0x378: {  	v12 =	vnsel vm0, $0x0, v12  }
0x379: {  	v9 =	vadd.f32 v12, v9  }
0x37a: {  	_ =	sdelay $0x4  }
0x37b: {  	[tilespmem:v10+s21+$0x0] =	vst.idx.msk vm0, v9  }
0x37c: {  	v10 =	vld.idx.msk [tilespmem:v11+s15+$0x0], vm1;
	_ =	sdelay $0x3  }
0x37d: {  	vm15 =	vmmov vm1;
	v12 =	vadd.s32 s0, v3  }
0x37e: {  	v10 =	vnsel vm15, $0x0, v10  }
0x37f: {  	v6 =	vadd.f32 v10, v6;
	_ =	sdelay $0x1  }
0x380: {  	[tilespmem:v11+s21+$0x0] =	vst.idx.msk vm1, v6  }
0x381: {  	v6 =	vld.idx.msk [tilespmem:v12+s15+$0x0], vm1;
	_ =	sdelay $0x3  }
0x382: {  	v63 =	vadd.s32 s0, v4  }
0x383: {  	v6 =	vnsel vm15, $0x0, v6  }
0x384: {  	v6 =	vadd.f32 v6, v7;
	_ =	sdelay $0x1  }
0x385: {  	[tilespmem:v12+s21+$0x0] =	vst.idx.msk vm1, v6  }
0x386: {  	v6 =	vld.idx.msk [tilespmem:v63+s15+$0x0], vm1;
	_ =	sdelay $0x3  }
0x387: {  	v7 =	vadd.s32 s0, v5  }
0x388: {  	v6 =	vnsel vm15, $0x0, v6  }
0x389: {  	v6 =	vadd.f32 v6, v8;
	_ =	sdelay $0x1  }
0x38a: {  	[tilespmem:v63+s21+$0x0] =	vst.idx.msk vm1, v6  }
0x38b: {  	v6 =	vld.idx.msk [tilespmem:v7+s15+$0x0], vm1;
	_ =	sdelay $0x4  }
0x38c: {  	v6 =	vnsel vm15, $0x0, v6  }
0x38d: {  	v6 =	vadd.f32 v6, v9;
	_ =	sdelay $0x1  }
0x38e: {  	s24 =	sadd.s32 $0x1, s24;
	[tilespmem:v7+s21+$0x0] =	vst.idx.msk vm1, v6  }
0x38f: {  	[hbm4b:s13+s2] =	stream.linear.scatter [tilespmem:s21], [sflag:$0x4], $0x4000, $0x38;
	[tilespmem:$0x10300] =	vst v63  }
0x390: {  	p0 =	sne.s32 s24, s14;
	_ =	swait.ge [sflag:s22], $0x4000  }
.Ltmp17:
0x391: {  	[sflag:s22] =	ssyncset.done $0x0;
	(pc) =	sbr.rel @p0 .LBB2_1-.Ltmp17, $4  }
.Ltmp18:
0x392: {  	[sflag:s22] =	ssyncadd.s32 $0xFFFFC000;
	(pc) =	sbr.rel @!p0 .LBB2_32-.Ltmp18, $4  }
0x393: {  	_ =	swait.ge [sflag:s23], $0x4000  }
0x394: {  	[sflag:s23] =	ssyncset.done $0x0  }
0x395: {  	[sflag:s23] =	ssyncadd.s32 $0xFFFFC000  }
0x396: {  	_ = 	snop  }
.LBB2_8:
.Ltmp19:
0x397: {  	(pc) =	sbr.rel .LBB2_11-.Ltmp19, $2  }
0x398: {  	_ =	sdelay $0x2  }
0x399: {  	_ = 	snop  }
.LBB2_22:
.Ltmp20:
0x39a: {  	(pc) =	sbr.rel .LBB2_25-.Ltmp20, $2  }
0x39b: {  	_ =	sdelay $0x2  }
0x39c: {  	_ = 	snop  }
.LBB2_32:
0x39d: {  	_ =	sfence.sel $0x180000  }
0x39e: {  	[bflag:$0x0] =	sbarrier.arrive $0xFFFF  }
0x39f: {  	_ =	strace $0x9000004A  }
0x3a0: {  	s0 =	stileid.u32;
	[bflag:$0x2] =	sbarrier.arrive $0xFFFF  }
0x3a1: {  	p0 =	sne.s32 s0, $0x0;
	s0 =	rddreg [dreg:$0x3]  }
0x3a2: {  	s0 =	sadd.s32 @!p0 $0x100000, s0  }
0x3a3: {  	[sflag:s0] =	ssyncadd.tile.s32 @!p0 $0x1;
	_ =	shalt  }
.Lfunc_end2:
_tile_overlayer_lowered:
.L_overlay_start_2:
0x3a4: {  	(tag) =	ssettag $0x2  }
0x3a5: {  	s0 =	rddreg [dreg:$0x0];
	s2 =	stileid.u32  }
0x3a6: {  	s1 =	rddreg [dreg:$0x1];
	p0 =	sne.s32 s2, $0x0  }
0x3a7: {  	s3 =	rddreg [dreg:$0x2];
	[bflag:$0x3] =	sbarrier.arrive $0xFFFF;
	s2 =	simm.s32 @!p0 $0x1C05  }
0x3a8: {  	[timem:s3], [sflag:s2] =	dma.local @!p0 [hbm:s0], s1  }
0x3a9: {  	s0 =	simm.s32 @!p0 $0x5  }
0x3aa: {  	_ =	swait.ge @!p0 [sflag:s0], s1  }
0x3ab: {  	s1 =	ssub.s32 @!p0 $0x0, s1;
	[sflag:s0] =	ssyncset.done @!p0 $0x0  }
0x3ac: {  	[sflag:s0] =	ssyncadd.s32 @!p0 s1  }
0x3ad: {  	[bflag:$0x3] =	sbarrier.arrive $0xFFFF  }
0x3ae: {  	_ =	shalt  }

</sc_bundles>
